<compile_context>
chip_gen: v7x
topology: tpu7x:2x2x1
jax: 0.10.2.dev20260603
libtpu: 0.0.44.dev20260713+nightly
codegen_flags: <defaults>
</compile_context>

<pallas_src>
import jax
import jax.numpy as jnp
from jax import lax
from jax.experimental import pallas as pl
from jax.experimental.pallas import tpu as pltpu
from jax.experimental.pallas import tpu_sc as plsc

_NT = 16
_GC = 64


def _sc_stage(ei, ew, w_pad, attr_pad, table):
    npad = w_pad.shape[0]
    n_edges = ei.shape[1]
    nchunks_e = n_edges // 128
    base_ch = nchunks_e // _NT
    n_extra = nchunks_e - base_ch * _NT
    ept = (base_ch + 1) * 128
    rpt = npad // _NT
    f32 = jnp.float32

    mesh = plsc.VectorSubcoreMesh(core_axis_name="c", subcore_axis_name="s")

    def body(ei_hbm, ew_hbm, w_hbm, attr_hbm, table_hbm,
             s_hbm, t_hbm, emb_hbm,
             eb2_v, wb_v, g_v, acc_v, red_v,
             wc_v, cc_v, rc_v, gc_v,
             idx_v, rows_v, rows2_v,
             parts_sh, gfull_sh, zeros_sh,
             sem_g0, sem_g1, sem_o0, sem_o1, sem_e0, sem_e1):
        cid = lax.axis_index("c")
        tid = lax.axis_index("s")

        @pl.when(cid == 0)
        def _edge_passes():
            main_e = base_ch * 128
            ebase = tid * main_e + 128 * jnp.minimum(tid, n_extra)
            has_extra = tid < n_extra
            nbase = tid * rpt
            pltpu.sync_copy(ei_hbm.at[:, pl.ds(ebase, main_e)],
                            eb2_v.at[:, pl.ds(0, main_e)])
            h_ew = pltpu.async_copy(ew_hbm.at[pl.ds(ebase, main_e)],
                                    wb_v.at[pl.ds(0, main_e)], sem_e1)

            @pl.when(has_extra)
            def _extra_loads():
                pltpu.sync_copy(ei_hbm.at[:, pl.ds(ebase + main_e, 128)],
                                eb2_v.at[:, pl.ds(main_e, 128)])
                pltpu.sync_copy(ew_hbm.at[pl.ds(ebase + main_e, 128)],
                                wb_v.at[pl.ds(main_e, 128)])
            pltpu.sync_copy(w_hbm.at[pl.ds(nbase, rpt)], wc_v)

            zero16 = jnp.zeros((16,), f32)
            ones16 = jnp.ones((16,), f32)

            def zero_acc():
                def zb(i, c):
                    acc_v[pl.ds(i * 16, 16)] = zero16
                    return c
                lax.fori_loop(0, npad // 16, zb, 0)

            def reduce_to(chunk_ref):
                pltpu.sync_copy(acc_v, parts_sh.at[tid])
                plsc.subcore_barrier()
                pltpu.sync_copy(parts_sh.at[:, pl.ds(nbase, rpt)], red_v)
                plsc.subcore_barrier()

                @plsc.parallel_loop(0, rpt // 32)
                def _rb(j):
                    sl0 = pl.ds(j * 32, 16)
                    sl1 = pl.ds(j * 32 + 16, 16)
                    v0 = red_v[0, sl0]
                    v1 = red_v[0, sl1]
                    for k in range(1, _NT):
                        v0 = v0 + red_v[k, sl0]
                        v1 = v1 + red_v[k, sl1]
                    chunk_ref[sl0] = v0
                    chunk_ref[sl1] = v1

            def share_g(num_ref):
                def gb(j, c):
                    sl = pl.ds(j * 16, 16)
                    gc_v[sl] = num_ref[sl] / jnp.maximum(cc_v[sl], 1.0)
                    return c
                lax.fori_loop(0, rpt // 16, gb, 0)
                pltpu.sync_copy(gc_v, gfull_sh.at[pl.ds(nbase, rpt)])
                plsc.subcore_barrier()
                pltpu.sync_copy(gfull_sh, g_v)

            zero_acc()

            @pl.when(tid == 0)
            def _stash_zeros():
                pltpu.sync_copy(acc_v, zeros_sh)

            unroll = 8

            def p0(i, c):
                sls = [pl.ds((i * unroll + u) * 16, 16) for u in range(unroll)]
                ds_ = [eb2_v[1, sl] for sl in sls]
                for d in ds_:
                    plsc.addupdate_scatter(acc_v, [d], ones16)
                return c
            @plsc.parallel_loop(0, base_ch)
            def _p0_loop(i):
                p0(i, 0)

            @pl.when(has_extra)
            def _p0_extra():
                p0(base_ch, 0)
            h_ew.wait()
            reduce_to(cc_v)
            share_g(wc_v)

            def edge_pass(i, c):
                sls = [pl.ds((i * unroll + u) * 16, 16) for u in range(unroll)]
                ds_ = [eb2_v[1, sl] for sl in sls]
                gs_ = [plsc.load_gather(g_v, [d]) for d in ds_]
                es_ = [wb_v[sl] for sl in sls]
                ss_ = [eb2_v[0, sl] for sl in sls]
                vals = [g * e for g, e in zip(gs_, es_)]
                for s_, v in zip(ss_, vals):
                    plsc.addupdate_scatter(acc_v, [s_], v)
                return c

            def run_edge_pass():
                @plsc.parallel_loop(0, base_ch)
                def _ep(i):
                    edge_pass(i, 0)

                @pl.when(has_extra)
                def _extra():
                    edge_pass(base_ch, 0)

            pltpu.sync_copy(zeros_sh, acc_v)
            run_edge_pass()
            reduce_to(rc_v)
            pltpu.sync_copy(rc_v, s_hbm.at[pl.ds(nbase, rpt)])
            share_g(rc_v)

            pltpu.sync_copy(zeros_sh, acc_v)
            run_edge_pass()
            reduce_to(rc_v)
            pltpu.sync_copy(rc_v, t_hbm.at[pl.ds(nbase, rpt)])

        @pl.when(cid == 1)
        def _emb_gather():
            r0 = tid * rpt
            nchunks = rpt // _GC
            pltpu.sync_copy(attr_hbm.at[pl.ds(r0, rpt)], idx_v)
            rowsb = [rows_v, rows2_v]
            gsem = [sem_g0, sem_g1]
            osem = [sem_o0, sem_o1]
            gh = [None, None]
            oh = [None, None]
            gh[0] = pltpu.async_copy(
                table_hbm.at[idx_v.at[pl.ds(0, _GC)]], rows_v, sem_g0)
            for j in range(nchunks):
                p = j % 2
                q = 1 - p
                if j + 1 < nchunks:
                    if oh[q] is not None:
                        oh[q].wait()
                    gh[q] = pltpu.async_copy(
                        table_hbm.at[idx_v.at[pl.ds((j + 1) * _GC, _GC)]],
                        rowsb[q], gsem[q])
                gh[p].wait()
                oh[p] = pltpu.async_copy(
                    rowsb[p], emb_hbm.at[pl.ds(r0 + j * _GC, _GC), :], osem[p])
            for p in range(2):
                if oh[p] is not None:
                    oh[p].wait()

    call = pl.kernel(
        body,
        mesh=mesh,
        compiler_params=pltpu.CompilerParams(needs_layout_passes=False),
        out_type=[
            jax.ShapeDtypeStruct((npad,), f32),
            jax.ShapeDtypeStruct((npad,), f32),
            jax.ShapeDtypeStruct((npad, 128), f32),
        ],
        scratch_types=[
            pltpu.VMEM((2, ept), jnp.int32),
            pltpu.VMEM((ept,), f32),
            pltpu.VMEM((npad,), f32),
            pltpu.VMEM((npad,), f32),
            pltpu.VMEM((_NT, rpt), f32),
            pltpu.VMEM((rpt,), f32),
            pltpu.VMEM((rpt,), f32),
            pltpu.VMEM((rpt,), f32),
            pltpu.VMEM((rpt,), f32),
            pltpu.VMEM((rpt,), jnp.int32),
            pltpu.VMEM((_GC, 128), f32),
            pltpu.VMEM((_GC, 128), f32),
            pltpu.VMEM_SHARED((_NT, npad), f32),
            pltpu.VMEM_SHARED((npad,), f32),
            pltpu.VMEM_SHARED((npad,), f32),
            pltpu.SemaphoreType.DMA,
            pltpu.SemaphoreType.DMA,
            pltpu.SemaphoreType.DMA,
            pltpu.SemaphoreType.DMA,
            pltpu.SemaphoreType.DMA,
            pltpu.SemaphoreType.DMA,
        ],
    )
    return call(ei, ew, w_pad, attr_pad, table)


def _tc_body(emb_ref, w_ref, s_ref, t_ref, ws1_ref, wn1_ref, b1_ref,
             ws2_ref, wn2_ref, b2_ref, out_ref):
    hi = jax.lax.Precision.HIGHEST

    def dot(a, b):
        return lax.dot_general(a, b, (((1,), (0,)), ((), ())),
                               precision=hi, preferred_element_type=jnp.float32)

    emb = emb_ref[:, :]
    ssq = jnp.sum(emb * emb, axis=1, keepdims=True)
    scale = jnp.minimum(1.0, lax.rsqrt(jnp.maximum(ssq, 1e-30)))
    m = emb * scale
    w = w_ref[:, :]
    s = s_ref[:, :]
    t = t_ref[:, :]
    q = jnp.concatenate([w * w, s * w, t * w], axis=0)
    abc = dot(q, m)
    a_, b_, c_ = abc[0:1], abc[1:2], abc[2:3]
    sw = jnp.sum(w)
    ss = jnp.sum(s)
    b1 = b1_ref[:, :]
    b2 = b2_ref[:, :]
    u = dot(a_, ws1_ref[:, :]) + sw * b1 + dot(b_, wn1_ref[:, :])
    v = dot(b_, ws1_ref[:, :]) + ss * b1 + dot(c_, wn1_ref[:, :])
    out_ref[:, :] = (dot(u, ws2_ref[:, :]) + sw * b2 + dot(v, wn2_ref[:, :])) / sw


def kernel(node_attr, node_w, edge_index, edge_w, embed_table,
           W_self1, W_neigh1, b1, W_self2, W_neigh2, b2):
    n = node_attr.shape[0]
    npad = ((n + 16 * _GC - 1) // (16 * _GC)) * (16 * _GC)
    pad = npad - n

    attr = node_attr.astype(jnp.int32)
    attr_pad = jnp.concatenate([attr, jnp.zeros((pad,), jnp.int32)])
    w = node_w.reshape(-1).astype(jnp.float32)
    w_pad = jnp.concatenate([w, jnp.zeros((pad,), jnp.float32)])
    ei = edge_index.astype(jnp.int32)
    ew = edge_w.astype(jnp.float32)

    s, t, emb_dense = _sc_stage(ei, ew, w_pad, attr_pad, embed_table)

    out = pl.pallas_call(
        _tc_body,
        out_shape=jax.ShapeDtypeStruct((1, 32), jnp.float32),
    )(emb_dense, w_pad.reshape(1, -1), s.reshape(1, -1), t.reshape(1, -1),
      W_self1, W_neigh1, b1.reshape(1, -1), W_self2, W_neigh2, b2.reshape(1, -1))
    return out

# --- scband reference (transcript-rebuilt; emitter-appended) ---
"""Pipeline reference for scband-sagegraph-85203561218589 (READ-ONLY COPY).

The authoritative reference and input builder live on the scoring server;
editing this copy changes nothing except your own understanding.
"""

import jax, jax.numpy as jnp
import numpy as np

N_NODES = 10000
N_EDGES = 320000
VOCAB = 100000
IN_FEATS = 128
H_FEATS = 128
NUM_CLASSES = 32


def setup_inputs(seed: int = 0) -> dict:
    key = jax.random.key(seed)
    ks = jax.random.split(key, 12)
    node_attr = jax.random.randint(ks[0], (N_NODES,), 0, VOCAB, dtype=jnp.int64) if jax.config.jax_enable_x64 else jax.random.randint(ks[0], (N_NODES,), 0, VOCAB).astype(jnp.int32)
    node_w = jax.random.uniform(ks[1], (N_NODES, 1), dtype=jnp.float32)
    edge_index = jax.random.randint(ks[2], (2, N_EDGES), 0, N_NODES).astype(jnp.int32)
    edge_w = jax.random.uniform(ks[3], (N_EDGES,), dtype=jnp.float32)
    embed_table = jax.random.normal(ks[4], (VOCAB, IN_FEATS), dtype=jnp.float32)
    s1 = 1.0 / np.sqrt(IN_FEATS)
    s2 = 1.0 / np.sqrt(H_FEATS)
    W_self1 = jax.random.uniform(ks[5], (IN_FEATS, H_FEATS), minval=-s1, maxval=s1, dtype=jnp.float32)
    W_neigh1 = jax.random.uniform(ks[6], (IN_FEATS, H_FEATS), minval=-s1, maxval=s1, dtype=jnp.float32)
    b1 = jax.random.uniform(ks[7], (H_FEATS,), minval=-s1, maxval=s1, dtype=jnp.float32)
    W_self2 = jax.random.uniform(ks[8], (H_FEATS, NUM_CLASSES), minval=-s2, maxval=s2, dtype=jnp.float32)
    W_neigh2 = jax.random.uniform(ks[9], (H_FEATS, NUM_CLASSES), minval=-s2, maxval=s2, dtype=jnp.float32)
    b2 = jax.random.uniform(ks[10], (NUM_CLASSES,), minval=-s2, maxval=s2, dtype=jnp.float32)
    return {"node_attr": node_attr, "node_w": node_w, "edge_index": edge_index, "edge_w": edge_w,
            "embed_table": embed_table, "W_self1": W_self1, "W_neigh1": W_neigh1, "b1": b1,
            "W_self2": W_self2, "W_neigh2": W_neigh2, "b2": b2}


def _sage_conv(h, src, dst, edge_w, W_self, W_neigh, b, n_nodes):
    # DGL SAGEConv, aggregator_type='mean', with edge_weight:
    # neigh = mean over incoming edges of (edge_w * h_src); rst = fc_self(h) + fc_neigh(neigh)
    # (fc_neigh is linear, so applying it before or after the mean is mathematically identical)
    msg = h[src] * edge_w[:, None]
    agg = jax.ops.segment_sum(msg, dst, num_segments=n_nodes)
    cnt = jax.ops.segment_sum(jnp.ones_like(edge_w), dst, num_segments=n_nodes)
    neigh = agg / jnp.maximum(cnt, 1.0)[:, None]
    return h @ W_self + b + neigh @ W_neigh


def reference(node_attr, node_w, edge_index, edge_w, embed_table, W_self1, W_neigh1, b1, W_self2, W_neigh2, b2):
    n_nodes = node_attr.shape[0]
    # nn.Embedding with max_norm=1.0: rows with L2 norm > 1 are renormalized to norm 1
    emb = jnp.take(embed_table, node_attr, axis=0)
    norm = jnp.linalg.norm(emb, axis=-1, keepdims=True)
    emb = emb * (1.0 / jnp.maximum(norm, 1.0))
    h = emb * node_w  # ndata['w'] broadcast multiply
    # dropout(p=0.4) is identity in eval mode
    src = edge_index[0]
    dst = edge_index[1]
    h = _sage_conv(h, src, dst, edge_w, W_self1, W_neigh1, b1, n_nodes)
    h = _sage_conv(h, src, dst, edge_w, W_self2, W_neigh2, b2, n_nodes)
    # dgl.mean_nodes(g, 'h', weight='w') on a single graph: weighted mean readout -> [1, num_classes]
    wsum = jnp.sum(node_w)
    out = jnp.sum(h * node_w, axis=0, keepdims=True) / wsum
    return out

if __name__ == "__main__":
    import jax
    _d = setup_inputs()
    print(jax.jit(kernel)(*tuple(_d.values())))

</pallas_src>

<mosaic_0001>
#map = affine_map<(d0, d1) -> (0, 0)>
#map1 = affine_map<(d0, d1) -> (0)>
module attributes {stable_mosaic.version = 14 : i64} {
  func.func @body(%arg0: i32, %arg1: i32, %arg2: memref<2x320000xi32, #tpu.memory_space<hbm>>, %arg3: memref<320000xf32, #tpu.memory_space<hbm>>, %arg4: memref<10240xf32, #tpu.memory_space<hbm>>, %arg5: memref<10240xi32, #tpu.memory_space<hbm>>, %arg6: memref<100000x128xf32, #tpu.memory_space<hbm>>, %arg7: memref<10240xf32, #tpu.memory_space<hbm>>, %arg8: memref<10240xf32, #tpu.memory_space<hbm>>, %arg9: memref<10240x128xf32, #tpu.memory_space<hbm>>, %arg10: memref<2x20096xi32, #tpu.memory_space<vmem>>, %arg11: memref<20096xf32, #tpu.memory_space<vmem>>, %arg12: memref<10240xf32, #tpu.memory_space<vmem>>, %arg13: memref<10240xf32, #tpu.memory_space<vmem>>, %arg14: memref<16x640xf32, #tpu.memory_space<vmem>>, %arg15: memref<640xf32, #tpu.memory_space<vmem>>, %arg16: memref<640xf32, #tpu.memory_space<vmem>>, %arg17: memref<640xf32, #tpu.memory_space<vmem>>, %arg18: memref<640xf32, #tpu.memory_space<vmem>>, %arg19: memref<640xi32, #tpu.memory_space<vmem>>, %arg20: memref<64x128xf32, #tpu.memory_space<vmem>>, %arg21: memref<64x128xf32, #tpu.memory_space<vmem>>, %arg22: memref<16x10240xf32, #tpu.memory_space<vmem_shared>>, %arg23: memref<10240xf32, #tpu.memory_space<vmem_shared>>, %arg24: memref<10240xf32, #tpu.memory_space<vmem_shared>>, %arg25: memref<!tpu.dma_semaphore, #tpu.memory_space<semaphore_mem>>, %arg26: memref<!tpu.dma_semaphore, #tpu.memory_space<semaphore_mem>>, %arg27: memref<!tpu.dma_semaphore, #tpu.memory_space<semaphore_mem>>, %arg28: memref<!tpu.dma_semaphore, #tpu.memory_space<semaphore_mem>>, %arg29: memref<!tpu.dma_semaphore, #tpu.memory_space<semaphore_mem>>, %arg30: memref<!tpu.dma_semaphore, #tpu.memory_space<semaphore_mem>>) attributes {dimension_semantics = [#tpu.dimension_semantics<core_parallel>, #tpu.dimension_semantics<subcore_parallel>], iteration_bounds = array<i64: 2, 16>, scalar_prefetch = 0 : i64, scratch_operands = 21 : i64, tpu.core_type = #tpu.core_type<sc_vector_subcore>, window_params = [{transform_indices = #map}, {transform_indices = #map1}, {transform_indices = #map1}, {transform_indices = #map1}, {transform_indices = #map}, {transform_indices = #map1}, {transform_indices = #map1}, {transform_indices = #map}]} {
    %eq3A = arith.constant 0 : i32
    %eq3A_0 = arith.cmpi eq, %arg0, %eq3A : i32
    %convert_element_type3A = arith.extui %eq3A_0 : i1 to i32
    %cond3A = arith.constant 0 : i32
    %cond3A_1 = arith.cmpi ne, %convert_element_type3A, %cond3A : i32
    scf.if %cond3A_1 {
      %mul3A = arith.constant 19968 : i32
      %mul3A_7 = arith.muli %arg1, %mul3A : i32
      %min3A = arith.constant 4 : i32
      %min3A_8 = arith.minsi %arg1, %min3A : i32
      %mul3A_9 = arith.constant 128 : i32
      %mul3A_10 = arith.muli %mul3A_9, %min3A_8 : i32
      %add3A = arith.addi %mul3A_7, %mul3A_10 : i32
      %lt3A = arith.constant 4 : i32
      %lt3A_11 = arith.cmpi slt, %arg1, %lt3A : i32
      %mul3A_12 = arith.constant 640 : i32
      %mul3A_13 = arith.muli %arg1, %mul3A_12 : i32
      "tpu.region"() ({
        %run_scoped3A = tpu.sem_alloc : memref<!tpu.dma_semaphore, #tpu.memory_space<semaphore_mem>>
        %dma_start3A_85 = arith.constant 0 : i32
        %dma_start3A_86 = arith.constant 0 : i32
        %dma_start3A_87 = tpu.memref_slice %arg10[%dma_start3A_85, %dma_start3A_86] : memref<2x20096xi32, #tpu.memory_space<vmem>> -> memref<2x19968xi32, #tpu.memory_space<vmem>>
        %dma_start3A_88 = arith.constant 0 : i32
        %dma_start3A_89 = tpu.memref_slice %arg2[%dma_start3A_88, %add3A] : memref<2x320000xi32, #tpu.memory_space<hbm>> -> memref<2x19968xi32, #tpu.memory_space<hbm>>
        %dma_start3A_90 = arith.constant 0 : i32
        %dma_start3A_91 = arith.constant 0 : i32
        %dma_start3A_92 = tpu.memref_slice %arg10[%dma_start3A_90, %dma_start3A_91] : memref<2x20096xi32, #tpu.memory_space<vmem>> -> memref<2x19968xi32, #tpu.memory_space<vmem>>
        %dma_start3A_93 = arith.constant 0 : i32
        %dma_start3A_94 = tpu.memref_slice %arg2[%dma_start3A_93, %add3A] : memref<2x320000xi32, #tpu.memory_space<hbm>> -> memref<2x19968xi32, #tpu.memory_space<hbm>>
        tpu.enqueue_dma source(%dma_start3A_94 : memref<2x19968xi32, #tpu.memory_space<hbm>>) target(%dma_start3A_92 : memref<2x19968xi32, #tpu.memory_space<vmem>>) target_semaphore(%run_scoped3A : memref<!tpu.dma_semaphore, #tpu.memory_space<semaphore_mem>>)
        %dma_wait3A_95 = arith.constant 0 : i32
        %dma_wait3A_96 = arith.constant 0 : i32
        %dma_wait3A_97 = tpu.memref_slice %arg10[%dma_wait3A_95, %dma_wait3A_96] : memref<2x20096xi32, #tpu.memory_space<vmem>> -> memref<2x19968xi32, #tpu.memory_space<vmem>>
        %dma_wait3A_98 = arith.constant 0 : i32
        %dma_wait3A_99 = tpu.memref_slice %arg2[%dma_wait3A_98, %add3A] : memref<2x320000xi32, #tpu.memory_space<hbm>> -> memref<2x19968xi32, #tpu.memory_space<hbm>>
        %dma_wait3A_100 = arith.constant 0 : i32
        %dma_wait3A_101 = arith.constant 0 : i32
        %dma_wait3A_102 = tpu.memref_slice %arg10[%dma_wait3A_100, %dma_wait3A_101] : memref<2x20096xi32, #tpu.memory_space<vmem>> -> memref<2x19968xi32, #tpu.memory_space<vmem>>
        %dma_wait3A_103 = arith.constant 0 : i32
        %dma_wait3A_104 = tpu.memref_slice %arg2[%dma_wait3A_103, %add3A] : memref<2x320000xi32, #tpu.memory_space<hbm>> -> memref<2x19968xi32, #tpu.memory_space<hbm>>
        tpu.wait_dma2 semaphore(%run_scoped3A : memref<!tpu.dma_semaphore, #tpu.memory_space<semaphore_mem>>) src(%dma_wait3A_104 : memref<2x19968xi32, #tpu.memory_space<hbm>>) dst(%dma_wait3A_102 : memref<2x19968xi32, #tpu.memory_space<vmem>>)
        tpu.yield
      }) : () -> ()
      %dma_start3A = arith.constant 0 : i32
      %dma_start3A_14 = tpu.memref_slice %arg11[%dma_start3A] : memref<20096xf32, #tpu.memory_space<vmem>> -> memref<19968xf32, #tpu.memory_space<vmem>>
      %dma_start3A_15 = tpu.memref_slice %arg3[%add3A] : memref<320000xf32, #tpu.memory_space<hbm>> -> memref<19968xf32, #tpu.memory_space<hbm>>
      %dma_start3A_16 = arith.constant 0 : i32
      %dma_start3A_17 = tpu.memref_slice %arg11[%dma_start3A_16] : memref<20096xf32, #tpu.memory_space<vmem>> -> memref<19968xf32, #tpu.memory_space<vmem>>
      %dma_start3A_18 = tpu.memref_slice %arg3[%add3A] : memref<320000xf32, #tpu.memory_space<hbm>> -> memref<19968xf32, #tpu.memory_space<hbm>>
      tpu.enqueue_dma source(%dma_start3A_18 : memref<19968xf32, #tpu.memory_space<hbm>>) target(%dma_start3A_17 : memref<19968xf32, #tpu.memory_space<vmem>>) target_semaphore(%arg30 : memref<!tpu.dma_semaphore, #tpu.memory_space<semaphore_mem>>)
      %convert_element_type3A_19 = arith.extui %lt3A_11 : i1 to i32
      %cond3A_20 = arith.constant 0 : i32
      %cond3A_21 = arith.cmpi ne, %convert_element_type3A_19, %cond3A_20 : i32
      scf.if %cond3A_21 {
        %add3A_85 = arith.constant 19968 : i32
        %add3A_86 = arith.addi %add3A, %add3A_85 : i32
        "tpu.region"() ({
          %run_scoped3A = tpu.sem_alloc : memref<!tpu.dma_semaphore, #tpu.memory_space<semaphore_mem>>
          %dma_start3A_89 = arith.constant 0 : i32
          %dma_start3A_90 = arith.constant 19968 : i32
          %dma_start3A_91 = tpu.memref_slice %arg10[%dma_start3A_89, %dma_start3A_90] : memref<2x20096xi32, #tpu.memory_space<vmem>> -> memref<2x128xi32, #tpu.memory_space<vmem>>
          %dma_start3A_92 = arith.constant 0 : i32
          %dma_start3A_93 = tpu.memref_slice %arg2[%dma_start3A_92, %add3A_86] : memref<2x320000xi32, #tpu.memory_space<hbm>> -> memref<2x128xi32, #tpu.memory_space<hbm>>
          %dma_start3A_94 = arith.constant 0 : i32
          %dma_start3A_95 = arith.constant 19968 : i32
          %dma_start3A_96 = tpu.memref_slice %arg10[%dma_start3A_94, %dma_start3A_95] : memref<2x20096xi32, #tpu.memory_space<vmem>> -> memref<2x128xi32, #tpu.memory_space<vmem>>
          %dma_start3A_97 = arith.constant 0 : i32
          %dma_start3A_98 = tpu.memref_slice %arg2[%dma_start3A_97, %add3A_86] : memref<2x320000xi32, #tpu.memory_space<hbm>> -> memref<2x128xi32, #tpu.memory_space<hbm>>
          tpu.enqueue_dma source(%dma_start3A_98 : memref<2x128xi32, #tpu.memory_space<hbm>>) target(%dma_start3A_96 : memref<2x128xi32, #tpu.memory_space<vmem>>) target_semaphore(%run_scoped3A : memref<!tpu.dma_semaphore, #tpu.memory_space<semaphore_mem>>)
          %dma_wait3A_99 = arith.constant 0 : i32
          %dma_wait3A_100 = arith.constant 19968 : i32
          %dma_wait3A_101 = tpu.memref_slice %arg10[%dma_wait3A_99, %dma_wait3A_100] : memref<2x20096xi32, #tpu.memory_space<vmem>> -> memref<2x128xi32, #tpu.memory_space<vmem>>
          %dma_wait3A_102 = arith.constant 0 : i32
          %dma_wait3A_103 = tpu.memref_slice %arg2[%dma_wait3A_102, %add3A_86] : memref<2x320000xi32, #tpu.memory_space<hbm>> -> memref<2x128xi32, #tpu.memory_space<hbm>>
          %dma_wait3A_104 = arith.constant 0 : i32
          %dma_wait3A_105 = arith.constant 19968 : i32
          %dma_wait3A_106 = tpu.memref_slice %arg10[%dma_wait3A_104, %dma_wait3A_105] : memref<2x20096xi32, #tpu.memory_space<vmem>> -> memref<2x128xi32, #tpu.memory_space<vmem>>
          %dma_wait3A_107 = arith.constant 0 : i32
          %dma_wait3A_108 = tpu.memref_slice %arg2[%dma_wait3A_107, %add3A_86] : memref<2x320000xi32, #tpu.memory_space<hbm>> -> memref<2x128xi32, #tpu.memory_space<hbm>>
          tpu.wait_dma2 semaphore(%run_scoped3A : memref<!tpu.dma_semaphore, #tpu.memory_space<semaphore_mem>>) src(%dma_wait3A_108 : memref<2x128xi32, #tpu.memory_space<hbm>>) dst(%dma_wait3A_106 : memref<2x128xi32, #tpu.memory_space<vmem>>)
          tpu.yield
        }) : () -> ()
        %add3A_87 = arith.constant 19968 : i32
        %add3A_88 = arith.addi %add3A, %add3A_87 : i32
        "tpu.region"() ({
          %run_scoped3A = tpu.sem_alloc : memref<!tpu.dma_semaphore, #tpu.memory_space<semaphore_mem>>
          %dma_start3A_89 = arith.constant 19968 : i32
          %dma_start3A_90 = tpu.memref_slice %arg11[%dma_start3A_89] : memref<20096xf32, #tpu.memory_space<vmem>> -> memref<128xf32, #tpu.memory_space<vmem>>
          %dma_start3A_91 = tpu.memref_slice %arg3[%add3A_88] : memref<320000xf32, #tpu.memory_space<hbm>> -> memref<128xf32, #tpu.memory_space<hbm>>
          %dma_start3A_92 = arith.constant 19968 : i32
          %dma_start3A_93 = tpu.memref_slice %arg11[%dma_start3A_92] : memref<20096xf32, #tpu.memory_space<vmem>> -> memref<128xf32, #tpu.memory_space<vmem>>
          %dma_start3A_94 = tpu.memref_slice %arg3[%add3A_88] : memref<320000xf32, #tpu.memory_space<hbm>> -> memref<128xf32, #tpu.memory_space<hbm>>
          tpu.enqueue_dma source(%dma_start3A_94 : memref<128xf32, #tpu.memory_space<hbm>>) target(%dma_start3A_93 : memref<128xf32, #tpu.memory_space<vmem>>) target_semaphore(%run_scoped3A : memref<!tpu.dma_semaphore, #tpu.memory_space<semaphore_mem>>)
          %dma_wait3A_95 = arith.constant 19968 : i32
          %dma_wait3A_96 = tpu.memref_slice %arg11[%dma_wait3A_95] : memref<20096xf32, #tpu.memory_space<vmem>> -> memref<128xf32, #tpu.memory_space<vmem>>
          %dma_wait3A_97 = tpu.memref_slice %arg3[%add3A_88] : memref<320000xf32, #tpu.memory_space<hbm>> -> memref<128xf32, #tpu.memory_space<hbm>>
          %dma_wait3A_98 = arith.constant 19968 : i32
          %dma_wait3A_99 = tpu.memref_slice %arg11[%dma_wait3A_98] : memref<20096xf32, #tpu.memory_space<vmem>> -> memref<128xf32, #tpu.memory_space<vmem>>
          %dma_wait3A_100 = tpu.memref_slice %arg3[%add3A_88] : memref<320000xf32, #tpu.memory_space<hbm>> -> memref<128xf32, #tpu.memory_space<hbm>>
          tpu.wait_dma2 semaphore(%run_scoped3A : memref<!tpu.dma_semaphore, #tpu.memory_space<semaphore_mem>>) src(%dma_wait3A_100 : memref<128xf32, #tpu.memory_space<hbm>>) dst(%dma_wait3A_99 : memref<128xf32, #tpu.memory_space<vmem>>)
          tpu.yield
        }) : () -> ()
      } else {
      }
      "tpu.region"() ({
        %run_scoped3A = tpu.sem_alloc : memref<!tpu.dma_semaphore, #tpu.memory_space<semaphore_mem>>
        %dma_start3A_85 = tpu.memref_slice %arg4[%mul3A_13] : memref<10240xf32, #tpu.memory_space<hbm>> -> memref<640xf32, #tpu.memory_space<hbm>>
        %dma_start3A_86 = tpu.memref_slice %arg4[%mul3A_13] : memref<10240xf32, #tpu.memory_space<hbm>> -> memref<640xf32, #tpu.memory_space<hbm>>
        tpu.enqueue_dma source(%dma_start3A_86 : memref<640xf32, #tpu.memory_space<hbm>>) target(%arg15 : memref<640xf32, #tpu.memory_space<vmem>>) target_semaphore(%run_scoped3A : memref<!tpu.dma_semaphore, #tpu.memory_space<semaphore_mem>>)
        %dma_wait3A_87 = tpu.memref_slice %arg4[%mul3A_13] : memref<10240xf32, #tpu.memory_space<hbm>> -> memref<640xf32, #tpu.memory_space<hbm>>
        %dma_wait3A_88 = tpu.memref_slice %arg4[%mul3A_13] : memref<10240xf32, #tpu.memory_space<hbm>> -> memref<640xf32, #tpu.memory_space<hbm>>
        tpu.wait_dma2 semaphore(%run_scoped3A : memref<!tpu.dma_semaphore, #tpu.memory_space<semaphore_mem>>) src(%dma_wait3A_88 : memref<640xf32, #tpu.memory_space<hbm>>) dst(%arg15 : memref<640xf32, #tpu.memory_space<vmem>>)
        tpu.yield
      }) : () -> ()
      %broadcast_in_dim3A = arith.constant 0.000000e+00 : f32
      %broadcast_in_dim3A_22 = vector.broadcast %broadcast_in_dim3A : f32 to vector<16xf32>
      %broadcast_in_dim3A_23 = arith.constant 1.000000e+00 : f32
      %broadcast_in_dim3A_24 = vector.broadcast %broadcast_in_dim3A_23 : f32 to vector<16xf32>
      %scan3A = arith.constant 0 : i32
      %scan3A_25 = arith.constant 0 : i32
      %scan3A_26 = arith.constant 640 : i32
      %scan3A_27 = arith.addi %scan3A_25, %scan3A_26 : i32
      %scan3A_28 = arith.constant 1 : i32
      scf.for %scan3A_85 = %scan3A_25 to %scan3A_27 step %scan3A_28  : i32 {
        %mul3A_86 = arith.constant 16 : i32
        %mul3A_87 = arith.muli %scan3A_85, %mul3A_86 : i32
        %swap3A = arith.index_cast %mul3A_87 : i32 to index
        %swap3A_88 = tpu.vector_load %arg13[%swap3A] {strides = array<i32>} : memref<10240xf32, #tpu.memory_space<vmem>>, vector<16xf32>,
        tpu.vector_store %arg13[%swap3A], %broadcast_in_dim3A_22 {strides = array<i32>} : memref<10240xf32, #tpu.memory_space<vmem>>, vector<16xf32>,
      }
      %scan3A_29 = arith.constant 640 : i32
      %eq3A_30 = arith.constant 0 : i32
      %eq3A_31 = arith.cmpi eq, %arg1, %eq3A_30 : i32
      %convert_element_type3A_32 = arith.extui %eq3A_31 : i1 to i32
      %cond3A_33 = arith.constant 0 : i32
      %cond3A_34 = arith.cmpi ne, %convert_element_type3A_32, %cond3A_33 : i32
      scf.if %cond3A_34 {
        "tpu.region"() ({
          %run_scoped3A = tpu.sem_alloc : memref<!tpu.dma_semaphore, #tpu.memory_space<semaphore_mem>>
          tpu.enqueue_dma source(%arg13 : memref<10240xf32, #tpu.memory_space<vmem>>) target(%arg24 : memref<10240xf32, #tpu.memory_space<vmem_shared>>) target_semaphore(%run_scoped3A : memref<!tpu.dma_semaphore, #tpu.memory_space<semaphore_mem>>)
          tpu.wait_dma2 semaphore(%run_scoped3A : memref<!tpu.dma_semaphore, #tpu.memory_space<semaphore_mem>>) src(%arg13 : memref<10240xf32, #tpu.memory_space<vmem>>) dst(%arg24 : memref<10240xf32, #tpu.memory_space<vmem_shared>>)
          tpu.yield
        }) : () -> ()
      } else {
      }
      %parallel_loop3A = arith.constant 0 : i32
      %parallel_loop3A_35 = arith.constant 156 : i32
      %parallel_loop3A_36 = arith.constant 1 : i32
      scf.for %parallel_loop3A_85 = %parallel_loop3A to %parallel_loop3A_35 step %parallel_loop3A_36  : i32 {
        %parallel_loop3A_86 = arith.constant 8 : i32
        %parallel_loop3A_87 = arith.muli %parallel_loop3A_85, %parallel_loop3A_86 : i32
        %parallel_loop3A_88 = arith.constant 0 : i32
        %parallel_loop3A_89 = arith.addi %parallel_loop3A_87, %parallel_loop3A_88 : i32
        %parallel_loop3A_90 = arith.constant 16 : i32
        %parallel_loop3A_91 = arith.muli %parallel_loop3A_89, %parallel_loop3A_90 : i32
        %parallel_loop3A_92 = arith.constant 8 : i32
        %parallel_loop3A_93 = arith.muli %parallel_loop3A_85, %parallel_loop3A_92 : i32
        %parallel_loop3A_94 = arith.constant 1 : i32
        %parallel_loop3A_95 = arith.addi %parallel_loop3A_93, %parallel_loop3A_94 : i32
        %parallel_loop3A_96 = arith.constant 16 : i32
        %parallel_loop3A_97 = arith.muli %parallel_loop3A_95, %parallel_loop3A_96 : i32
        %parallel_loop3A_98 = arith.constant 8 : i32
        %parallel_loop3A_99 = arith.muli %parallel_loop3A_85, %parallel_loop3A_98 : i32
        %parallel_loop3A_100 = arith.constant 2 : i32
        %parallel_loop3A_101 = arith.addi %parallel_loop3A_99, %parallel_loop3A_100 : i32
        %parallel_loop3A_102 = arith.constant 16 : i32
        %parallel_loop3A_103 = arith.muli %parallel_loop3A_101, %parallel_loop3A_102 : i32
        %parallel_loop3A_104 = arith.constant 8 : i32
        %parallel_loop3A_105 = arith.muli %parallel_loop3A_85, %parallel_loop3A_104 : i32
        %parallel_loop3A_106 = arith.constant 3 : i32
        %parallel_loop3A_107 = arith.addi %parallel_loop3A_105, %parallel_loop3A_106 : i32
        %parallel_loop3A_108 = arith.constant 16 : i32
        %parallel_loop3A_109 = arith.muli %parallel_loop3A_107, %parallel_loop3A_108 : i32
        %parallel_loop3A_110 = arith.constant 8 : i32
        %parallel_loop3A_111 = arith.muli %parallel_loop3A_85, %parallel_loop3A_110 : i32
        %parallel_loop3A_112 = arith.constant 4 : i32
        %parallel_loop3A_113 = arith.addi %parallel_loop3A_111, %parallel_loop3A_112 : i32
        %parallel_loop3A_114 = arith.constant 16 : i32
        %parallel_loop3A_115 = arith.muli %parallel_loop3A_113, %parallel_loop3A_114 : i32
        %parallel_loop3A_116 = arith.constant 8 : i32
        %parallel_loop3A_117 = arith.muli %parallel_loop3A_85, %parallel_loop3A_116 : i32
        %parallel_loop3A_118 = arith.constant 5 : i32
        %parallel_loop3A_119 = arith.addi %parallel_loop3A_117, %parallel_loop3A_118 : i32
        %parallel_loop3A_120 = arith.constant 16 : i32
        %parallel_loop3A_121 = arith.muli %parallel_loop3A_119, %parallel_loop3A_120 : i32
        %parallel_loop3A_122 = arith.constant 8 : i32
        %parallel_loop3A_123 = arith.muli %parallel_loop3A_85, %parallel_loop3A_122 : i32
        %parallel_loop3A_124 = arith.constant 6 : i32
        %parallel_loop3A_125 = arith.addi %parallel_loop3A_123, %parallel_loop3A_124 : i32
        %parallel_loop3A_126 = arith.constant 16 : i32
        %parallel_loop3A_127 = arith.muli %parallel_loop3A_125, %parallel_loop3A_126 : i32
        %parallel_loop3A_128 = arith.constant 8 : i32
        %parallel_loop3A_129 = arith.muli %parallel_loop3A_85, %parallel_loop3A_128 : i32
        %parallel_loop3A_130 = arith.constant 7 : i32
        %parallel_loop3A_131 = arith.addi %parallel_loop3A_129, %parallel_loop3A_130 : i32
        %parallel_loop3A_132 = arith.constant 16 : i32
        %parallel_loop3A_133 = arith.muli %parallel_loop3A_131, %parallel_loop3A_132 : i32
        %parallel_loop3A_134 = arith.constant 1 : i32
        %parallel_loop3A_135 = arith.index_cast %parallel_loop3A_134 : i32 to index
        %parallel_loop3A_136 = arith.index_cast %parallel_loop3A_91 : i32 to index
        %parallel_loop3A_137 = tpu.vector_load %arg10[%parallel_loop3A_135, %parallel_loop3A_136] {strides = array<i32>} : memref<2x20096xi32, #tpu.memory_space<vmem>>, vector<16xi32>,
        %parallel_loop3A_138 = arith.constant 1 : i32
        %parallel_loop3A_139 = arith.index_cast %parallel_loop3A_138 : i32 to index
        %parallel_loop3A_140 = arith.index_cast %parallel_loop3A_97 : i32 to index
        %parallel_loop3A_141 = tpu.vector_load %arg10[%parallel_loop3A_139, %parallel_loop3A_140] {strides = array<i32>} : memref<2x20096xi32, #tpu.memory_space<vmem>>, vector<16xi32>,
        %parallel_loop3A_142 = arith.constant 1 : i32
        %parallel_loop3A_143 = arith.index_cast %parallel_loop3A_142 : i32 to index
        %parallel_loop3A_144 = arith.index_cast %parallel_loop3A_103 : i32 to index
        %parallel_loop3A_145 = tpu.vector_load %arg10[%parallel_loop3A_143, %parallel_loop3A_144] {strides = array<i32>} : memref<2x20096xi32, #tpu.memory_space<vmem>>, vector<16xi32>,
        %parallel_loop3A_146 = arith.constant 1 : i32
        %parallel_loop3A_147 = arith.index_cast %parallel_loop3A_146 : i32 to index
        %parallel_loop3A_148 = arith.index_cast %parallel_loop3A_109 : i32 to index
        %parallel_loop3A_149 = tpu.vector_load %arg10[%parallel_loop3A_147, %parallel_loop3A_148] {strides = array<i32>} : memref<2x20096xi32, #tpu.memory_space<vmem>>, vector<16xi32>,
        %parallel_loop3A_150 = arith.constant 1 : i32
        %parallel_loop3A_151 = arith.index_cast %parallel_loop3A_150 : i32 to index
        %parallel_loop3A_152 = arith.index_cast %parallel_loop3A_115 : i32 to index
        %parallel_loop3A_153 = tpu.vector_load %arg10[%parallel_loop3A_151, %parallel_loop3A_152] {strides = array<i32>} : memref<2x20096xi32, #tpu.memory_space<vmem>>, vector<16xi32>,
        %parallel_loop3A_154 = arith.constant 1 : i32
        %parallel_loop3A_155 = arith.index_cast %parallel_loop3A_154 : i32 to index
        %parallel_loop3A_156 = arith.index_cast %parallel_loop3A_121 : i32 to index
        %parallel_loop3A_157 = tpu.vector_load %arg10[%parallel_loop3A_155, %parallel_loop3A_156] {strides = array<i32>} : memref<2x20096xi32, #tpu.memory_space<vmem>>, vector<16xi32>,
        %parallel_loop3A_158 = arith.constant 1 : i32
        %parallel_loop3A_159 = arith.index_cast %parallel_loop3A_158 : i32 to index
        %parallel_loop3A_160 = arith.index_cast %parallel_loop3A_127 : i32 to index
        %parallel_loop3A_161 = tpu.vector_load %arg10[%parallel_loop3A_159, %parallel_loop3A_160] {strides = array<i32>} : memref<2x20096xi32, #tpu.memory_space<vmem>>, vector<16xi32>,
        %parallel_loop3A_162 = arith.constant 1 : i32
        %parallel_loop3A_163 = arith.index_cast %parallel_loop3A_162 : i32 to index
        %parallel_loop3A_164 = arith.index_cast %parallel_loop3A_133 : i32 to index
        %parallel_loop3A_165 = tpu.vector_load %arg10[%parallel_loop3A_163, %parallel_loop3A_164] {strides = array<i32>} : memref<2x20096xi32, #tpu.memory_space<vmem>>, vector<16xi32>,
        tpu.vector_store_idx %arg13[%parallel_loop3A_137], %broadcast_in_dim3A_24 {add = true} : memref<10240xf32, #tpu.memory_space<vmem>>[vector<16xi32>], vector<16xf32>,
        tpu.vector_store_idx %arg13[%parallel_loop3A_141], %broadcast_in_dim3A_24 {add = true} : memref<10240xf32, #tpu.memory_space<vmem>>[vector<16xi32>], vector<16xf32>,
        tpu.vector_store_idx %arg13[%parallel_loop3A_145], %broadcast_in_dim3A_24 {add = true} : memref<10240xf32, #tpu.memory_space<vmem>>[vector<16xi32>], vector<16xf32>,
        tpu.vector_store_idx %arg13[%parallel_loop3A_149], %broadcast_in_dim3A_24 {add = true} : memref<10240xf32, #tpu.memory_space<vmem>>[vector<16xi32>], vector<16xf32>,
        tpu.vector_store_idx %arg13[%parallel_loop3A_153], %broadcast_in_dim3A_24 {add = true} : memref<10240xf32, #tpu.memory_space<vmem>>[vector<16xi32>], vector<16xf32>,
        tpu.vector_store_idx %arg13[%parallel_loop3A_157], %broadcast_in_dim3A_24 {add = true} : memref<10240xf32, #tpu.memory_space<vmem>>[vector<16xi32>], vector<16xf32>,
        tpu.vector_store_idx %arg13[%parallel_loop3A_161], %broadcast_in_dim3A_24 {add = true} : memref<10240xf32, #tpu.memory_space<vmem>>[vector<16xi32>], vector<16xf32>,
        tpu.vector_store_idx %arg13[%parallel_loop3A_165], %broadcast_in_dim3A_24 {add = true} : memref<10240xf32, #tpu.memory_space<vmem>>[vector<16xi32>], vector<16xf32>,
      } {sc.loop_unroll_factor = 1 : i64, sc.parallel_access}
      %convert_element_type3A_37 = arith.extui %lt3A_11 : i1 to i32
      %cond3A_38 = arith.constant 0 : i32
      %cond3A_39 = arith.cmpi ne, %convert_element_type3A_37, %cond3A_38 : i32
      scf.if %cond3A_39 {
        %get3A = arith.constant 1 : i32
        %get3A_85 = arith.index_cast %get3A : i32 to index
        %get3A_86 = arith.constant 19968 : index
        %get3A_87 = tpu.vector_load %arg10[%get3A_85, %get3A_86] {strides = array<i32>} : memref<2x20096xi32, #tpu.memory_space<vmem>>, vector<16xi32>,
        %get3A_88 = arith.constant 1 : i32
        %get3A_89 = arith.index_cast %get3A_88 : i32 to index
        %get3A_90 = arith.constant 19984 : index
        %get3A_91 = tpu.vector_load %arg10[%get3A_89, %get3A_90] {strides = array<i32>} : memref<2x20096xi32, #tpu.memory_space<vmem>>, vector<16xi32>,
        %get3A_92 = arith.constant 1 : i32
        %get3A_93 = arith.index_cast %get3A_92 : i32 to index
        %get3A_94 = arith.constant 20000 : index
        %get3A_95 = tpu.vector_load %arg10[%get3A_93, %get3A_94] {strides = array<i32>} : memref<2x20096xi32, #tpu.memory_space<vmem>>, vector<16xi32>,
        %get3A_96 = arith.constant 1 : i32
        %get3A_97 = arith.index_cast %get3A_96 : i32 to index
        %get3A_98 = arith.constant 20016 : index
        %get3A_99 = tpu.vector_load %arg10[%get3A_97, %get3A_98] {strides = array<i32>} : memref<2x20096xi32, #tpu.memory_space<vmem>>, vector<16xi32>,
        %get3A_100 = arith.constant 1 : i32
        %get3A_101 = arith.index_cast %get3A_100 : i32 to index
        %get3A_102 = arith.constant 20032 : index
        %get3A_103 = tpu.vector_load %arg10[%get3A_101, %get3A_102] {strides = array<i32>} : memref<2x20096xi32, #tpu.memory_space<vmem>>, vector<16xi32>,
        %get3A_104 = arith.constant 1 : i32
        %get3A_105 = arith.index_cast %get3A_104 : i32 to index
        %get3A_106 = arith.constant 20048 : index
        %get3A_107 = tpu.vector_load %arg10[%get3A_105, %get3A_106] {strides = array<i32>} : memref<2x20096xi32, #tpu.memory_space<vmem>>, vector<16xi32>,
        %get3A_108 = arith.constant 1 : i32
        %get3A_109 = arith.index_cast %get3A_108 : i32 to index
        %get3A_110 = arith.constant 20064 : index
        %get3A_111 = tpu.vector_load %arg10[%get3A_109, %get3A_110] {strides = array<i32>} : memref<2x20096xi32, #tpu.memory_space<vmem>>, vector<16xi32>,
        %get3A_112 = arith.constant 1 : i32
        %get3A_113 = arith.index_cast %get3A_112 : i32 to index
        %get3A_114 = arith.constant 20080 : index
        %get3A_115 = tpu.vector_load %arg10[%get3A_113, %get3A_114] {strides = array<i32>} : memref<2x20096xi32, #tpu.memory_space<vmem>>, vector<16xi32>,
        tpu.vector_store_idx %arg13[%get3A_87], %broadcast_in_dim3A_24 {add = true} : memref<10240xf32, #tpu.memory_space<vmem>>[vector<16xi32>], vector<16xf32>,
        tpu.vector_store_idx %arg13[%get3A_91], %broadcast_in_dim3A_24 {add = true} : memref<10240xf32, #tpu.memory_space<vmem>>[vector<16xi32>], vector<16xf32>,
        tpu.vector_store_idx %arg13[%get3A_95], %broadcast_in_dim3A_24 {add = true} : memref<10240xf32, #tpu.memory_space<vmem>>[vector<16xi32>], vector<16xf32>,
        tpu.vector_store_idx %arg13[%get3A_99], %broadcast_in_dim3A_24 {add = true} : memref<10240xf32, #tpu.memory_space<vmem>>[vector<16xi32>], vector<16xf32>,
        tpu.vector_store_idx %arg13[%get3A_103], %broadcast_in_dim3A_24 {add = true} : memref<10240xf32, #tpu.memory_space<vmem>>[vector<16xi32>], vector<16xf32>,
        tpu.vector_store_idx %arg13[%get3A_107], %broadcast_in_dim3A_24 {add = true} : memref<10240xf32, #tpu.memory_space<vmem>>[vector<16xi32>], vector<16xf32>,
        tpu.vector_store_idx %arg13[%get3A_111], %broadcast_in_dim3A_24 {add = true} : memref<10240xf32, #tpu.memory_space<vmem>>[vector<16xi32>], vector<16xf32>,
        tpu.vector_store_idx %arg13[%get3A_115], %broadcast_in_dim3A_24 {add = true} : memref<10240xf32, #tpu.memory_space<vmem>>[vector<16xi32>], vector<16xf32>,
      } else {
      }
      %dma_wait3A = arith.constant 0 : i32
      %dma_wait3A_40 = tpu.memref_slice %arg11[%dma_wait3A] : memref<20096xf32, #tpu.memory_space<vmem>> -> memref<19968xf32, #tpu.memory_space<vmem>>
      %dma_wait3A_41 = tpu.memref_slice %arg3[%add3A] : memref<320000xf32, #tpu.memory_space<hbm>> -> memref<19968xf32, #tpu.memory_space<hbm>>
      %dma_wait3A_42 = arith.constant 0 : i32
      %dma_wait3A_43 = tpu.memref_slice %arg11[%dma_wait3A_42] : memref<20096xf32, #tpu.memory_space<vmem>> -> memref<19968xf32, #tpu.memory_space<vmem>>
      %dma_wait3A_44 = tpu.memref_slice %arg3[%add3A] : memref<320000xf32, #tpu.memory_space<hbm>> -> memref<19968xf32, #tpu.memory_space<hbm>>
      tpu.wait_dma2 semaphore(%arg30 : memref<!tpu.dma_semaphore, #tpu.memory_space<semaphore_mem>>) src(%dma_wait3A_44 : memref<19968xf32, #tpu.memory_space<hbm>>) dst(%dma_wait3A_43 : memref<19968xf32, #tpu.memory_space<vmem>>)
      "tpu.region"() ({
        %run_scoped3A = tpu.sem_alloc : memref<!tpu.dma_semaphore, #tpu.memory_space<semaphore_mem>>
        %dma_start3A_85 = arith.constant 0 : i32
        %dma_start3A_86 = tpu.memref_slice %arg22[%arg1, %dma_start3A_85] : memref<16x10240xf32, #tpu.memory_space<vmem_shared>> -> memref<1x10240xf32, #tpu.memory_space<vmem_shared>>
        %dma_start3A_87 = tpu.memref_squeeze %dma_start3A_86 : memref<1x10240xf32, #tpu.memory_space<vmem_shared>> -> memref<10240xf32, #tpu.memory_space<vmem_shared>>
        %dma_start3A_88 = arith.constant 0 : i32
        %dma_start3A_89 = tpu.memref_slice %arg22[%arg1, %dma_start3A_88] : memref<16x10240xf32, #tpu.memory_space<vmem_shared>> -> memref<1x10240xf32, #tpu.memory_space<vmem_shared>>
        %dma_start3A_90 = tpu.memref_squeeze %dma_start3A_89 : memref<1x10240xf32, #tpu.memory_space<vmem_shared>> -> memref<10240xf32, #tpu.memory_space<vmem_shared>>
        tpu.enqueue_dma source(%arg13 : memref<10240xf32, #tpu.memory_space<vmem>>) target(%dma_start3A_90 : memref<10240xf32, #tpu.memory_space<vmem_shared>>) target_semaphore(%run_scoped3A : memref<!tpu.dma_semaphore, #tpu.memory_space<semaphore_mem>>)
        %dma_wait3A_91 = arith.constant 0 : i32
        %dma_wait3A_92 = tpu.memref_slice %arg22[%arg1, %dma_wait3A_91] : memref<16x10240xf32, #tpu.memory_space<vmem_shared>> -> memref<1x10240xf32, #tpu.memory_space<vmem_shared>>
        %dma_wait3A_93 = tpu.memref_squeeze %dma_wait3A_92 : memref<1x10240xf32, #tpu.memory_space<vmem_shared>> -> memref<10240xf32, #tpu.memory_space<vmem_shared>>
        %dma_wait3A_94 = arith.constant 0 : i32
        %dma_wait3A_95 = tpu.memref_slice %arg22[%arg1, %dma_wait3A_94] : memref<16x10240xf32, #tpu.memory_space<vmem_shared>> -> memref<1x10240xf32, #tpu.memory_space<vmem_shared>>
        %dma_wait3A_96 = tpu.memref_squeeze %dma_wait3A_95 : memref<1x10240xf32, #tpu.memory_space<vmem_shared>> -> memref<10240xf32, #tpu.memory_space<vmem_shared>>
        tpu.wait_dma2 semaphore(%run_scoped3A : memref<!tpu.dma_semaphore, #tpu.memory_space<semaphore_mem>>) src(%arg13 : memref<10240xf32, #tpu.memory_space<vmem>>) dst(%dma_wait3A_96 : memref<10240xf32, #tpu.memory_space<vmem_shared>>)
        tpu.yield
      }) : () -> ()
      %barrier3A = arith.constant 0 : index
      tpu.barrier barrier_id(%barrier3A)
      "tpu.region"() ({
        %run_scoped3A = tpu.sem_alloc : memref<!tpu.dma_semaphore, #tpu.memory_space<semaphore_mem>>
        %dma_start3A_85 = arith.constant 0 : i32
        %dma_start3A_86 = tpu.memref_slice %arg22[%dma_start3A_85, %mul3A_13] : memref<16x10240xf32, #tpu.memory_space<vmem_shared>> -> memref<16x640xf32, #tpu.memory_space<vmem_shared>>
        %dma_start3A_87 = arith.constant 0 : i32
        %dma_start3A_88 = tpu.memref_slice %arg22[%dma_start3A_87, %mul3A_13] : memref<16x10240xf32, #tpu.memory_space<vmem_shared>> -> memref<16x640xf32, #tpu.memory_space<vmem_shared>>
        tpu.enqueue_dma source(%dma_start3A_88 : memref<16x640xf32, #tpu.memory_space<vmem_shared>>) target(%arg14 : memref<16x640xf32, #tpu.memory_space<vmem>>) target_semaphore(%run_scoped3A : memref<!tpu.dma_semaphore, #tpu.memory_space<semaphore_mem>>)
        %dma_wait3A_89 = arith.constant 0 : i32
        %dma_wait3A_90 = tpu.memref_slice %arg22[%dma_wait3A_89, %mul3A_13] : memref<16x10240xf32, #tpu.memory_space<vmem_shared>> -> memref<16x640xf32, #tpu.memory_space<vmem_shared>>
        %dma_wait3A_91 = arith.constant 0 : i32
        %dma_wait3A_92 = tpu.memref_slice %arg22[%dma_wait3A_91, %mul3A_13] : memref<16x10240xf32, #tpu.memory_space<vmem_shared>> -> memref<16x640xf32, #tpu.memory_space<vmem_shared>>
        tpu.wait_dma2 semaphore(%run_scoped3A : memref<!tpu.dma_semaphore, #tpu.memory_space<semaphore_mem>>) src(%dma_wait3A_92 : memref<16x640xf32, #tpu.memory_space<vmem_shared>>) dst(%arg14 : memref<16x640xf32, #tpu.memory_space<vmem>>)
        tpu.yield
      }) : () -> ()
      %barrier3A_45 = arith.constant 0 : index
      tpu.barrier barrier_id(%barrier3A_45)
      %parallel_loop3A_46 = arith.constant 0 : i32
      %parallel_loop3A_47 = arith.constant 20 : i32
      %parallel_loop3A_48 = arith.constant 1 : i32
      scf.for %parallel_loop3A_85 = %parallel_loop3A_46 to %parallel_loop3A_47 step %parallel_loop3A_48  : i32 {
        %parallel_loop3A_86 = arith.constant 32 : i32
        %parallel_loop3A_87 = arith.muli %parallel_loop3A_85, %parallel_loop3A_86 : i32
        %parallel_loop3A_88 = arith.constant 32 : i32
        %parallel_loop3A_89 = arith.muli %parallel_loop3A_85, %parallel_loop3A_88 : i32
        %parallel_loop3A_90 = arith.constant 16 : i32
        %parallel_loop3A_91 = arith.addi %parallel_loop3A_89, %parallel_loop3A_90 : i32
        %parallel_loop3A_92 = arith.constant 0 : i32
        %parallel_loop3A_93 = arith.index_cast %parallel_loop3A_92 : i32 to index
        %parallel_loop3A_94 = arith.index_cast %parallel_loop3A_87 : i32 to index
        %parallel_loop3A_95 = tpu.vector_load %arg14[%parallel_loop3A_93, %parallel_loop3A_94] {strides = array<i32>} : memref<16x640xf32, #tpu.memory_space<vmem>>, vector<16xf32>,
        %parallel_loop3A_96 = arith.constant 0 : i32
        %parallel_loop3A_97 = arith.index_cast %parallel_loop3A_96 : i32 to index
        %parallel_loop3A_98 = arith.index_cast %parallel_loop3A_91 : i32 to index
        %parallel_loop3A_99 = tpu.vector_load %arg14[%parallel_loop3A_97, %parallel_loop3A_98] {strides = array<i32>} : memref<16x640xf32, #tpu.memory_space<vmem>>, vector<16xf32>,
        %parallel_loop3A_100 = arith.constant 1 : i32
        %parallel_loop3A_101 = arith.index_cast %parallel_loop3A_100 : i32 to index
        %parallel_loop3A_102 = arith.index_cast %parallel_loop3A_87 : i32 to index
        %parallel_loop3A_103 = tpu.vector_load %arg14[%parallel_loop3A_101, %parallel_loop3A_102] {strides = array<i32>} : memref<16x640xf32, #tpu.memory_space<vmem>>, vector<16xf32>,
        %parallel_loop3A_104 = arith.addf %parallel_loop3A_95, %parallel_loop3A_103 : vector<16xf32>
        %parallel_loop3A_105 = arith.constant 1 : i32
        %parallel_loop3A_106 = arith.index_cast %parallel_loop3A_105 : i32 to index
        %parallel_loop3A_107 = arith.index_cast %parallel_loop3A_91 : i32 to index
        %parallel_loop3A_108 = tpu.vector_load %arg14[%parallel_loop3A_106, %parallel_loop3A_107] {strides = array<i32>} : memref<16x640xf32, #tpu.memory_space<vmem>>, vector<16xf32>,
        %parallel_loop3A_109 = arith.addf %parallel_loop3A_99, %parallel_loop3A_108 : vector<16xf32>
        %parallel_loop3A_110 = arith.constant 2 : i32
        %parallel_loop3A_111 = arith.index_cast %parallel_loop3A_110 : i32 to index
        %parallel_loop3A_112 = arith.index_cast %parallel_loop3A_87 : i32 to index
        %parallel_loop3A_113 = tpu.vector_load %arg14[%parallel_loop3A_111, %parallel_loop3A_112] {strides = array<i32>} : memref<16x640xf32, #tpu.memory_space<vmem>>, vector<16xf32>,
        %parallel_loop3A_114 = arith.addf %parallel_loop3A_104, %parallel_loop3A_113 : vector<16xf32>
        %parallel_loop3A_115 = arith.constant 2 : i32
        %parallel_loop3A_116 = arith.index_cast %parallel_loop3A_115 : i32 to index
        %parallel_loop3A_117 = arith.index_cast %parallel_loop3A_91 : i32 to index
        %parallel_loop3A_118 = tpu.vector_load %arg14[%parallel_loop3A_116, %parallel_loop3A_117] {strides = array<i32>} : memref<16x640xf32, #tpu.memory_space<vmem>>, vector<16xf32>,
        %parallel_loop3A_119 = arith.addf %parallel_loop3A_109, %parallel_loop3A_118 : vector<16xf32>
        %parallel_loop3A_120 = arith.constant 3 : i32
        %parallel_loop3A_121 = arith.index_cast %parallel_loop3A_120 : i32 to index
        %parallel_loop3A_122 = arith.index_cast %parallel_loop3A_87 : i32 to index
        %parallel_loop3A_123 = tpu.vector_load %arg14[%parallel_loop3A_121, %parallel_loop3A_122] {strides = array<i32>} : memref<16x640xf32, #tpu.memory_space<vmem>>, vector<16xf32>,
        %parallel_loop3A_124 = arith.addf %parallel_loop3A_114, %parallel_loop3A_123 : vector<16xf32>
        %parallel_loop3A_125 = arith.constant 3 : i32
        %parallel_loop3A_126 = arith.index_cast %parallel_loop3A_125 : i32 to index
        %parallel_loop3A_127 = arith.index_cast %parallel_loop3A_91 : i32 to index
        %parallel_loop3A_128 = tpu.vector_load %arg14[%parallel_loop3A_126, %parallel_loop3A_127] {strides = array<i32>} : memref<16x640xf32, #tpu.memory_space<vmem>>, vector<16xf32>,
        %parallel_loop3A_129 = arith.addf %parallel_loop3A_119, %parallel_loop3A_128 : vector<16xf32>
        %parallel_loop3A_130 = arith.constant 4 : i32
        %parallel_loop3A_131 = arith.index_cast %parallel_loop3A_130 : i32 to index
        %parallel_loop3A_132 = arith.index_cast %parallel_loop3A_87 : i32 to index
        %parallel_loop3A_133 = tpu.vector_load %arg14[%parallel_loop3A_131, %parallel_loop3A_132] {strides = array<i32>} : memref<16x640xf32, #tpu.memory_space<vmem>>, vector<16xf32>,
        %parallel_loop3A_134 = arith.addf %parallel_loop3A_124, %parallel_loop3A_133 : vector<16xf32>
        %parallel_loop3A_135 = arith.constant 4 : i32
        %parallel_loop3A_136 = arith.index_cast %parallel_loop3A_135 : i32 to index
        %parallel_loop3A_137 = arith.index_cast %parallel_loop3A_91 : i32 to index
        %parallel_loop3A_138 = tpu.vector_load %arg14[%parallel_loop3A_136, %parallel_loop3A_137] {strides = array<i32>} : memref<16x640xf32, #tpu.memory_space<vmem>>, vector<16xf32>,
        %parallel_loop3A_139 = arith.addf %parallel_loop3A_129, %parallel_loop3A_138 : vector<16xf32>
        %parallel_loop3A_140 = arith.constant 5 : i32
        %parallel_loop3A_141 = arith.index_cast %parallel_loop3A_140 : i32 to index
        %parallel_loop3A_142 = arith.index_cast %parallel_loop3A_87 : i32 to index
        %parallel_loop3A_143 = tpu.vector_load %arg14[%parallel_loop3A_141, %parallel_loop3A_142] {strides = array<i32>} : memref<16x640xf32, #tpu.memory_space<vmem>>, vector<16xf32>,
        %parallel_loop3A_144 = arith.addf %parallel_loop3A_134, %parallel_loop3A_143 : vector<16xf32>
        %parallel_loop3A_145 = arith.constant 5 : i32
        %parallel_loop3A_146 = arith.index_cast %parallel_loop3A_145 : i32 to index
        %parallel_loop3A_147 = arith.index_cast %parallel_loop3A_91 : i32 to index
        %parallel_loop3A_148 = tpu.vector_load %arg14[%parallel_loop3A_146, %parallel_loop3A_147] {strides = array<i32>} : memref<16x640xf32, #tpu.memory_space<vmem>>, vector<16xf32>,
        %parallel_loop3A_149 = arith.addf %parallel_loop3A_139, %parallel_loop3A_148 : vector<16xf32>
        %parallel_loop3A_150 = arith.constant 6 : i32
        %parallel_loop3A_151 = arith.index_cast %parallel_loop3A_150 : i32 to index
        %parallel_loop3A_152 = arith.index_cast %parallel_loop3A_87 : i32 to index
        %parallel_loop3A_153 = tpu.vector_load %arg14[%parallel_loop3A_151, %parallel_loop3A_152] {strides = array<i32>} : memref<16x640xf32, #tpu.memory_space<vmem>>, vector<16xf32>,
        %parallel_loop3A_154 = arith.addf %parallel_loop3A_144, %parallel_loop3A_153 : vector<16xf32>
        %parallel_loop3A_155 = arith.constant 6 : i32
        %parallel_loop3A_156 = arith.index_cast %parallel_loop3A_155 : i32 to index
        %parallel_loop3A_157 = arith.index_cast %parallel_loop3A_91 : i32 to index
        %parallel_loop3A_158 = tpu.vector_load %arg14[%parallel_loop3A_156, %parallel_loop3A_157] {strides = array<i32>} : memref<16x640xf32, #tpu.memory_space<vmem>>, vector<16xf32>,
        %parallel_loop3A_159 = arith.addf %parallel_loop3A_149, %parallel_loop3A_158 : vector<16xf32>
        %parallel_loop3A_160 = arith.constant 7 : i32
        %parallel_loop3A_161 = arith.index_cast %parallel_loop3A_160 : i32 to index
        %parallel_loop3A_162 = arith.index_cast %parallel_loop3A_87 : i32 to index
        %parallel_loop3A_163 = tpu.vector_load %arg14[%parallel_loop3A_161, %parallel_loop3A_162] {strides = array<i32>} : memref<16x640xf32, #tpu.memory_space<vmem>>, vector<16xf32>,
        %parallel_loop3A_164 = arith.addf %parallel_loop3A_154, %parallel_loop3A_163 : vector<16xf32>
        %parallel_loop3A_165 = arith.constant 7 : i32
        %parallel_loop3A_166 = arith.index_cast %parallel_loop3A_165 : i32 to index
        %parallel_loop3A_167 = arith.index_cast %parallel_loop3A_91 : i32 to index
        %parallel_loop3A_168 = tpu.vector_load %arg14[%parallel_loop3A_166, %parallel_loop3A_167] {strides = array<i32>} : memref<16x640xf32, #tpu.memory_space<vmem>>, vector<16xf32>,
        %parallel_loop3A_169 = arith.addf %parallel_loop3A_159, %parallel_loop3A_168 : vector<16xf32>
        %parallel_loop3A_170 = arith.constant 8 : i32
        %parallel_loop3A_171 = arith.index_cast %parallel_loop3A_170 : i32 to index
        %parallel_loop3A_172 = arith.index_cast %parallel_loop3A_87 : i32 to index
        %parallel_loop3A_173 = tpu.vector_load %arg14[%parallel_loop3A_171, %parallel_loop3A_172] {strides = array<i32>} : memref<16x640xf32, #tpu.memory_space<vmem>>, vector<16xf32>,
        %parallel_loop3A_174 = arith.addf %parallel_loop3A_164, %parallel_loop3A_173 : vector<16xf32>
        %parallel_loop3A_175 = arith.constant 8 : i32
        %parallel_loop3A_176 = arith.index_cast %parallel_loop3A_175 : i32 to index
        %parallel_loop3A_177 = arith.index_cast %parallel_loop3A_91 : i32 to index
        %parallel_loop3A_178 = tpu.vector_load %arg14[%parallel_loop3A_176, %parallel_loop3A_177] {strides = array<i32>} : memref<16x640xf32, #tpu.memory_space<vmem>>, vector<16xf32>,
        %parallel_loop3A_179 = arith.addf %parallel_loop3A_169, %parallel_loop3A_178 : vector<16xf32>
        %parallel_loop3A_180 = arith.constant 9 : i32
        %parallel_loop3A_181 = arith.index_cast %parallel_loop3A_180 : i32 to index
        %parallel_loop3A_182 = arith.index_cast %parallel_loop3A_87 : i32 to index
        %parallel_loop3A_183 = tpu.vector_load %arg14[%parallel_loop3A_181, %parallel_loop3A_182] {strides = array<i32>} : memref<16x640xf32, #tpu.memory_space<vmem>>, vector<16xf32>,
        %parallel_loop3A_184 = arith.addf %parallel_loop3A_174, %parallel_loop3A_183 : vector<16xf32>
        %parallel_loop3A_185 = arith.constant 9 : i32
        %parallel_loop3A_186 = arith.index_cast %parallel_loop3A_185 : i32 to index
        %parallel_loop3A_187 = arith.index_cast %parallel_loop3A_91 : i32 to index
        %parallel_loop3A_188 = tpu.vector_load %arg14[%parallel_loop3A_186, %parallel_loop3A_187] {strides = array<i32>} : memref<16x640xf32, #tpu.memory_space<vmem>>, vector<16xf32>,
        %parallel_loop3A_189 = arith.addf %parallel_loop3A_179, %parallel_loop3A_188 : vector<16xf32>
        %parallel_loop3A_190 = arith.constant 10 : i32
        %parallel_loop3A_191 = arith.index_cast %parallel_loop3A_190 : i32 to index
        %parallel_loop3A_192 = arith.index_cast %parallel_loop3A_87 : i32 to index
        %parallel_loop3A_193 = tpu.vector_load %arg14[%parallel_loop3A_191, %parallel_loop3A_192] {strides = array<i32>} : memref<16x640xf32, #tpu.memory_space<vmem>>, vector<16xf32>,
        %parallel_loop3A_194 = arith.addf %parallel_loop3A_184, %parallel_loop3A_193 : vector<16xf32>
        %parallel_loop3A_195 = arith.constant 10 : i32
        %parallel_loop3A_196 = arith.index_cast %parallel_loop3A_195 : i32 to index
        %parallel_loop3A_197 = arith.index_cast %parallel_loop3A_91 : i32 to index
        %parallel_loop3A_198 = tpu.vector_load %arg14[%parallel_loop3A_196, %parallel_loop3A_197] {strides = array<i32>} : memref<16x640xf32, #tpu.memory_space<vmem>>, vector<16xf32>,
        %parallel_loop3A_199 = arith.addf %parallel_loop3A_189, %parallel_loop3A_198 : vector<16xf32>
        %parallel_loop3A_200 = arith.constant 11 : i32
        %parallel_loop3A_201 = arith.index_cast %parallel_loop3A_200 : i32 to index
        %parallel_loop3A_202 = arith.index_cast %parallel_loop3A_87 : i32 to index
        %parallel_loop3A_203 = tpu.vector_load %arg14[%parallel_loop3A_201, %parallel_loop3A_202] {strides = array<i32>} : memref<16x640xf32, #tpu.memory_space<vmem>>, vector<16xf32>,
        %parallel_loop3A_204 = arith.addf %parallel_loop3A_194, %parallel_loop3A_203 : vector<16xf32>
        %parallel_loop3A_205 = arith.constant 11 : i32
        %parallel_loop3A_206 = arith.index_cast %parallel_loop3A_205 : i32 to index
        %parallel_loop3A_207 = arith.index_cast %parallel_loop3A_91 : i32 to index
        %parallel_loop3A_208 = tpu.vector_load %arg14[%parallel_loop3A_206, %parallel_loop3A_207] {strides = array<i32>} : memref<16x640xf32, #tpu.memory_space<vmem>>, vector<16xf32>,
        %parallel_loop3A_209 = arith.addf %parallel_loop3A_199, %parallel_loop3A_208 : vector<16xf32>
        %parallel_loop3A_210 = arith.constant 12 : i32
        %parallel_loop3A_211 = arith.index_cast %parallel_loop3A_210 : i32 to index
        %parallel_loop3A_212 = arith.index_cast %parallel_loop3A_87 : i32 to index
        %parallel_loop3A_213 = tpu.vector_load %arg14[%parallel_loop3A_211, %parallel_loop3A_212] {strides = array<i32>} : memref<16x640xf32, #tpu.memory_space<vmem>>, vector<16xf32>,
        %parallel_loop3A_214 = arith.addf %parallel_loop3A_204, %parallel_loop3A_213 : vector<16xf32>
        %parallel_loop3A_215 = arith.constant 12 : i32
        %parallel_loop3A_216 = arith.index_cast %parallel_loop3A_215 : i32 to index
        %parallel_loop3A_217 = arith.index_cast %parallel_loop3A_91 : i32 to index
        %parallel_loop3A_218 = tpu.vector_load %arg14[%parallel_loop3A_216, %parallel_loop3A_217] {strides = array<i32>} : memref<16x640xf32, #tpu.memory_space<vmem>>, vector<16xf32>,
        %parallel_loop3A_219 = arith.addf %parallel_loop3A_209, %parallel_loop3A_218 : vector<16xf32>
        %parallel_loop3A_220 = arith.constant 13 : i32
        %parallel_loop3A_221 = arith.index_cast %parallel_loop3A_220 : i32 to index
        %parallel_loop3A_222 = arith.index_cast %parallel_loop3A_87 : i32 to index
        %parallel_loop3A_223 = tpu.vector_load %arg14[%parallel_loop3A_221, %parallel_loop3A_222] {strides = array<i32>} : memref<16x640xf32, #tpu.memory_space<vmem>>, vector<16xf32>,
        %parallel_loop3A_224 = arith.addf %parallel_loop3A_214, %parallel_loop3A_223 : vector<16xf32>
        %parallel_loop3A_225 = arith.constant 13 : i32
        %parallel_loop3A_226 = arith.index_cast %parallel_loop3A_225 : i32 to index
        %parallel_loop3A_227 = arith.index_cast %parallel_loop3A_91 : i32 to index
        %parallel_loop3A_228 = tpu.vector_load %arg14[%parallel_loop3A_226, %parallel_loop3A_227] {strides = array<i32>} : memref<16x640xf32, #tpu.memory_space<vmem>>, vector<16xf32>,
        %parallel_loop3A_229 = arith.addf %parallel_loop3A_219, %parallel_loop3A_228 : vector<16xf32>
        %parallel_loop3A_230 = arith.constant 14 : i32
        %parallel_loop3A_231 = arith.index_cast %parallel_loop3A_230 : i32 to index
        %parallel_loop3A_232 = arith.index_cast %parallel_loop3A_87 : i32 to index
        %parallel_loop3A_233 = tpu.vector_load %arg14[%parallel_loop3A_231, %parallel_loop3A_232] {strides = array<i32>} : memref<16x640xf32, #tpu.memory_space<vmem>>, vector<16xf32>,
        %parallel_loop3A_234 = arith.addf %parallel_loop3A_224, %parallel_loop3A_233 : vector<16xf32>
        %parallel_loop3A_235 = arith.constant 14 : i32
        %parallel_loop3A_236 = arith.index_cast %parallel_loop3A_235 : i32 to index
        %parallel_loop3A_237 = arith.index_cast %parallel_loop3A_91 : i32 to index
        %parallel_loop3A_238 = tpu.vector_load %arg14[%parallel_loop3A_236, %parallel_loop3A_237] {strides = array<i32>} : memref<16x640xf32, #tpu.memory_space<vmem>>, vector<16xf32>,
        %parallel_loop3A_239 = arith.addf %parallel_loop3A_229, %parallel_loop3A_238 : vector<16xf32>
        %parallel_loop3A_240 = arith.constant 15 : i32
        %parallel_loop3A_241 = arith.index_cast %parallel_loop3A_240 : i32 to index
        %parallel_loop3A_242 = arith.index_cast %parallel_loop3A_87 : i32 to index
        %parallel_loop3A_243 = tpu.vector_load %arg14[%parallel_loop3A_241, %parallel_loop3A_242] {strides = array<i32>} : memref<16x640xf32, #tpu.memory_space<vmem>>, vector<16xf32>,
        %parallel_loop3A_244 = arith.addf %parallel_loop3A_234, %parallel_loop3A_243 : vector<16xf32>
        %parallel_loop3A_245 = arith.constant 15 : i32
        %parallel_loop3A_246 = arith.index_cast %parallel_loop3A_245 : i32 to index
        %parallel_loop3A_247 = arith.index_cast %parallel_loop3A_91 : i32 to index
        %parallel_loop3A_248 = tpu.vector_load %arg14[%parallel_loop3A_246, %parallel_loop3A_247] {strides = array<i32>} : memref<16x640xf32, #tpu.memory_space<vmem>>, vector<16xf32>,
        %parallel_loop3A_249 = arith.addf %parallel_loop3A_239, %parallel_loop3A_248 : vector<16xf32>
        %parallel_loop3A_250 = arith.index_cast %parallel_loop3A_87 : i32 to index
        %parallel_loop3A_251 = tpu.vector_load %arg16[%parallel_loop3A_250] {strides = array<i32>} : memref<640xf32, #tpu.memory_space<vmem>>, vector<16xf32>,
        tpu.vector_store %arg16[%parallel_loop3A_250], %parallel_loop3A_244 {strides = array<i32>} : memref<640xf32, #tpu.memory_space<vmem>>, vector<16xf32>,
        %parallel_loop3A_252 = arith.index_cast %parallel_loop3A_91 : i32 to index
        %parallel_loop3A_253 = tpu.vector_load %arg16[%parallel_loop3A_252] {strides = array<i32>} : memref<640xf32, #tpu.memory_space<vmem>>, vector<16xf32>,
        tpu.vector_store %arg16[%parallel_loop3A_252], %parallel_loop3A_249 {strides = array<i32>} : memref<640xf32, #tpu.memory_space<vmem>>, vector<16xf32>,
      } {sc.loop_unroll_factor = 1 : i64, sc.parallel_access}
      %scan3A_49 = arith.constant 0 : i32
      %scan3A_50 = arith.constant 0 : i32
      %scan3A_51 = arith.constant 40 : i32
      %scan3A_52 = arith.addi %scan3A_50, %scan3A_51 : i32
      %scan3A_53 = arith.constant 1 : i32
      scf.for %scan3A_85 = %scan3A_50 to %scan3A_52 step %scan3A_53  : i32 {
        %mul3A_86 = arith.constant 16 : i32
        %mul3A_87 = arith.muli %scan3A_85, %mul3A_86 : i32
        %get3A = arith.index_cast %mul3A_87 : i32 to index
        %get3A_88 = tpu.vector_load %arg15[%get3A] {strides = array<i32>} : memref<640xf32, #tpu.memory_space<vmem>>, vector<16xf32>,
        %get3A_89 = arith.index_cast %mul3A_87 : i32 to index
        %get3A_90 = tpu.vector_load %arg16[%get3A_89] {strides = array<i32>} : memref<640xf32, #tpu.memory_space<vmem>>, vector<16xf32>,
        %max3A = arith.constant 1.000000e+00 : f32
        %max3A_91 = vector.broadcast %max3A : f32 to vector<16xf32>
        %max3A_92 = arith.maximumf %get3A_90, %max3A_91 : vector<16xf32>
        %div3A = arith.divf %get3A_88, %max3A_92 : vector<16xf32>
        %swap3A = arith.index_cast %mul3A_87 : i32 to index
        %swap3A_93 = tpu.vector_load %arg18[%swap3A] {strides = array<i32>} : memref<640xf32, #tpu.memory_space<vmem>>, vector<16xf32>,
        tpu.vector_store %arg18[%swap3A], %div3A {strides = array<i32>} : memref<640xf32, #tpu.memory_space<vmem>>, vector<16xf32>,
      }
      %scan3A_54 = arith.constant 40 : i32
      "tpu.region"() ({
        %run_scoped3A = tpu.sem_alloc : memref<!tpu.dma_semaphore, #tpu.memory_space<semaphore_mem>>
        %dma_start3A_85 = tpu.memref_slice %arg23[%mul3A_13] : memref<10240xf32, #tpu.memory_space<vmem_shared>> -> memref<640xf32, #tpu.memory_space<vmem_shared>>
        %dma_start3A_86 = tpu.memref_slice %arg23[%mul3A_13] : memref<10240xf32, #tpu.memory_space<vmem_shared>> -> memref<640xf32, #tpu.memory_space<vmem_shared>>
        tpu.enqueue_dma source(%arg18 : memref<640xf32, #tpu.memory_space<vmem>>) target(%dma_start3A_86 : memref<640xf32, #tpu.memory_space<vmem_shared>>) target_semaphore(%run_scoped3A : memref<!tpu.dma_semaphore, #tpu.memory_space<semaphore_mem>>)
        %dma_wait3A_87 = tpu.memref_slice %arg23[%mul3A_13] : memref<10240xf32, #tpu.memory_space<vmem_shared>> -> memref<640xf32, #tpu.memory_space<vmem_shared>>
        %dma_wait3A_88 = tpu.memref_slice %arg23[%mul3A_13] : memref<10240xf32, #tpu.memory_space<vmem_shared>> -> memref<640xf32, #tpu.memory_space<vmem_shared>>
        tpu.wait_dma2 semaphore(%run_scoped3A : memref<!tpu.dma_semaphore, #tpu.memory_space<semaphore_mem>>) src(%arg18 : memref<640xf32, #tpu.memory_space<vmem>>) dst(%dma_wait3A_88 : memref<640xf32, #tpu.memory_space<vmem_shared>>)
        tpu.yield
      }) : () -> ()
      %barrier3A_55 = arith.constant 0 : index
      tpu.barrier barrier_id(%barrier3A_55)
      "tpu.region"() ({
        %run_scoped3A = tpu.sem_alloc : memref<!tpu.dma_semaphore, #tpu.memory_space<semaphore_mem>>
        tpu.enqueue_dma source(%arg23 : memref<10240xf32, #tpu.memory_space<vmem_shared>>) target(%arg12 : memref<10240xf32, #tpu.memory_space<vmem>>) target_semaphore(%run_scoped3A : memref<!tpu.dma_semaphore, #tpu.memory_space<semaphore_mem>>)
        tpu.wait_dma2 semaphore(%run_scoped3A : memref<!tpu.dma_semaphore, #tpu.memory_space<semaphore_mem>>) src(%arg23 : memref<10240xf32, #tpu.memory_space<vmem_shared>>) dst(%arg12 : memref<10240xf32, #tpu.memory_space<vmem>>)
        tpu.yield
      }) : () -> ()
      "tpu.region"() ({
        %run_scoped3A = tpu.sem_alloc : memref<!tpu.dma_semaphore, #tpu.memory_space<semaphore_mem>>
        tpu.enqueue_dma source(%arg24 : memref<10240xf32, #tpu.memory_space<vmem_shared>>) target(%arg13 : memref<10240xf32, #tpu.memory_space<vmem>>) target_semaphore(%run_scoped3A : memref<!tpu.dma_semaphore, #tpu.memory_space<semaphore_mem>>)
        tpu.wait_dma2 semaphore(%run_scoped3A : memref<!tpu.dma_semaphore, #tpu.memory_space<semaphore_mem>>) src(%arg24 : memref<10240xf32, #tpu.memory_space<vmem_shared>>) dst(%arg13 : memref<10240xf32, #tpu.memory_space<vmem>>)
        tpu.yield
      }) : () -> ()
      %parallel_loop3A_56 = arith.constant 0 : i32
      %parallel_loop3A_57 = arith.constant 156 : i32
      %parallel_loop3A_58 = arith.constant 1 : i32
      scf.for %parallel_loop3A_85 = %parallel_loop3A_56 to %parallel_loop3A_57 step %parallel_loop3A_58  : i32 {
        %parallel_loop3A_86 = arith.constant 8 : i32
        %parallel_loop3A_87 = arith.muli %parallel_loop3A_85, %parallel_loop3A_86 : i32
        %parallel_loop3A_88 = arith.constant 0 : i32
        %parallel_loop3A_89 = arith.addi %parallel_loop3A_87, %parallel_loop3A_88 : i32
        %parallel_loop3A_90 = arith.constant 16 : i32
        %parallel_loop3A_91 = arith.muli %parallel_loop3A_89, %parallel_loop3A_90 : i32
        %parallel_loop3A_92 = arith.constant 8 : i32
        %parallel_loop3A_93 = arith.muli %parallel_loop3A_85, %parallel_loop3A_92 : i32
        %parallel_loop3A_94 = arith.constant 1 : i32
        %parallel_loop3A_95 = arith.addi %parallel_loop3A_93, %parallel_loop3A_94 : i32
        %parallel_loop3A_96 = arith.constant 16 : i32
        %parallel_loop3A_97 = arith.muli %parallel_loop3A_95, %parallel_loop3A_96 : i32
        %parallel_loop3A_98 = arith.constant 8 : i32
        %parallel_loop3A_99 = arith.muli %parallel_loop3A_85, %parallel_loop3A_98 : i32
        %parallel_loop3A_100 = arith.constant 2 : i32
        %parallel_loop3A_101 = arith.addi %parallel_loop3A_99, %parallel_loop3A_100 : i32
        %parallel_loop3A_102 = arith.constant 16 : i32
        %parallel_loop3A_103 = arith.muli %parallel_loop3A_101, %parallel_loop3A_102 : i32
        %parallel_loop3A_104 = arith.constant 8 : i32
        %parallel_loop3A_105 = arith.muli %parallel_loop3A_85, %parallel_loop3A_104 : i32
        %parallel_loop3A_106 = arith.constant 3 : i32
        %parallel_loop3A_107 = arith.addi %parallel_loop3A_105, %parallel_loop3A_106 : i32
        %parallel_loop3A_108 = arith.constant 16 : i32
        %parallel_loop3A_109 = arith.muli %parallel_loop3A_107, %parallel_loop3A_108 : i32
        %parallel_loop3A_110 = arith.constant 8 : i32
        %parallel_loop3A_111 = arith.muli %parallel_loop3A_85, %parallel_loop3A_110 : i32
        %parallel_loop3A_112 = arith.constant 4 : i32
        %parallel_loop3A_113 = arith.addi %parallel_loop3A_111, %parallel_loop3A_112 : i32
        %parallel_loop3A_114 = arith.constant 16 : i32
        %parallel_loop3A_115 = arith.muli %parallel_loop3A_113, %parallel_loop3A_114 : i32
        %parallel_loop3A_116 = arith.constant 8 : i32
        %parallel_loop3A_117 = arith.muli %parallel_loop3A_85, %parallel_loop3A_116 : i32
        %parallel_loop3A_118 = arith.constant 5 : i32
        %parallel_loop3A_119 = arith.addi %parallel_loop3A_117, %parallel_loop3A_118 : i32
        %parallel_loop3A_120 = arith.constant 16 : i32
        %parallel_loop3A_121 = arith.muli %parallel_loop3A_119, %parallel_loop3A_120 : i32
        %parallel_loop3A_122 = arith.constant 8 : i32
        %parallel_loop3A_123 = arith.muli %parallel_loop3A_85, %parallel_loop3A_122 : i32
        %parallel_loop3A_124 = arith.constant 6 : i32
        %parallel_loop3A_125 = arith.addi %parallel_loop3A_123, %parallel_loop3A_124 : i32
        %parallel_loop3A_126 = arith.constant 16 : i32
        %parallel_loop3A_127 = arith.muli %parallel_loop3A_125, %parallel_loop3A_126 : i32
        %parallel_loop3A_128 = arith.constant 8 : i32
        %parallel_loop3A_129 = arith.muli %parallel_loop3A_85, %parallel_loop3A_128 : i32
        %parallel_loop3A_130 = arith.constant 7 : i32
        %parallel_loop3A_131 = arith.addi %parallel_loop3A_129, %parallel_loop3A_130 : i32
        %parallel_loop3A_132 = arith.constant 16 : i32
        %parallel_loop3A_133 = arith.muli %parallel_loop3A_131, %parallel_loop3A_132 : i32
        %parallel_loop3A_134 = arith.constant 1 : i32
        %parallel_loop3A_135 = arith.index_cast %parallel_loop3A_134 : i32 to index
        %parallel_loop3A_136 = arith.index_cast %parallel_loop3A_91 : i32 to index
        %parallel_loop3A_137 = tpu.vector_load %arg10[%parallel_loop3A_135, %parallel_loop3A_136] {strides = array<i32>} : memref<2x20096xi32, #tpu.memory_space<vmem>>, vector<16xi32>,
        %parallel_loop3A_138 = arith.constant 1 : i32
        %parallel_loop3A_139 = arith.index_cast %parallel_loop3A_138 : i32 to index
        %parallel_loop3A_140 = arith.index_cast %parallel_loop3A_97 : i32 to index
        %parallel_loop3A_141 = tpu.vector_load %arg10[%parallel_loop3A_139, %parallel_loop3A_140] {strides = array<i32>} : memref<2x20096xi32, #tpu.memory_space<vmem>>, vector<16xi32>,
        %parallel_loop3A_142 = arith.constant 1 : i32
        %parallel_loop3A_143 = arith.index_cast %parallel_loop3A_142 : i32 to index
        %parallel_loop3A_144 = arith.index_cast %parallel_loop3A_103 : i32 to index
        %parallel_loop3A_145 = tpu.vector_load %arg10[%parallel_loop3A_143, %parallel_loop3A_144] {strides = array<i32>} : memref<2x20096xi32, #tpu.memory_space<vmem>>, vector<16xi32>,
        %parallel_loop3A_146 = arith.constant 1 : i32
        %parallel_loop3A_147 = arith.index_cast %parallel_loop3A_146 : i32 to index
        %parallel_loop3A_148 = arith.index_cast %parallel_loop3A_109 : i32 to index
        %parallel_loop3A_149 = tpu.vector_load %arg10[%parallel_loop3A_147, %parallel_loop3A_148] {strides = array<i32>} : memref<2x20096xi32, #tpu.memory_space<vmem>>, vector<16xi32>,
        %parallel_loop3A_150 = arith.constant 1 : i32
        %parallel_loop3A_151 = arith.index_cast %parallel_loop3A_150 : i32 to index
        %parallel_loop3A_152 = arith.index_cast %parallel_loop3A_115 : i32 to index
        %parallel_loop3A_153 = tpu.vector_load %arg10[%parallel_loop3A_151, %parallel_loop3A_152] {strides = array<i32>} : memref<2x20096xi32, #tpu.memory_space<vmem>>, vector<16xi32>,
        %parallel_loop3A_154 = arith.constant 1 : i32
        %parallel_loop3A_155 = arith.index_cast %parallel_loop3A_154 : i32 to index
        %parallel_loop3A_156 = arith.index_cast %parallel_loop3A_121 : i32 to index
        %parallel_loop3A_157 = tpu.vector_load %arg10[%parallel_loop3A_155, %parallel_loop3A_156] {strides = array<i32>} : memref<2x20096xi32, #tpu.memory_space<vmem>>, vector<16xi32>,
        %parallel_loop3A_158 = arith.constant 1 : i32
        %parallel_loop3A_159 = arith.index_cast %parallel_loop3A_158 : i32 to index
        %parallel_loop3A_160 = arith.index_cast %parallel_loop3A_127 : i32 to index
        %parallel_loop3A_161 = tpu.vector_load %arg10[%parallel_loop3A_159, %parallel_loop3A_160] {strides = array<i32>} : memref<2x20096xi32, #tpu.memory_space<vmem>>, vector<16xi32>,
        %parallel_loop3A_162 = arith.constant 1 : i32
        %parallel_loop3A_163 = arith.index_cast %parallel_loop3A_162 : i32 to index
        %parallel_loop3A_164 = arith.index_cast %parallel_loop3A_133 : i32 to index
        %parallel_loop3A_165 = tpu.vector_load %arg10[%parallel_loop3A_163, %parallel_loop3A_164] {strides = array<i32>} : memref<2x20096xi32, #tpu.memory_space<vmem>>, vector<16xi32>,
        %parallel_loop3A_166 = tpu.vector_load_idx %arg12[%parallel_loop3A_137] : memref<10240xf32, #tpu.memory_space<vmem>>[vector<16xi32>], vector<16xf32>,
        %parallel_loop3A_167 = tpu.vector_load_idx %arg12[%parallel_loop3A_141] : memref<10240xf32, #tpu.memory_space<vmem>>[vector<16xi32>], vector<16xf32>,
        %parallel_loop3A_168 = tpu.vector_load_idx %arg12[%parallel_loop3A_145] : memref<10240xf32, #tpu.memory_space<vmem>>[vector<16xi32>], vector<16xf32>,
        %parallel_loop3A_169 = tpu.vector_load_idx %arg12[%parallel_loop3A_149] : memref<10240xf32, #tpu.memory_space<vmem>>[vector<16xi32>], vector<16xf32>,
        %parallel_loop3A_170 = tpu.vector_load_idx %arg12[%parallel_loop3A_153] : memref<10240xf32, #tpu.memory_space<vmem>>[vector<16xi32>], vector<16xf32>,
        %parallel_loop3A_171 = tpu.vector_load_idx %arg12[%parallel_loop3A_157] : memref<10240xf32, #tpu.memory_space<vmem>>[vector<16xi32>], vector<16xf32>,
        %parallel_loop3A_172 = tpu.vector_load_idx %arg12[%parallel_loop3A_161] : memref<10240xf32, #tpu.memory_space<vmem>>[vector<16xi32>], vector<16xf32>,
        %parallel_loop3A_173 = tpu.vector_load_idx %arg12[%parallel_loop3A_165] : memref<10240xf32, #tpu.memory_space<vmem>>[vector<16xi32>], vector<16xf32>,
        %parallel_loop3A_174 = arith.index_cast %parallel_loop3A_91 : i32 to index
        %parallel_loop3A_175 = tpu.vector_load %arg11[%parallel_loop3A_174] {strides = array<i32>} : memref<20096xf32, #tpu.memory_space<vmem>>, vector<16xf32>,
        %parallel_loop3A_176 = arith.index_cast %parallel_loop3A_97 : i32 to index
        %parallel_loop3A_177 = tpu.vector_load %arg11[%parallel_loop3A_176] {strides = array<i32>} : memref<20096xf32, #tpu.memory_space<vmem>>, vector<16xf32>,
        %parallel_loop3A_178 = arith.index_cast %parallel_loop3A_103 : i32 to index
        %parallel_loop3A_179 = tpu.vector_load %arg11[%parallel_loop3A_178] {strides = array<i32>} : memref<20096xf32, #tpu.memory_space<vmem>>, vector<16xf32>,
        %parallel_loop3A_180 = arith.index_cast %parallel_loop3A_109 : i32 to index
        %parallel_loop3A_181 = tpu.vector_load %arg11[%parallel_loop3A_180] {strides = array<i32>} : memref<20096xf32, #tpu.memory_space<vmem>>, vector<16xf32>,
        %parallel_loop3A_182 = arith.index_cast %parallel_loop3A_115 : i32 to index
        %parallel_loop3A_183 = tpu.vector_load %arg11[%parallel_loop3A_182] {strides = array<i32>} : memref<20096xf32, #tpu.memory_space<vmem>>, vector<16xf32>,
        %parallel_loop3A_184 = arith.index_cast %parallel_loop3A_121 : i32 to index
        %parallel_loop3A_185 = tpu.vector_load %arg11[%parallel_loop3A_184] {strides = array<i32>} : memref<20096xf32, #tpu.memory_space<vmem>>, vector<16xf32>,
        %parallel_loop3A_186 = arith.index_cast %parallel_loop3A_127 : i32 to index
        %parallel_loop3A_187 = tpu.vector_load %arg11[%parallel_loop3A_186] {strides = array<i32>} : memref<20096xf32, #tpu.memory_space<vmem>>, vector<16xf32>,
        %parallel_loop3A_188 = arith.index_cast %parallel_loop3A_133 : i32 to index
        %parallel_loop3A_189 = tpu.vector_load %arg11[%parallel_loop3A_188] {strides = array<i32>} : memref<20096xf32, #tpu.memory_space<vmem>>, vector<16xf32>,
        %parallel_loop3A_190 = arith.constant 0 : i32
        %parallel_loop3A_191 = arith.index_cast %parallel_loop3A_190 : i32 to index
        %parallel_loop3A_192 = arith.index_cast %parallel_loop3A_91 : i32 to index
        %parallel_loop3A_193 = tpu.vector_load %arg10[%parallel_loop3A_191, %parallel_loop3A_192] {strides = array<i32>} : memref<2x20096xi32, #tpu.memory_space<vmem>>, vector<16xi32>,
        %parallel_loop3A_194 = arith.constant 0 : i32
        %parallel_loop3A_195 = arith.index_cast %parallel_loop3A_194 : i32 to index
        %parallel_loop3A_196 = arith.index_cast %parallel_loop3A_97 : i32 to index
        %parallel_loop3A_197 = tpu.vector_load %arg10[%parallel_loop3A_195, %parallel_loop3A_196] {strides = array<i32>} : memref<2x20096xi32, #tpu.memory_space<vmem>>, vector<16xi32>,
        %parallel_loop3A_198 = arith.constant 0 : i32
        %parallel_loop3A_199 = arith.index_cast %parallel_loop3A_198 : i32 to index
        %parallel_loop3A_200 = arith.index_cast %parallel_loop3A_103 : i32 to index
        %parallel_loop3A_201 = tpu.vector_load %arg10[%parallel_loop3A_199, %parallel_loop3A_200] {strides = array<i32>} : memref<2x20096xi32, #tpu.memory_space<vmem>>, vector<16xi32>,
        %parallel_loop3A_202 = arith.constant 0 : i32
        %parallel_loop3A_203 = arith.index_cast %parallel_loop3A_202 : i32 to index
        %parallel_loop3A_204 = arith.index_cast %parallel_loop3A_109 : i32 to index
        %parallel_loop3A_205 = tpu.vector_load %arg10[%parallel_loop3A_203, %parallel_loop3A_204] {strides = array<i32>} : memref<2x20096xi32, #tpu.memory_space<vmem>>, vector<16xi32>,
        %parallel_loop3A_206 = arith.constant 0 : i32
        %parallel_loop3A_207 = arith.index_cast %parallel_loop3A_206 : i32 to index
        %parallel_loop3A_208 = arith.index_cast %parallel_loop3A_115 : i32 to index
        %parallel_loop3A_209 = tpu.vector_load %arg10[%parallel_loop3A_207, %parallel_loop3A_208] {strides = array<i32>} : memref<2x20096xi32, #tpu.memory_space<vmem>>, vector<16xi32>,
        %parallel_loop3A_210 = arith.constant 0 : i32
        %parallel_loop3A_211 = arith.index_cast %parallel_loop3A_210 : i32 to index
        %parallel_loop3A_212 = arith.index_cast %parallel_loop3A_121 : i32 to index
        %parallel_loop3A_213 = tpu.vector_load %arg10[%parallel_loop3A_211, %parallel_loop3A_212] {strides = array<i32>} : memref<2x20096xi32, #tpu.memory_space<vmem>>, vector<16xi32>,
        %parallel_loop3A_214 = arith.constant 0 : i32
        %parallel_loop3A_215 = arith.index_cast %parallel_loop3A_214 : i32 to index
        %parallel_loop3A_216 = arith.index_cast %parallel_loop3A_127 : i32 to index
        %parallel_loop3A_217 = tpu.vector_load %arg10[%parallel_loop3A_215, %parallel_loop3A_216] {strides = array<i32>} : memref<2x20096xi32, #tpu.memory_space<vmem>>, vector<16xi32>,
        %parallel_loop3A_218 = arith.constant 0 : i32
        %parallel_loop3A_219 = arith.index_cast %parallel_loop3A_218 : i32 to index
        %parallel_loop3A_220 = arith.index_cast %parallel_loop3A_133 : i32 to index
        %parallel_loop3A_221 = tpu.vector_load %arg10[%parallel_loop3A_219, %parallel_loop3A_220] {strides = array<i32>} : memref<2x20096xi32, #tpu.memory_space<vmem>>, vector<16xi32>,
        %parallel_loop3A_222 = arith.mulf %parallel_loop3A_166, %parallel_loop3A_175 : vector<16xf32>
        %parallel_loop3A_223 = arith.mulf %parallel_loop3A_167, %parallel_loop3A_177 : vector<16xf32>
        %parallel_loop3A_224 = arith.mulf %parallel_loop3A_168, %parallel_loop3A_179 : vector<16xf32>
        %parallel_loop3A_225 = arith.mulf %parallel_loop3A_169, %parallel_loop3A_181 : vector<16xf32>
        %parallel_loop3A_226 = arith.mulf %parallel_loop3A_170, %parallel_loop3A_183 : vector<16xf32>
        %parallel_loop3A_227 = arith.mulf %parallel_loop3A_171, %parallel_loop3A_185 : vector<16xf32>
        %parallel_loop3A_228 = arith.mulf %parallel_loop3A_172, %parallel_loop3A_187 : vector<16xf32>
        %parallel_loop3A_229 = arith.mulf %parallel_loop3A_173, %parallel_loop3A_189 : vector<16xf32>
        tpu.vector_store_idx %arg13[%parallel_loop3A_193], %parallel_loop3A_222 {add = true} : memref<10240xf32, #tpu.memory_space<vmem>>[vector<16xi32>], vector<16xf32>,
        tpu.vector_store_idx %arg13[%parallel_loop3A_197], %parallel_loop3A_223 {add = true} : memref<10240xf32, #tpu.memory_space<vmem>>[vector<16xi32>], vector<16xf32>,
        tpu.vector_store_idx %arg13[%parallel_loop3A_201], %parallel_loop3A_224 {add = true} : memref<10240xf32, #tpu.memory_space<vmem>>[vector<16xi32>], vector<16xf32>,
        tpu.vector_store_idx %arg13[%parallel_loop3A_205], %parallel_loop3A_225 {add = true} : memref<10240xf32, #tpu.memory_space<vmem>>[vector<16xi32>], vector<16xf32>,
        tpu.vector_store_idx %arg13[%parallel_loop3A_209], %parallel_loop3A_226 {add = true} : memref<10240xf32, #tpu.memory_space<vmem>>[vector<16xi32>], vector<16xf32>,
        tpu.vector_store_idx %arg13[%parallel_loop3A_213], %parallel_loop3A_227 {add = true} : memref<10240xf32, #tpu.memory_space<vmem>>[vector<16xi32>], vector<16xf32>,
        tpu.vector_store_idx %arg13[%parallel_loop3A_217], %parallel_loop3A_228 {add = true} : memref<10240xf32, #tpu.memory_space<vmem>>[vector<16xi32>], vector<16xf32>,
        tpu.vector_store_idx %arg13[%parallel_loop3A_221], %parallel_loop3A_229 {add = true} : memref<10240xf32, #tpu.memory_space<vmem>>[vector<16xi32>], vector<16xf32>,
      } {sc.loop_unroll_factor = 1 : i64, sc.parallel_access}
      %convert_element_type3A_59 = arith.extui %lt3A_11 : i1 to i32
      %cond3A_60 = arith.constant 0 : i32
      %cond3A_61 = arith.cmpi ne, %convert_element_type3A_59, %cond3A_60 : i32
      scf.if %cond3A_61 {
        %get3A = arith.constant 1 : i32
        %get3A_85 = arith.index_cast %get3A : i32 to index
        %get3A_86 = arith.constant 19968 : index
        %get3A_87 = tpu.vector_load %arg10[%get3A_85, %get3A_86] {strides = array<i32>} : memref<2x20096xi32, #tpu.memory_space<vmem>>, vector<16xi32>,
        %get3A_88 = arith.constant 1 : i32
        %get3A_89 = arith.index_cast %get3A_88 : i32 to index
        %get3A_90 = arith.constant 19984 : index
        %get3A_91 = tpu.vector_load %arg10[%get3A_89, %get3A_90] {strides = array<i32>} : memref<2x20096xi32, #tpu.memory_space<vmem>>, vector<16xi32>,
        %get3A_92 = arith.constant 1 : i32
        %get3A_93 = arith.index_cast %get3A_92 : i32 to index
        %get3A_94 = arith.constant 20000 : index
        %get3A_95 = tpu.vector_load %arg10[%get3A_93, %get3A_94] {strides = array<i32>} : memref<2x20096xi32, #tpu.memory_space<vmem>>, vector<16xi32>,
        %get3A_96 = arith.constant 1 : i32
        %get3A_97 = arith.index_cast %get3A_96 : i32 to index
        %get3A_98 = arith.constant 20016 : index
        %get3A_99 = tpu.vector_load %arg10[%get3A_97, %get3A_98] {strides = array<i32>} : memref<2x20096xi32, #tpu.memory_space<vmem>>, vector<16xi32>,
        %get3A_100 = arith.constant 1 : i32
        %get3A_101 = arith.index_cast %get3A_100 : i32 to index
        %get3A_102 = arith.constant 20032 : index
        %get3A_103 = tpu.vector_load %arg10[%get3A_101, %get3A_102] {strides = array<i32>} : memref<2x20096xi32, #tpu.memory_space<vmem>>, vector<16xi32>,
        %get3A_104 = arith.constant 1 : i32
        %get3A_105 = arith.index_cast %get3A_104 : i32 to index
        %get3A_106 = arith.constant 20048 : index
        %get3A_107 = tpu.vector_load %arg10[%get3A_105, %get3A_106] {strides = array<i32>} : memref<2x20096xi32, #tpu.memory_space<vmem>>, vector<16xi32>,
        %get3A_108 = arith.constant 1 : i32
        %get3A_109 = arith.index_cast %get3A_108 : i32 to index
        %get3A_110 = arith.constant 20064 : index
        %get3A_111 = tpu.vector_load %arg10[%get3A_109, %get3A_110] {strides = array<i32>} : memref<2x20096xi32, #tpu.memory_space<vmem>>, vector<16xi32>,
        %get3A_112 = arith.constant 1 : i32
        %get3A_113 = arith.index_cast %get3A_112 : i32 to index
        %get3A_114 = arith.constant 20080 : index
        %get3A_115 = tpu.vector_load %arg10[%get3A_113, %get3A_114] {strides = array<i32>} : memref<2x20096xi32, #tpu.memory_space<vmem>>, vector<16xi32>,
        %gather3A = tpu.vector_load_idx %arg12[%get3A_87] : memref<10240xf32, #tpu.memory_space<vmem>>[vector<16xi32>], vector<16xf32>,
        %gather3A_116 = tpu.vector_load_idx %arg12[%get3A_91] : memref<10240xf32, #tpu.memory_space<vmem>>[vector<16xi32>], vector<16xf32>,
        %gather3A_117 = tpu.vector_load_idx %arg12[%get3A_95] : memref<10240xf32, #tpu.memory_space<vmem>>[vector<16xi32>], vector<16xf32>,
        %gather3A_118 = tpu.vector_load_idx %arg12[%get3A_99] : memref<10240xf32, #tpu.memory_space<vmem>>[vector<16xi32>], vector<16xf32>,
        %gather3A_119 = tpu.vector_load_idx %arg12[%get3A_103] : memref<10240xf32, #tpu.memory_space<vmem>>[vector<16xi32>], vector<16xf32>,
        %gather3A_120 = tpu.vector_load_idx %arg12[%get3A_107] : memref<10240xf32, #tpu.memory_space<vmem>>[vector<16xi32>], vector<16xf32>,
        %gather3A_121 = tpu.vector_load_idx %arg12[%get3A_111] : memref<10240xf32, #tpu.memory_space<vmem>>[vector<16xi32>], vector<16xf32>,
        %gather3A_122 = tpu.vector_load_idx %arg12[%get3A_115] : memref<10240xf32, #tpu.memory_space<vmem>>[vector<16xi32>], vector<16xf32>,
        %get3A_123 = arith.constant 19968 : index
        %get3A_124 = tpu.vector_load %arg11[%get3A_123] {strides = array<i32>} : memref<20096xf32, #tpu.memory_space<vmem>>, vector<16xf32>,
        %get3A_125 = arith.constant 19984 : index
        %get3A_126 = tpu.vector_load %arg11[%get3A_125] {strides = array<i32>} : memref<20096xf32, #tpu.memory_space<vmem>>, vector<16xf32>,
        %get3A_127 = arith.constant 20000 : index
        %get3A_128 = tpu.vector_load %arg11[%get3A_127] {strides = array<i32>} : memref<20096xf32, #tpu.memory_space<vmem>>, vector<16xf32>,
        %get3A_129 = arith.constant 20016 : index
        %get3A_130 = tpu.vector_load %arg11[%get3A_129] {strides = array<i32>} : memref<20096xf32, #tpu.memory_space<vmem>>, vector<16xf32>,
        %get3A_131 = arith.constant 20032 : index
        %get3A_132 = tpu.vector_load %arg11[%get3A_131] {strides = array<i32>} : memref<20096xf32, #tpu.memory_space<vmem>>, vector<16xf32>,
        %get3A_133 = arith.constant 20048 : index
        %get3A_134 = tpu.vector_load %arg11[%get3A_133] {strides = array<i32>} : memref<20096xf32, #tpu.memory_space<vmem>>, vector<16xf32>,
        %get3A_135 = arith.constant 20064 : index
        %get3A_136 = tpu.vector_load %arg11[%get3A_135] {strides = array<i32>} : memref<20096xf32, #tpu.memory_space<vmem>>, vector<16xf32>,
        %get3A_137 = arith.constant 20080 : index
        %get3A_138 = tpu.vector_load %arg11[%get3A_137] {strides = array<i32>} : memref<20096xf32, #tpu.memory_space<vmem>>, vector<16xf32>,
        %get3A_139 = arith.constant 0 : i32
        %get3A_140 = arith.index_cast %get3A_139 : i32 to index
        %get3A_141 = arith.constant 19968 : index
        %get3A_142 = tpu.vector_load %arg10[%get3A_140, %get3A_141] {strides = array<i32>} : memref<2x20096xi32, #tpu.memory_space<vmem>>, vector<16xi32>,
        %get3A_143 = arith.constant 0 : i32
        %get3A_144 = arith.index_cast %get3A_143 : i32 to index
        %get3A_145 = arith.constant 19984 : index
        %get3A_146 = tpu.vector_load %arg10[%get3A_144, %get3A_145] {strides = array<i32>} : memref<2x20096xi32, #tpu.memory_space<vmem>>, vector<16xi32>,
        %get3A_147 = arith.constant 0 : i32
        %get3A_148 = arith.index_cast %get3A_147 : i32 to index
        %get3A_149 = arith.constant 20000 : index
        %get3A_150 = tpu.vector_load %arg10[%get3A_148, %get3A_149] {strides = array<i32>} : memref<2x20096xi32, #tpu.memory_space<vmem>>, vector<16xi32>,
        %get3A_151 = arith.constant 0 : i32
        %get3A_152 = arith.index_cast %get3A_151 : i32 to index
        %get3A_153 = arith.constant 20016 : index
        %get3A_154 = tpu.vector_load %arg10[%get3A_152, %get3A_153] {strides = array<i32>} : memref<2x20096xi32, #tpu.memory_space<vmem>>, vector<16xi32>,
        %get3A_155 = arith.constant 0 : i32
        %get3A_156 = arith.index_cast %get3A_155 : i32 to index
        %get3A_157 = arith.constant 20032 : index
        %get3A_158 = tpu.vector_load %arg10[%get3A_156, %get3A_157] {strides = array<i32>} : memref<2x20096xi32, #tpu.memory_space<vmem>>, vector<16xi32>,
        %get3A_159 = arith.constant 0 : i32
        %get3A_160 = arith.index_cast %get3A_159 : i32 to index
        %get3A_161 = arith.constant 20048 : index
        %get3A_162 = tpu.vector_load %arg10[%get3A_160, %get3A_161] {strides = array<i32>} : memref<2x20096xi32, #tpu.memory_space<vmem>>, vector<16xi32>,
        %get3A_163 = arith.constant 0 : i32
        %get3A_164 = arith.index_cast %get3A_163 : i32 to index
        %get3A_165 = arith.constant 20064 : index
        %get3A_166 = tpu.vector_load %arg10[%get3A_164, %get3A_165] {strides = array<i32>} : memref<2x20096xi32, #tpu.memory_space<vmem>>, vector<16xi32>,
        %get3A_167 = arith.constant 0 : i32
        %get3A_168 = arith.index_cast %get3A_167 : i32 to index
        %get3A_169 = arith.constant 20080 : index
        %get3A_170 = tpu.vector_load %arg10[%get3A_168, %get3A_169] {strides = array<i32>} : memref<2x20096xi32, #tpu.memory_space<vmem>>, vector<16xi32>,
        %mul3A_171 = arith.mulf %gather3A, %get3A_124 : vector<16xf32>
        %mul3A_172 = arith.mulf %gather3A_116, %get3A_126 : vector<16xf32>
        %mul3A_173 = arith.mulf %gather3A_117, %get3A_128 : vector<16xf32>
        %mul3A_174 = arith.mulf %gather3A_118, %get3A_130 : vector<16xf32>
        %mul3A_175 = arith.mulf %gather3A_119, %get3A_132 : vector<16xf32>
        %mul3A_176 = arith.mulf %gather3A_120, %get3A_134 : vector<16xf32>
        %mul3A_177 = arith.mulf %gather3A_121, %get3A_136 : vector<16xf32>
        %mul3A_178 = arith.mulf %gather3A_122, %get3A_138 : vector<16xf32>
        tpu.vector_store_idx %arg13[%get3A_142], %mul3A_171 {add = true} : memref<10240xf32, #tpu.memory_space<vmem>>[vector<16xi32>], vector<16xf32>,
        tpu.vector_store_idx %arg13[%get3A_146], %mul3A_172 {add = true} : memref<10240xf32, #tpu.memory_space<vmem>>[vector<16xi32>], vector<16xf32>,
        tpu.vector_store_idx %arg13[%get3A_150], %mul3A_173 {add = true} : memref<10240xf32, #tpu.memory_space<vmem>>[vector<16xi32>], vector<16xf32>,
        tpu.vector_store_idx %arg13[%get3A_154], %mul3A_174 {add = true} : memref<10240xf32, #tpu.memory_space<vmem>>[vector<16xi32>], vector<16xf32>,
        tpu.vector_store_idx %arg13[%get3A_158], %mul3A_175 {add = true} : memref<10240xf32, #tpu.memory_space<vmem>>[vector<16xi32>], vector<16xf32>,
        tpu.vector_store_idx %arg13[%get3A_162], %mul3A_176 {add = true} : memref<10240xf32, #tpu.memory_space<vmem>>[vector<16xi32>], vector<16xf32>,
        tpu.vector_store_idx %arg13[%get3A_166], %mul3A_177 {add = true} : memref<10240xf32, #tpu.memory_space<vmem>>[vector<16xi32>], vector<16xf32>,
        tpu.vector_store_idx %arg13[%get3A_170], %mul3A_178 {add = true} : memref<10240xf32, #tpu.memory_space<vmem>>[vector<16xi32>], vector<16xf32>,
      } else {
      }
      "tpu.region"() ({
        %run_scoped3A = tpu.sem_alloc : memref<!tpu.dma_semaphore, #tpu.memory_space<semaphore_mem>>
        %dma_start3A_85 = arith.constant 0 : i32
        %dma_start3A_86 = tpu.memref_slice %arg22[%arg1, %dma_start3A_85] : memref<16x10240xf32, #tpu.memory_space<vmem_shared>> -> memref<1x10240xf32, #tpu.memory_space<vmem_shared>>
        %dma_start3A_87 = tpu.memref_squeeze %dma_start3A_86 : memref<1x10240xf32, #tpu.memory_space<vmem_shared>> -> memref<10240xf32, #tpu.memory_space<vmem_shared>>
        %dma_start3A_88 = arith.constant 0 : i32
        %dma_start3A_89 = tpu.memref_slice %arg22[%arg1, %dma_start3A_88] : memref<16x10240xf32, #tpu.memory_space<vmem_shared>> -> memref<1x10240xf32, #tpu.memory_space<vmem_shared>>
        %dma_start3A_90 = tpu.memref_squeeze %dma_start3A_89 : memref<1x10240xf32, #tpu.memory_space<vmem_shared>> -> memref<10240xf32, #tpu.memory_space<vmem_shared>>
        tpu.enqueue_dma source(%arg13 : memref<10240xf32, #tpu.memory_space<vmem>>) target(%dma_start3A_90 : memref<10240xf32, #tpu.memory_space<vmem_shared>>) target_semaphore(%run_scoped3A : memref<!tpu.dma_semaphore, #tpu.memory_space<semaphore_mem>>)
        %dma_wait3A_91 = arith.constant 0 : i32
        %dma_wait3A_92 = tpu.memref_slice %arg22[%arg1, %dma_wait3A_91] : memref<16x10240xf32, #tpu.memory_space<vmem_shared>> -> memref<1x10240xf32, #tpu.memory_space<vmem_shared>>
        %dma_wait3A_93 = tpu.memref_squeeze %dma_wait3A_92 : memref<1x10240xf32, #tpu.memory_space<vmem_shared>> -> memref<10240xf32, #tpu.memory_space<vmem_shared>>
        %dma_wait3A_94 = arith.constant 0 : i32
        %dma_wait3A_95 = tpu.memref_slice %arg22[%arg1, %dma_wait3A_94] : memref<16x10240xf32, #tpu.memory_space<vmem_shared>> -> memref<1x10240xf32, #tpu.memory_space<vmem_shared>>
        %dma_wait3A_96 = tpu.memref_squeeze %dma_wait3A_95 : memref<1x10240xf32, #tpu.memory_space<vmem_shared>> -> memref<10240xf32, #tpu.memory_space<vmem_shared>>
        tpu.wait_dma2 semaphore(%run_scoped3A : memref<!tpu.dma_semaphore, #tpu.memory_space<semaphore_mem>>) src(%arg13 : memref<10240xf32, #tpu.memory_space<vmem>>) dst(%dma_wait3A_96 : memref<10240xf32, #tpu.memory_space<vmem_shared>>)
        tpu.yield
      }) : () -> ()
      %barrier3A_62 = arith.constant 0 : index
      tpu.barrier barrier_id(%barrier3A_62)
      "tpu.region"() ({
        %run_scoped3A = tpu.sem_alloc : memref<!tpu.dma_semaphore, #tpu.memory_space<semaphore_mem>>
        %dma_start3A_85 = arith.constant 0 : i32
        %dma_start3A_86 = tpu.memref_slice %arg22[%dma_start3A_85, %mul3A_13] : memref<16x10240xf32, #tpu.memory_space<vmem_shared>> -> memref<16x640xf32, #tpu.memory_space<vmem_shared>>
        %dma_start3A_87 = arith.constant 0 : i32
        %dma_start3A_88 = tpu.memref_slice %arg22[%dma_start3A_87, %mul3A_13] : memref<16x10240xf32, #tpu.memory_space<vmem_shared>> -> memref<16x640xf32, #tpu.memory_space<vmem_shared>>
        tpu.enqueue_dma source(%dma_start3A_88 : memref<16x640xf32, #tpu.memory_space<vmem_shared>>) target(%arg14 : memref<16x640xf32, #tpu.memory_space<vmem>>) target_semaphore(%run_scoped3A : memref<!tpu.dma_semaphore, #tpu.memory_space<semaphore_mem>>)
        %dma_wait3A_89 = arith.constant 0 : i32
        %dma_wait3A_90 = tpu.memref_slice %arg22[%dma_wait3A_89, %mul3A_13] : memref<16x10240xf32, #tpu.memory_space<vmem_shared>> -> memref<16x640xf32, #tpu.memory_space<vmem_shared>>
        %dma_wait3A_91 = arith.constant 0 : i32
        %dma_wait3A_92 = tpu.memref_slice %arg22[%dma_wait3A_91, %mul3A_13] : memref<16x10240xf32, #tpu.memory_space<vmem_shared>> -> memref<16x640xf32, #tpu.memory_space<vmem_shared>>
        tpu.wait_dma2 semaphore(%run_scoped3A : memref<!tpu.dma_semaphore, #tpu.memory_space<semaphore_mem>>) src(%dma_wait3A_92 : memref<16x640xf32, #tpu.memory_space<vmem_shared>>) dst(%arg14 : memref<16x640xf32, #tpu.memory_space<vmem>>)
        tpu.yield
      }) : () -> ()
      %barrier3A_63 = arith.constant 0 : index
      tpu.barrier barrier_id(%barrier3A_63)
      %parallel_loop3A_64 = arith.constant 0 : i32
      %parallel_loop3A_65 = arith.constant 20 : i32
      %parallel_loop3A_66 = arith.constant 1 : i32
      scf.for %parallel_loop3A_85 = %parallel_loop3A_64 to %parallel_loop3A_65 step %parallel_loop3A_66  : i32 {
        %parallel_loop3A_86 = arith.constant 32 : i32
        %parallel_loop3A_87 = arith.muli %parallel_loop3A_85, %parallel_loop3A_86 : i32
        %parallel_loop3A_88 = arith.constant 32 : i32
        %parallel_loop3A_89 = arith.muli %parallel_loop3A_85, %parallel_loop3A_88 : i32
        %parallel_loop3A_90 = arith.constant 16 : i32
        %parallel_loop3A_91 = arith.addi %parallel_loop3A_89, %parallel_loop3A_90 : i32
        %parallel_loop3A_92 = arith.constant 0 : i32
        %parallel_loop3A_93 = arith.index_cast %parallel_loop3A_92 : i32 to index
        %parallel_loop3A_94 = arith.index_cast %parallel_loop3A_87 : i32 to index
        %parallel_loop3A_95 = tpu.vector_load %arg14[%parallel_loop3A_93, %parallel_loop3A_94] {strides = array<i32>} : memref<16x640xf32, #tpu.memory_space<vmem>>, vector<16xf32>,
        %parallel_loop3A_96 = arith.constant 0 : i32
        %parallel_loop3A_97 = arith.index_cast %parallel_loop3A_96 : i32 to index
        %parallel_loop3A_98 = arith.index_cast %parallel_loop3A_91 : i32 to index
        %parallel_loop3A_99 = tpu.vector_load %arg14[%parallel_loop3A_97, %parallel_loop3A_98] {strides = array<i32>} : memref<16x640xf32, #tpu.memory_space<vmem>>, vector<16xf32>,
        %parallel_loop3A_100 = arith.constant 1 : i32
        %parallel_loop3A_101 = arith.index_cast %parallel_loop3A_100 : i32 to index
        %parallel_loop3A_102 = arith.index_cast %parallel_loop3A_87 : i32 to index
        %parallel_loop3A_103 = tpu.vector_load %arg14[%parallel_loop3A_101, %parallel_loop3A_102] {strides = array<i32>} : memref<16x640xf32, #tpu.memory_space<vmem>>, vector<16xf32>,
        %parallel_loop3A_104 = arith.addf %parallel_loop3A_95, %parallel_loop3A_103 : vector<16xf32>
        %parallel_loop3A_105 = arith.constant 1 : i32
        %parallel_loop3A_106 = arith.index_cast %parallel_loop3A_105 : i32 to index
        %parallel_loop3A_107 = arith.index_cast %parallel_loop3A_91 : i32 to index
        %parallel_loop3A_108 = tpu.vector_load %arg14[%parallel_loop3A_106, %parallel_loop3A_107] {strides = array<i32>} : memref<16x640xf32, #tpu.memory_space<vmem>>, vector<16xf32>,
        %parallel_loop3A_109 = arith.addf %parallel_loop3A_99, %parallel_loop3A_108 : vector<16xf32>
        %parallel_loop3A_110 = arith.constant 2 : i32
        %parallel_loop3A_111 = arith.index_cast %parallel_loop3A_110 : i32 to index
        %parallel_loop3A_112 = arith.index_cast %parallel_loop3A_87 : i32 to index
        %parallel_loop3A_113 = tpu.vector_load %arg14[%parallel_loop3A_111, %parallel_loop3A_112] {strides = array<i32>} : memref<16x640xf32, #tpu.memory_space<vmem>>, vector<16xf32>,
        %parallel_loop3A_114 = arith.addf %parallel_loop3A_104, %parallel_loop3A_113 : vector<16xf32>
        %parallel_loop3A_115 = arith.constant 2 : i32
        %parallel_loop3A_116 = arith.index_cast %parallel_loop3A_115 : i32 to index
        %parallel_loop3A_117 = arith.index_cast %parallel_loop3A_91 : i32 to index
        %parallel_loop3A_118 = tpu.vector_load %arg14[%parallel_loop3A_116, %parallel_loop3A_117] {strides = array<i32>} : memref<16x640xf32, #tpu.memory_space<vmem>>, vector<16xf32>,
        %parallel_loop3A_119 = arith.addf %parallel_loop3A_109, %parallel_loop3A_118 : vector<16xf32>
        %parallel_loop3A_120 = arith.constant 3 : i32
        %parallel_loop3A_121 = arith.index_cast %parallel_loop3A_120 : i32 to index
        %parallel_loop3A_122 = arith.index_cast %parallel_loop3A_87 : i32 to index
        %parallel_loop3A_123 = tpu.vector_load %arg14[%parallel_loop3A_121, %parallel_loop3A_122] {strides = array<i32>} : memref<16x640xf32, #tpu.memory_space<vmem>>, vector<16xf32>,
        %parallel_loop3A_124 = arith.addf %parallel_loop3A_114, %parallel_loop3A_123 : vector<16xf32>
        %parallel_loop3A_125 = arith.constant 3 : i32
        %parallel_loop3A_126 = arith.index_cast %parallel_loop3A_125 : i32 to index
        %parallel_loop3A_127 = arith.index_cast %parallel_loop3A_91 : i32 to index
        %parallel_loop3A_128 = tpu.vector_load %arg14[%parallel_loop3A_126, %parallel_loop3A_127] {strides = array<i32>} : memref<16x640xf32, #tpu.memory_space<vmem>>, vector<16xf32>,
        %parallel_loop3A_129 = arith.addf %parallel_loop3A_119, %parallel_loop3A_128 : vector<16xf32>
        %parallel_loop3A_130 = arith.constant 4 : i32
        %parallel_loop3A_131 = arith.index_cast %parallel_loop3A_130 : i32 to index
        %parallel_loop3A_132 = arith.index_cast %parallel_loop3A_87 : i32 to index
        %parallel_loop3A_133 = tpu.vector_load %arg14[%parallel_loop3A_131, %parallel_loop3A_132] {strides = array<i32>} : memref<16x640xf32, #tpu.memory_space<vmem>>, vector<16xf32>,
        %parallel_loop3A_134 = arith.addf %parallel_loop3A_124, %parallel_loop3A_133 : vector<16xf32>
        %parallel_loop3A_135 = arith.constant 4 : i32
        %parallel_loop3A_136 = arith.index_cast %parallel_loop3A_135 : i32 to index
        %parallel_loop3A_137 = arith.index_cast %parallel_loop3A_91 : i32 to index
        %parallel_loop3A_138 = tpu.vector_load %arg14[%parallel_loop3A_136, %parallel_loop3A_137] {strides = array<i32>} : memref<16x640xf32, #tpu.memory_space<vmem>>, vector<16xf32>,
        %parallel_loop3A_139 = arith.addf %parallel_loop3A_129, %parallel_loop3A_138 : vector<16xf32>
        %parallel_loop3A_140 = arith.constant 5 : i32
        %parallel_loop3A_141 = arith.index_cast %parallel_loop3A_140 : i32 to index
        %parallel_loop3A_142 = arith.index_cast %parallel_loop3A_87 : i32 to index
        %parallel_loop3A_143 = tpu.vector_load %arg14[%parallel_loop3A_141, %parallel_loop3A_142] {strides = array<i32>} : memref<16x640xf32, #tpu.memory_space<vmem>>, vector<16xf32>,
        %parallel_loop3A_144 = arith.addf %parallel_loop3A_134, %parallel_loop3A_143 : vector<16xf32>
        %parallel_loop3A_145 = arith.constant 5 : i32
        %parallel_loop3A_146 = arith.index_cast %parallel_loop3A_145 : i32 to index
        %parallel_loop3A_147 = arith.index_cast %parallel_loop3A_91 : i32 to index
        %parallel_loop3A_148 = tpu.vector_load %arg14[%parallel_loop3A_146, %parallel_loop3A_147] {strides = array<i32>} : memref<16x640xf32, #tpu.memory_space<vmem>>, vector<16xf32>,
        %parallel_loop3A_149 = arith.addf %parallel_loop3A_139, %parallel_loop3A_148 : vector<16xf32>
        %parallel_loop3A_150 = arith.constant 6 : i32
        %parallel_loop3A_151 = arith.index_cast %parallel_loop3A_150 : i32 to index
        %parallel_loop3A_152 = arith.index_cast %parallel_loop3A_87 : i32 to index
        %parallel_loop3A_153 = tpu.vector_load %arg14[%parallel_loop3A_151, %parallel_loop3A_152] {strides = array<i32>} : memref<16x640xf32, #tpu.memory_space<vmem>>, vector<16xf32>,
        %parallel_loop3A_154 = arith.addf %parallel_loop3A_144, %parallel_loop3A_153 : vector<16xf32>
        %parallel_loop3A_155 = arith.constant 6 : i32
        %parallel_loop3A_156 = arith.index_cast %parallel_loop3A_155 : i32 to index
        %parallel_loop3A_157 = arith.index_cast %parallel_loop3A_91 : i32 to index
        %parallel_loop3A_158 = tpu.vector_load %arg14[%parallel_loop3A_156, %parallel_loop3A_157] {strides = array<i32>} : memref<16x640xf32, #tpu.memory_space<vmem>>, vector<16xf32>,
        %parallel_loop3A_159 = arith.addf %parallel_loop3A_149, %parallel_loop3A_158 : vector<16xf32>
        %parallel_loop3A_160 = arith.constant 7 : i32
        %parallel_loop3A_161 = arith.index_cast %parallel_loop3A_160 : i32 to index
        %parallel_loop3A_162 = arith.index_cast %parallel_loop3A_87 : i32 to index
        %parallel_loop3A_163 = tpu.vector_load %arg14[%parallel_loop3A_161, %parallel_loop3A_162] {strides = array<i32>} : memref<16x640xf32, #tpu.memory_space<vmem>>, vector<16xf32>,
        %parallel_loop3A_164 = arith.addf %parallel_loop3A_154, %parallel_loop3A_163 : vector<16xf32>
        %parallel_loop3A_165 = arith.constant 7 : i32
        %parallel_loop3A_166 = arith.index_cast %parallel_loop3A_165 : i32 to index
        %parallel_loop3A_167 = arith.index_cast %parallel_loop3A_91 : i32 to index
        %parallel_loop3A_168 = tpu.vector_load %arg14[%parallel_loop3A_166, %parallel_loop3A_167] {strides = array<i32>} : memref<16x640xf32, #tpu.memory_space<vmem>>, vector<16xf32>,
        %parallel_loop3A_169 = arith.addf %parallel_loop3A_159, %parallel_loop3A_168 : vector<16xf32>
        %parallel_loop3A_170 = arith.constant 8 : i32
        %parallel_loop3A_171 = arith.index_cast %parallel_loop3A_170 : i32 to index
        %parallel_loop3A_172 = arith.index_cast %parallel_loop3A_87 : i32 to index
        %parallel_loop3A_173 = tpu.vector_load %arg14[%parallel_loop3A_171, %parallel_loop3A_172] {strides = array<i32>} : memref<16x640xf32, #tpu.memory_space<vmem>>, vector<16xf32>,
        %parallel_loop3A_174 = arith.addf %parallel_loop3A_164, %parallel_loop3A_173 : vector<16xf32>
        %parallel_loop3A_175 = arith.constant 8 : i32
        %parallel_loop3A_176 = arith.index_cast %parallel_loop3A_175 : i32 to index
        %parallel_loop3A_177 = arith.index_cast %parallel_loop3A_91 : i32 to index
        %parallel_loop3A_178 = tpu.vector_load %arg14[%parallel_loop3A_176, %parallel_loop3A_177] {strides = array<i32>} : memref<16x640xf32, #tpu.memory_space<vmem>>, vector<16xf32>,
        %parallel_loop3A_179 = arith.addf %parallel_loop3A_169, %parallel_loop3A_178 : vector<16xf32>
        %parallel_loop3A_180 = arith.constant 9 : i32
        %parallel_loop3A_181 = arith.index_cast %parallel_loop3A_180 : i32 to index
        %parallel_loop3A_182 = arith.index_cast %parallel_loop3A_87 : i32 to index
        %parallel_loop3A_183 = tpu.vector_load %arg14[%parallel_loop3A_181, %parallel_loop3A_182] {strides = array<i32>} : memref<16x640xf32, #tpu.memory_space<vmem>>, vector<16xf32>,
        %parallel_loop3A_184 = arith.addf %parallel_loop3A_174, %parallel_loop3A_183 : vector<16xf32>
        %parallel_loop3A_185 = arith.constant 9 : i32
        %parallel_loop3A_186 = arith.index_cast %parallel_loop3A_185 : i32 to index
        %parallel_loop3A_187 = arith.index_cast %parallel_loop3A_91 : i32 to index
        %parallel_loop3A_188 = tpu.vector_load %arg14[%parallel_loop3A_186, %parallel_loop3A_187] {strides = array<i32>} : memref<16x640xf32, #tpu.memory_space<vmem>>, vector<16xf32>,
        %parallel_loop3A_189 = arith.addf %parallel_loop3A_179, %parallel_loop3A_188 : vector<16xf32>
        %parallel_loop3A_190 = arith.constant 10 : i32
        %parallel_loop3A_191 = arith.index_cast %parallel_loop3A_190 : i32 to index
        %parallel_loop3A_192 = arith.index_cast %parallel_loop3A_87 : i32 to index
        %parallel_loop3A_193 = tpu.vector_load %arg14[%parallel_loop3A_191, %parallel_loop3A_192] {strides = array<i32>} : memref<16x640xf32, #tpu.memory_space<vmem>>, vector<16xf32>,
        %parallel_loop3A_194 = arith.addf %parallel_loop3A_184, %parallel_loop3A_193 : vector<16xf32>
        %parallel_loop3A_195 = arith.constant 10 : i32
        %parallel_loop3A_196 = arith.index_cast %parallel_loop3A_195 : i32 to index
        %parallel_loop3A_197 = arith.index_cast %parallel_loop3A_91 : i32 to index
        %parallel_loop3A_198 = tpu.vector_load %arg14[%parallel_loop3A_196, %parallel_loop3A_197] {strides = array<i32>} : memref<16x640xf32, #tpu.memory_space<vmem>>, vector<16xf32>,
        %parallel_loop3A_199 = arith.addf %parallel_loop3A_189, %parallel_loop3A_198 : vector<16xf32>
        %parallel_loop3A_200 = arith.constant 11 : i32
        %parallel_loop3A_201 = arith.index_cast %parallel_loop3A_200 : i32 to index
        %parallel_loop3A_202 = arith.index_cast %parallel_loop3A_87 : i32 to index
        %parallel_loop3A_203 = tpu.vector_load %arg14[%parallel_loop3A_201, %parallel_loop3A_202] {strides = array<i32>} : memref<16x640xf32, #tpu.memory_space<vmem>>, vector<16xf32>,
        %parallel_loop3A_204 = arith.addf %parallel_loop3A_194, %parallel_loop3A_203 : vector<16xf32>
        %parallel_loop3A_205 = arith.constant 11 : i32
        %parallel_loop3A_206 = arith.index_cast %parallel_loop3A_205 : i32 to index
        %parallel_loop3A_207 = arith.index_cast %parallel_loop3A_91 : i32 to index
        %parallel_loop3A_208 = tpu.vector_load %arg14[%parallel_loop3A_206, %parallel_loop3A_207] {strides = array<i32>} : memref<16x640xf32, #tpu.memory_space<vmem>>, vector<16xf32>,
        %parallel_loop3A_209 = arith.addf %parallel_loop3A_199, %parallel_loop3A_208 : vector<16xf32>
        %parallel_loop3A_210 = arith.constant 12 : i32
        %parallel_loop3A_211 = arith.index_cast %parallel_loop3A_210 : i32 to index
        %parallel_loop3A_212 = arith.index_cast %parallel_loop3A_87 : i32 to index
        %parallel_loop3A_213 = tpu.vector_load %arg14[%parallel_loop3A_211, %parallel_loop3A_212] {strides = array<i32>} : memref<16x640xf32, #tpu.memory_space<vmem>>, vector<16xf32>,
        %parallel_loop3A_214 = arith.addf %parallel_loop3A_204, %parallel_loop3A_213 : vector<16xf32>
        %parallel_loop3A_215 = arith.constant 12 : i32
        %parallel_loop3A_216 = arith.index_cast %parallel_loop3A_215 : i32 to index
        %parallel_loop3A_217 = arith.index_cast %parallel_loop3A_91 : i32 to index
        %parallel_loop3A_218 = tpu.vector_load %arg14[%parallel_loop3A_216, %parallel_loop3A_217] {strides = array<i32>} : memref<16x640xf32, #tpu.memory_space<vmem>>, vector<16xf32>,
        %parallel_loop3A_219 = arith.addf %parallel_loop3A_209, %parallel_loop3A_218 : vector<16xf32>
        %parallel_loop3A_220 = arith.constant 13 : i32
        %parallel_loop3A_221 = arith.index_cast %parallel_loop3A_220 : i32 to index
        %parallel_loop3A_222 = arith.index_cast %parallel_loop3A_87 : i32 to index
        %parallel_loop3A_223 = tpu.vector_load %arg14[%parallel_loop3A_221, %parallel_loop3A_222] {strides = array<i32>} : memref<16x640xf32, #tpu.memory_space<vmem>>, vector<16xf32>,
        %parallel_loop3A_224 = arith.addf %parallel_loop3A_214, %parallel_loop3A_223 : vector<16xf32>
        %parallel_loop3A_225 = arith.constant 13 : i32
        %parallel_loop3A_226 = arith.index_cast %parallel_loop3A_225 : i32 to index
        %parallel_loop3A_227 = arith.index_cast %parallel_loop3A_91 : i32 to index
        %parallel_loop3A_228 = tpu.vector_load %arg14[%parallel_loop3A_226, %parallel_loop3A_227] {strides = array<i32>} : memref<16x640xf32, #tpu.memory_space<vmem>>, vector<16xf32>,
        %parallel_loop3A_229 = arith.addf %parallel_loop3A_219, %parallel_loop3A_228 : vector<16xf32>
        %parallel_loop3A_230 = arith.constant 14 : i32
        %parallel_loop3A_231 = arith.index_cast %parallel_loop3A_230 : i32 to index
        %parallel_loop3A_232 = arith.index_cast %parallel_loop3A_87 : i32 to index
        %parallel_loop3A_233 = tpu.vector_load %arg14[%parallel_loop3A_231, %parallel_loop3A_232] {strides = array<i32>} : memref<16x640xf32, #tpu.memory_space<vmem>>, vector<16xf32>,
        %parallel_loop3A_234 = arith.addf %parallel_loop3A_224, %parallel_loop3A_233 : vector<16xf32>
        %parallel_loop3A_235 = arith.constant 14 : i32
        %parallel_loop3A_236 = arith.index_cast %parallel_loop3A_235 : i32 to index
        %parallel_loop3A_237 = arith.index_cast %parallel_loop3A_91 : i32 to index
        %parallel_loop3A_238 = tpu.vector_load %arg14[%parallel_loop3A_236, %parallel_loop3A_237] {strides = array<i32>} : memref<16x640xf32, #tpu.memory_space<vmem>>, vector<16xf32>,
        %parallel_loop3A_239 = arith.addf %parallel_loop3A_229, %parallel_loop3A_238 : vector<16xf32>
        %parallel_loop3A_240 = arith.constant 15 : i32
        %parallel_loop3A_241 = arith.index_cast %parallel_loop3A_240 : i32 to index
        %parallel_loop3A_242 = arith.index_cast %parallel_loop3A_87 : i32 to index
        %parallel_loop3A_243 = tpu.vector_load %arg14[%parallel_loop3A_241, %parallel_loop3A_242] {strides = array<i32>} : memref<16x640xf32, #tpu.memory_space<vmem>>, vector<16xf32>,
        %parallel_loop3A_244 = arith.addf %parallel_loop3A_234, %parallel_loop3A_243 : vector<16xf32>
        %parallel_loop3A_245 = arith.constant 15 : i32
        %parallel_loop3A_246 = arith.index_cast %parallel_loop3A_245 : i32 to index
        %parallel_loop3A_247 = arith.index_cast %parallel_loop3A_91 : i32 to index
        %parallel_loop3A_248 = tpu.vector_load %arg14[%parallel_loop3A_246, %parallel_loop3A_247] {strides = array<i32>} : memref<16x640xf32, #tpu.memory_space<vmem>>, vector<16xf32>,
        %parallel_loop3A_249 = arith.addf %parallel_loop3A_239, %parallel_loop3A_248 : vector<16xf32>
        %parallel_loop3A_250 = arith.index_cast %parallel_loop3A_87 : i32 to index
        %parallel_loop3A_251 = tpu.vector_load %arg17[%parallel_loop3A_250] {strides = array<i32>} : memref<640xf32, #tpu.memory_space<vmem>>, vector<16xf32>,
        tpu.vector_store %arg17[%parallel_loop3A_250], %parallel_loop3A_244 {strides = array<i32>} : memref<640xf32, #tpu.memory_space<vmem>>, vector<16xf32>,
        %parallel_loop3A_252 = arith.index_cast %parallel_loop3A_91 : i32 to index
        %parallel_loop3A_253 = tpu.vector_load %arg17[%parallel_loop3A_252] {strides = array<i32>} : memref<640xf32, #tpu.memory_space<vmem>>, vector<16xf32>,
        tpu.vector_store %arg17[%parallel_loop3A_252], %parallel_loop3A_249 {strides = array<i32>} : memref<640xf32, #tpu.memory_space<vmem>>, vector<16xf32>,
      } {sc.loop_unroll_factor = 1 : i64, sc.parallel_access}
      "tpu.region"() ({
        %run_scoped3A = tpu.sem_alloc : memref<!tpu.dma_semaphore, #tpu.memory_space<semaphore_mem>>
        %dma_start3A_85 = tpu.memref_slice %arg7[%mul3A_13] : memref<10240xf32, #tpu.memory_space<hbm>> -> memref<640xf32, #tpu.memory_space<hbm>>
        %dma_start3A_86 = tpu.memref_slice %arg7[%mul3A_13] : memref<10240xf32, #tpu.memory_space<hbm>> -> memref<640xf32, #tpu.memory_space<hbm>>
        tpu.enqueue_dma source(%arg17 : memref<640xf32, #tpu.memory_space<vmem>>) target(%dma_start3A_86 : memref<640xf32, #tpu.memory_space<hbm>>) target_semaphore(%run_scoped3A : memref<!tpu.dma_semaphore, #tpu.memory_space<semaphore_mem>>)
        %dma_wait3A_87 = tpu.memref_slice %arg7[%mul3A_13] : memref<10240xf32, #tpu.memory_space<hbm>> -> memref<640xf32, #tpu.memory_space<hbm>>
        %dma_wait3A_88 = tpu.memref_slice %arg7[%mul3A_13] : memref<10240xf32, #tpu.memory_space<hbm>> -> memref<640xf32, #tpu.memory_space<hbm>>
        tpu.wait_dma2 semaphore(%run_scoped3A : memref<!tpu.dma_semaphore, #tpu.memory_space<semaphore_mem>>) src(%arg17 : memref<640xf32, #tpu.memory_space<vmem>>) dst(%dma_wait3A_88 : memref<640xf32, #tpu.memory_space<hbm>>)
        tpu.yield
      }) : () -> ()
      %scan3A_67 = arith.constant 0 : i32
      %scan3A_68 = arith.constant 0 : i32
      %scan3A_69 = arith.constant 40 : i32
      %scan3A_70 = arith.addi %scan3A_68, %scan3A_69 : i32
      %scan3A_71 = arith.constant 1 : i32
      scf.for %scan3A_85 = %scan3A_68 to %scan3A_70 step %scan3A_71  : i32 {
        %mul3A_86 = arith.constant 16 : i32
        %mul3A_87 = arith.muli %scan3A_85, %mul3A_86 : i32
        %get3A = arith.index_cast %mul3A_87 : i32 to index
        %get3A_88 = tpu.vector_load %arg17[%get3A] {strides = array<i32>} : memref<640xf32, #tpu.memory_space<vmem>>, vector<16xf32>,
        %get3A_89 = arith.index_cast %mul3A_87 : i32 to index
        %get3A_90 = tpu.vector_load %arg16[%get3A_89] {strides = array<i32>} : memref<640xf32, #tpu.memory_space<vmem>>, vector<16xf32>,
        %max3A = arith.constant 1.000000e+00 : f32
        %max3A_91 = vector.broadcast %max3A : f32 to vector<16xf32>
        %max3A_92 = arith.maximumf %get3A_90, %max3A_91 : vector<16xf32>
        %div3A = arith.divf %get3A_88, %max3A_92 : vector<16xf32>
        %swap3A = arith.index_cast %mul3A_87 : i32 to index
        %swap3A_93 = tpu.vector_load %arg18[%swap3A] {strides = array<i32>} : memref<640xf32, #tpu.memory_space<vmem>>, vector<16xf32>,
        tpu.vector_store %arg18[%swap3A], %div3A {strides = array<i32>} : memref<640xf32, #tpu.memory_space<vmem>>, vector<16xf32>,
      }
      %scan3A_72 = arith.constant 40 : i32
      "tpu.region"() ({
        %run_scoped3A = tpu.sem_alloc : memref<!tpu.dma_semaphore, #tpu.memory_space<semaphore_mem>>
        %dma_start3A_85 = tpu.memref_slice %arg23[%mul3A_13] : memref<10240xf32, #tpu.memory_space<vmem_shared>> -> memref<640xf32, #tpu.memory_space<vmem_shared>>
        %dma_start3A_86 = tpu.memref_slice %arg23[%mul3A_13] : memref<10240xf32, #tpu.memory_space<vmem_shared>> -> memref<640xf32, #tpu.memory_space<vmem_shared>>
        tpu.enqueue_dma source(%arg18 : memref<640xf32, #tpu.memory_space<vmem>>) target(%dma_start3A_86 : memref<640xf32, #tpu.memory_space<vmem_shared>>) target_semaphore(%run_scoped3A : memref<!tpu.dma_semaphore, #tpu.memory_space<semaphore_mem>>)
        %dma_wait3A_87 = tpu.memref_slice %arg23[%mul3A_13] : memref<10240xf32, #tpu.memory_space<vmem_shared>> -> memref<640xf32, #tpu.memory_space<vmem_shared>>
        %dma_wait3A_88 = tpu.memref_slice %arg23[%mul3A_13] : memref<10240xf32, #tpu.memory_space<vmem_shared>> -> memref<640xf32, #tpu.memory_space<vmem_shared>>
        tpu.wait_dma2 semaphore(%run_scoped3A : memref<!tpu.dma_semaphore, #tpu.memory_space<semaphore_mem>>) src(%arg18 : memref<640xf32, #tpu.memory_space<vmem>>) dst(%dma_wait3A_88 : memref<640xf32, #tpu.memory_space<vmem_shared>>)
        tpu.yield
      }) : () -> ()
      %barrier3A_73 = arith.constant 0 : index
      tpu.barrier barrier_id(%barrier3A_73)
      "tpu.region"() ({
        %run_scoped3A = tpu.sem_alloc : memref<!tpu.dma_semaphore, #tpu.memory_space<semaphore_mem>>
        tpu.enqueue_dma source(%arg23 : memref<10240xf32, #tpu.memory_space<vmem_shared>>) target(%arg12 : memref<10240xf32, #tpu.memory_space<vmem>>) target_semaphore(%run_scoped3A : memref<!tpu.dma_semaphore, #tpu.memory_space<semaphore_mem>>)
        tpu.wait_dma2 semaphore(%run_scoped3A : memref<!tpu.dma_semaphore, #tpu.memory_space<semaphore_mem>>) src(%arg23 : memref<10240xf32, #tpu.memory_space<vmem_shared>>) dst(%arg12 : memref<10240xf32, #tpu.memory_space<vmem>>)
        tpu.yield
      }) : () -> ()
      "tpu.region"() ({
        %run_scoped3A = tpu.sem_alloc : memref<!tpu.dma_semaphore, #tpu.memory_space<semaphore_mem>>
        tpu.enqueue_dma source(%arg24 : memref<10240xf32, #tpu.memory_space<vmem_shared>>) target(%arg13 : memref<10240xf32, #tpu.memory_space<vmem>>) target_semaphore(%run_scoped3A : memref<!tpu.dma_semaphore, #tpu.memory_space<semaphore_mem>>)
        tpu.wait_dma2 semaphore(%run_scoped3A : memref<!tpu.dma_semaphore, #tpu.memory_space<semaphore_mem>>) src(%arg24 : memref<10240xf32, #tpu.memory_space<vmem_shared>>) dst(%arg13 : memref<10240xf32, #tpu.memory_space<vmem>>)
        tpu.yield
      }) : () -> ()
      %parallel_loop3A_74 = arith.constant 0 : i32
      %parallel_loop3A_75 = arith.constant 156 : i32
      %parallel_loop3A_76 = arith.constant 1 : i32
      scf.for %parallel_loop3A_85 = %parallel_loop3A_74 to %parallel_loop3A_75 step %parallel_loop3A_76  : i32 {
        %parallel_loop3A_86 = arith.constant 8 : i32
        %parallel_loop3A_87 = arith.muli %parallel_loop3A_85, %parallel_loop3A_86 : i32
        %parallel_loop3A_88 = arith.constant 0 : i32
        %parallel_loop3A_89 = arith.addi %parallel_loop3A_87, %parallel_loop3A_88 : i32
        %parallel_loop3A_90 = arith.constant 16 : i32
        %parallel_loop3A_91 = arith.muli %parallel_loop3A_89, %parallel_loop3A_90 : i32
        %parallel_loop3A_92 = arith.constant 8 : i32
        %parallel_loop3A_93 = arith.muli %parallel_loop3A_85, %parallel_loop3A_92 : i32
        %parallel_loop3A_94 = arith.constant 1 : i32
        %parallel_loop3A_95 = arith.addi %parallel_loop3A_93, %parallel_loop3A_94 : i32
        %parallel_loop3A_96 = arith.constant 16 : i32
        %parallel_loop3A_97 = arith.muli %parallel_loop3A_95, %parallel_loop3A_96 : i32
        %parallel_loop3A_98 = arith.constant 8 : i32
        %parallel_loop3A_99 = arith.muli %parallel_loop3A_85, %parallel_loop3A_98 : i32
        %parallel_loop3A_100 = arith.constant 2 : i32
        %parallel_loop3A_101 = arith.addi %parallel_loop3A_99, %parallel_loop3A_100 : i32
        %parallel_loop3A_102 = arith.constant 16 : i32
        %parallel_loop3A_103 = arith.muli %parallel_loop3A_101, %parallel_loop3A_102 : i32
        %parallel_loop3A_104 = arith.constant 8 : i32
        %parallel_loop3A_105 = arith.muli %parallel_loop3A_85, %parallel_loop3A_104 : i32
        %parallel_loop3A_106 = arith.constant 3 : i32
        %parallel_loop3A_107 = arith.addi %parallel_loop3A_105, %parallel_loop3A_106 : i32
        %parallel_loop3A_108 = arith.constant 16 : i32
        %parallel_loop3A_109 = arith.muli %parallel_loop3A_107, %parallel_loop3A_108 : i32
        %parallel_loop3A_110 = arith.constant 8 : i32
        %parallel_loop3A_111 = arith.muli %parallel_loop3A_85, %parallel_loop3A_110 : i32
        %parallel_loop3A_112 = arith.constant 4 : i32
        %parallel_loop3A_113 = arith.addi %parallel_loop3A_111, %parallel_loop3A_112 : i32
        %parallel_loop3A_114 = arith.constant 16 : i32
        %parallel_loop3A_115 = arith.muli %parallel_loop3A_113, %parallel_loop3A_114 : i32
        %parallel_loop3A_116 = arith.constant 8 : i32
        %parallel_loop3A_117 = arith.muli %parallel_loop3A_85, %parallel_loop3A_116 : i32
        %parallel_loop3A_118 = arith.constant 5 : i32
        %parallel_loop3A_119 = arith.addi %parallel_loop3A_117, %parallel_loop3A_118 : i32
        %parallel_loop3A_120 = arith.constant 16 : i32
        %parallel_loop3A_121 = arith.muli %parallel_loop3A_119, %parallel_loop3A_120 : i32
        %parallel_loop3A_122 = arith.constant 8 : i32
        %parallel_loop3A_123 = arith.muli %parallel_loop3A_85, %parallel_loop3A_122 : i32
        %parallel_loop3A_124 = arith.constant 6 : i32
        %parallel_loop3A_125 = arith.addi %parallel_loop3A_123, %parallel_loop3A_124 : i32
        %parallel_loop3A_126 = arith.constant 16 : i32
        %parallel_loop3A_127 = arith.muli %parallel_loop3A_125, %parallel_loop3A_126 : i32
        %parallel_loop3A_128 = arith.constant 8 : i32
        %parallel_loop3A_129 = arith.muli %parallel_loop3A_85, %parallel_loop3A_128 : i32
        %parallel_loop3A_130 = arith.constant 7 : i32
        %parallel_loop3A_131 = arith.addi %parallel_loop3A_129, %parallel_loop3A_130 : i32
        %parallel_loop3A_132 = arith.constant 16 : i32
        %parallel_loop3A_133 = arith.muli %parallel_loop3A_131, %parallel_loop3A_132 : i32
        %parallel_loop3A_134 = arith.constant 1 : i32
        %parallel_loop3A_135 = arith.index_cast %parallel_loop3A_134 : i32 to index
        %parallel_loop3A_136 = arith.index_cast %parallel_loop3A_91 : i32 to index
        %parallel_loop3A_137 = tpu.vector_load %arg10[%parallel_loop3A_135, %parallel_loop3A_136] {strides = array<i32>} : memref<2x20096xi32, #tpu.memory_space<vmem>>, vector<16xi32>,
        %parallel_loop3A_138 = arith.constant 1 : i32
        %parallel_loop3A_139 = arith.index_cast %parallel_loop3A_138 : i32 to index
        %parallel_loop3A_140 = arith.index_cast %parallel_loop3A_97 : i32 to index
        %parallel_loop3A_141 = tpu.vector_load %arg10[%parallel_loop3A_139, %parallel_loop3A_140] {strides = array<i32>} : memref<2x20096xi32, #tpu.memory_space<vmem>>, vector<16xi32>,
        %parallel_loop3A_142 = arith.constant 1 : i32
        %parallel_loop3A_143 = arith.index_cast %parallel_loop3A_142 : i32 to index
        %parallel_loop3A_144 = arith.index_cast %parallel_loop3A_103 : i32 to index
        %parallel_loop3A_145 = tpu.vector_load %arg10[%parallel_loop3A_143, %parallel_loop3A_144] {strides = array<i32>} : memref<2x20096xi32, #tpu.memory_space<vmem>>, vector<16xi32>,
        %parallel_loop3A_146 = arith.constant 1 : i32
        %parallel_loop3A_147 = arith.index_cast %parallel_loop3A_146 : i32 to index
        %parallel_loop3A_148 = arith.index_cast %parallel_loop3A_109 : i32 to index
        %parallel_loop3A_149 = tpu.vector_load %arg10[%parallel_loop3A_147, %parallel_loop3A_148] {strides = array<i32>} : memref<2x20096xi32, #tpu.memory_space<vmem>>, vector<16xi32>,
        %parallel_loop3A_150 = arith.constant 1 : i32
        %parallel_loop3A_151 = arith.index_cast %parallel_loop3A_150 : i32 to index
        %parallel_loop3A_152 = arith.index_cast %parallel_loop3A_115 : i32 to index
        %parallel_loop3A_153 = tpu.vector_load %arg10[%parallel_loop3A_151, %parallel_loop3A_152] {strides = array<i32>} : memref<2x20096xi32, #tpu.memory_space<vmem>>, vector<16xi32>,
        %parallel_loop3A_154 = arith.constant 1 : i32
        %parallel_loop3A_155 = arith.index_cast %parallel_loop3A_154 : i32 to index
        %parallel_loop3A_156 = arith.index_cast %parallel_loop3A_121 : i32 to index
        %parallel_loop3A_157 = tpu.vector_load %arg10[%parallel_loop3A_155, %parallel_loop3A_156] {strides = array<i32>} : memref<2x20096xi32, #tpu.memory_space<vmem>>, vector<16xi32>,
        %parallel_loop3A_158 = arith.constant 1 : i32
        %parallel_loop3A_159 = arith.index_cast %parallel_loop3A_158 : i32 to index
        %parallel_loop3A_160 = arith.index_cast %parallel_loop3A_127 : i32 to index
        %parallel_loop3A_161 = tpu.vector_load %arg10[%parallel_loop3A_159, %parallel_loop3A_160] {strides = array<i32>} : memref<2x20096xi32, #tpu.memory_space<vmem>>, vector<16xi32>,
        %parallel_loop3A_162 = arith.constant 1 : i32
        %parallel_loop3A_163 = arith.index_cast %parallel_loop3A_162 : i32 to index
        %parallel_loop3A_164 = arith.index_cast %parallel_loop3A_133 : i32 to index
        %parallel_loop3A_165 = tpu.vector_load %arg10[%parallel_loop3A_163, %parallel_loop3A_164] {strides = array<i32>} : memref<2x20096xi32, #tpu.memory_space<vmem>>, vector<16xi32>,
        %parallel_loop3A_166 = tpu.vector_load_idx %arg12[%parallel_loop3A_137] : memref<10240xf32, #tpu.memory_space<vmem>>[vector<16xi32>], vector<16xf32>,
        %parallel_loop3A_167 = tpu.vector_load_idx %arg12[%parallel_loop3A_141] : memref<10240xf32, #tpu.memory_space<vmem>>[vector<16xi32>], vector<16xf32>,
        %parallel_loop3A_168 = tpu.vector_load_idx %arg12[%parallel_loop3A_145] : memref<10240xf32, #tpu.memory_space<vmem>>[vector<16xi32>], vector<16xf32>,
        %parallel_loop3A_169 = tpu.vector_load_idx %arg12[%parallel_loop3A_149] : memref<10240xf32, #tpu.memory_space<vmem>>[vector<16xi32>], vector<16xf32>,
        %parallel_loop3A_170 = tpu.vector_load_idx %arg12[%parallel_loop3A_153] : memref<10240xf32, #tpu.memory_space<vmem>>[vector<16xi32>], vector<16xf32>,
        %parallel_loop3A_171 = tpu.vector_load_idx %arg12[%parallel_loop3A_157] : memref<10240xf32, #tpu.memory_space<vmem>>[vector<16xi32>], vector<16xf32>,
        %parallel_loop3A_172 = tpu.vector_load_idx %arg12[%parallel_loop3A_161] : memref<10240xf32, #tpu.memory_space<vmem>>[vector<16xi32>], vector<16xf32>,
        %parallel_loop3A_173 = tpu.vector_load_idx %arg12[%parallel_loop3A_165] : memref<10240xf32, #tpu.memory_space<vmem>>[vector<16xi32>], vector<16xf32>,
        %parallel_loop3A_174 = arith.index_cast %parallel_loop3A_91 : i32 to index
        %parallel_loop3A_175 = tpu.vector_load %arg11[%parallel_loop3A_174] {strides = array<i32>} : memref<20096xf32, #tpu.memory_space<vmem>>, vector<16xf32>,
        %parallel_loop3A_176 = arith.index_cast %parallel_loop3A_97 : i32 to index
        %parallel_loop3A_177 = tpu.vector_load %arg11[%parallel_loop3A_176] {strides = array<i32>} : memref<20096xf32, #tpu.memory_space<vmem>>, vector<16xf32>,
        %parallel_loop3A_178 = arith.index_cast %parallel_loop3A_103 : i32 to index
        %parallel_loop3A_179 = tpu.vector_load %arg11[%parallel_loop3A_178] {strides = array<i32>} : memref<20096xf32, #tpu.memory_space<vmem>>, vector<16xf32>,
        %parallel_loop3A_180 = arith.index_cast %parallel_loop3A_109 : i32 to index
        %parallel_loop3A_181 = tpu.vector_load %arg11[%parallel_loop3A_180] {strides = array<i32>} : memref<20096xf32, #tpu.memory_space<vmem>>, vector<16xf32>,
        %parallel_loop3A_182 = arith.index_cast %parallel_loop3A_115 : i32 to index
        %parallel_loop3A_183 = tpu.vector_load %arg11[%parallel_loop3A_182] {strides = array<i32>} : memref<20096xf32, #tpu.memory_space<vmem>>, vector<16xf32>,
        %parallel_loop3A_184 = arith.index_cast %parallel_loop3A_121 : i32 to index
        %parallel_loop3A_185 = tpu.vector_load %arg11[%parallel_loop3A_184] {strides = array<i32>} : memref<20096xf32, #tpu.memory_space<vmem>>, vector<16xf32>,
        %parallel_loop3A_186 = arith.index_cast %parallel_loop3A_127 : i32 to index
        %parallel_loop3A_187 = tpu.vector_load %arg11[%parallel_loop3A_186] {strides = array<i32>} : memref<20096xf32, #tpu.memory_space<vmem>>, vector<16xf32>,
        %parallel_loop3A_188 = arith.index_cast %parallel_loop3A_133 : i32 to index
        %parallel_loop3A_189 = tpu.vector_load %arg11[%parallel_loop3A_188] {strides = array<i32>} : memref<20096xf32, #tpu.memory_space<vmem>>, vector<16xf32>,
        %parallel_loop3A_190 = arith.constant 0 : i32
        %parallel_loop3A_191 = arith.index_cast %parallel_loop3A_190 : i32 to index
        %parallel_loop3A_192 = arith.index_cast %parallel_loop3A_91 : i32 to index
        %parallel_loop3A_193 = tpu.vector_load %arg10[%parallel_loop3A_191, %parallel_loop3A_192] {strides = array<i32>} : memref<2x20096xi32, #tpu.memory_space<vmem>>, vector<16xi32>,
        %parallel_loop3A_194 = arith.constant 0 : i32
        %parallel_loop3A_195 = arith.index_cast %parallel_loop3A_194 : i32 to index
        %parallel_loop3A_196 = arith.index_cast %parallel_loop3A_97 : i32 to index
        %parallel_loop3A_197 = tpu.vector_load %arg10[%parallel_loop3A_195, %parallel_loop3A_196] {strides = array<i32>} : memref<2x20096xi32, #tpu.memory_space<vmem>>, vector<16xi32>,
        %parallel_loop3A_198 = arith.constant 0 : i32
        %parallel_loop3A_199 = arith.index_cast %parallel_loop3A_198 : i32 to index
        %parallel_loop3A_200 = arith.index_cast %parallel_loop3A_103 : i32 to index
        %parallel_loop3A_201 = tpu.vector_load %arg10[%parallel_loop3A_199, %parallel_loop3A_200] {strides = array<i32>} : memref<2x20096xi32, #tpu.memory_space<vmem>>, vector<16xi32>,
        %parallel_loop3A_202 = arith.constant 0 : i32
        %parallel_loop3A_203 = arith.index_cast %parallel_loop3A_202 : i32 to index
        %parallel_loop3A_204 = arith.index_cast %parallel_loop3A_109 : i32 to index
        %parallel_loop3A_205 = tpu.vector_load %arg10[%parallel_loop3A_203, %parallel_loop3A_204] {strides = array<i32>} : memref<2x20096xi32, #tpu.memory_space<vmem>>, vector<16xi32>,
        %parallel_loop3A_206 = arith.constant 0 : i32
        %parallel_loop3A_207 = arith.index_cast %parallel_loop3A_206 : i32 to index
        %parallel_loop3A_208 = arith.index_cast %parallel_loop3A_115 : i32 to index
        %parallel_loop3A_209 = tpu.vector_load %arg10[%parallel_loop3A_207, %parallel_loop3A_208] {strides = array<i32>} : memref<2x20096xi32, #tpu.memory_space<vmem>>, vector<16xi32>,
        %parallel_loop3A_210 = arith.constant 0 : i32
        %parallel_loop3A_211 = arith.index_cast %parallel_loop3A_210 : i32 to index
        %parallel_loop3A_212 = arith.index_cast %parallel_loop3A_121 : i32 to index
        %parallel_loop3A_213 = tpu.vector_load %arg10[%parallel_loop3A_211, %parallel_loop3A_212] {strides = array<i32>} : memref<2x20096xi32, #tpu.memory_space<vmem>>, vector<16xi32>,
        %parallel_loop3A_214 = arith.constant 0 : i32
        %parallel_loop3A_215 = arith.index_cast %parallel_loop3A_214 : i32 to index
        %parallel_loop3A_216 = arith.index_cast %parallel_loop3A_127 : i32 to index
        %parallel_loop3A_217 = tpu.vector_load %arg10[%parallel_loop3A_215, %parallel_loop3A_216] {strides = array<i32>} : memref<2x20096xi32, #tpu.memory_space<vmem>>, vector<16xi32>,
        %parallel_loop3A_218 = arith.constant 0 : i32
        %parallel_loop3A_219 = arith.index_cast %parallel_loop3A_218 : i32 to index
        %parallel_loop3A_220 = arith.index_cast %parallel_loop3A_133 : i32 to index
        %parallel_loop3A_221 = tpu.vector_load %arg10[%parallel_loop3A_219, %parallel_loop3A_220] {strides = array<i32>} : memref<2x20096xi32, #tpu.memory_space<vmem>>, vector<16xi32>,
        %parallel_loop3A_222 = arith.mulf %parallel_loop3A_166, %parallel_loop3A_175 : vector<16xf32>
        %parallel_loop3A_223 = arith.mulf %parallel_loop3A_167, %parallel_loop3A_177 : vector<16xf32>
        %parallel_loop3A_224 = arith.mulf %parallel_loop3A_168, %parallel_loop3A_179 : vector<16xf32>
        %parallel_loop3A_225 = arith.mulf %parallel_loop3A_169, %parallel_loop3A_181 : vector<16xf32>
        %parallel_loop3A_226 = arith.mulf %parallel_loop3A_170, %parallel_loop3A_183 : vector<16xf32>
        %parallel_loop3A_227 = arith.mulf %parallel_loop3A_171, %parallel_loop3A_185 : vector<16xf32>
        %parallel_loop3A_228 = arith.mulf %parallel_loop3A_172, %parallel_loop3A_187 : vector<16xf32>
        %parallel_loop3A_229 = arith.mulf %parallel_loop3A_173, %parallel_loop3A_189 : vector<16xf32>
        tpu.vector_store_idx %arg13[%parallel_loop3A_193], %parallel_loop3A_222 {add = true} : memref<10240xf32, #tpu.memory_space<vmem>>[vector<16xi32>], vector<16xf32>,
        tpu.vector_store_idx %arg13[%parallel_loop3A_197], %parallel_loop3A_223 {add = true} : memref<10240xf32, #tpu.memory_space<vmem>>[vector<16xi32>], vector<16xf32>,
        tpu.vector_store_idx %arg13[%parallel_loop3A_201], %parallel_loop3A_224 {add = true} : memref<10240xf32, #tpu.memory_space<vmem>>[vector<16xi32>], vector<16xf32>,
        tpu.vector_store_idx %arg13[%parallel_loop3A_205], %parallel_loop3A_225 {add = true} : memref<10240xf32, #tpu.memory_space<vmem>>[vector<16xi32>], vector<16xf32>,
        tpu.vector_store_idx %arg13[%parallel_loop3A_209], %parallel_loop3A_226 {add = true} : memref<10240xf32, #tpu.memory_space<vmem>>[vector<16xi32>], vector<16xf32>,
        tpu.vector_store_idx %arg13[%parallel_loop3A_213], %parallel_loop3A_227 {add = true} : memref<10240xf32, #tpu.memory_space<vmem>>[vector<16xi32>], vector<16xf32>,
        tpu.vector_store_idx %arg13[%parallel_loop3A_217], %parallel_loop3A_228 {add = true} : memref<10240xf32, #tpu.memory_space<vmem>>[vector<16xi32>], vector<16xf32>,
        tpu.vector_store_idx %arg13[%parallel_loop3A_221], %parallel_loop3A_229 {add = true} : memref<10240xf32, #tpu.memory_space<vmem>>[vector<16xi32>], vector<16xf32>,
      } {sc.loop_unroll_factor = 1 : i64, sc.parallel_access}
      %convert_element_type3A_77 = arith.extui %lt3A_11 : i1 to i32
      %cond3A_78 = arith.constant 0 : i32
      %cond3A_79 = arith.cmpi ne, %convert_element_type3A_77, %cond3A_78 : i32
      scf.if %cond3A_79 {
        %get3A = arith.constant 1 : i32
        %get3A_85 = arith.index_cast %get3A : i32 to index
        %get3A_86 = arith.constant 19968 : index
        %get3A_87 = tpu.vector_load %arg10[%get3A_85, %get3A_86] {strides = array<i32>} : memref<2x20096xi32, #tpu.memory_space<vmem>>, vector<16xi32>,
        %get3A_88 = arith.constant 1 : i32
        %get3A_89 = arith.index_cast %get3A_88 : i32 to index
        %get3A_90 = arith.constant 19984 : index
        %get3A_91 = tpu.vector_load %arg10[%get3A_89, %get3A_90] {strides = array<i32>} : memref<2x20096xi32, #tpu.memory_space<vmem>>, vector<16xi32>,
        %get3A_92 = arith.constant 1 : i32
        %get3A_93 = arith.index_cast %get3A_92 : i32 to index
        %get3A_94 = arith.constant 20000 : index
        %get3A_95 = tpu.vector_load %arg10[%get3A_93, %get3A_94] {strides = array<i32>} : memref<2x20096xi32, #tpu.memory_space<vmem>>, vector<16xi32>,
        %get3A_96 = arith.constant 1 : i32
        %get3A_97 = arith.index_cast %get3A_96 : i32 to index
        %get3A_98 = arith.constant 20016 : index
        %get3A_99 = tpu.vector_load %arg10[%get3A_97, %get3A_98] {strides = array<i32>} : memref<2x20096xi32, #tpu.memory_space<vmem>>, vector<16xi32>,
        %get3A_100 = arith.constant 1 : i32
        %get3A_101 = arith.index_cast %get3A_100 : i32 to index
        %get3A_102 = arith.constant 20032 : index
        %get3A_103 = tpu.vector_load %arg10[%get3A_101, %get3A_102] {strides = array<i32>} : memref<2x20096xi32, #tpu.memory_space<vmem>>, vector<16xi32>,
        %get3A_104 = arith.constant 1 : i32
        %get3A_105 = arith.index_cast %get3A_104 : i32 to index
        %get3A_106 = arith.constant 20048 : index
        %get3A_107 = tpu.vector_load %arg10[%get3A_105, %get3A_106] {strides = array<i32>} : memref<2x20096xi32, #tpu.memory_space<vmem>>, vector<16xi32>,
        %get3A_108 = arith.constant 1 : i32
        %get3A_109 = arith.index_cast %get3A_108 : i32 to index
        %get3A_110 = arith.constant 20064 : index
        %get3A_111 = tpu.vector_load %arg10[%get3A_109, %get3A_110] {strides = array<i32>} : memref<2x20096xi32, #tpu.memory_space<vmem>>, vector<16xi32>,
        %get3A_112 = arith.constant 1 : i32
        %get3A_113 = arith.index_cast %get3A_112 : i32 to index
        %get3A_114 = arith.constant 20080 : index
        %get3A_115 = tpu.vector_load %arg10[%get3A_113, %get3A_114] {strides = array<i32>} : memref<2x20096xi32, #tpu.memory_space<vmem>>, vector<16xi32>,
        %gather3A = tpu.vector_load_idx %arg12[%get3A_87] : memref<10240xf32, #tpu.memory_space<vmem>>[vector<16xi32>], vector<16xf32>,
        %gather3A_116 = tpu.vector_load_idx %arg12[%get3A_91] : memref<10240xf32, #tpu.memory_space<vmem>>[vector<16xi32>], vector<16xf32>,
        %gather3A_117 = tpu.vector_load_idx %arg12[%get3A_95] : memref<10240xf32, #tpu.memory_space<vmem>>[vector<16xi32>], vector<16xf32>,
        %gather3A_118 = tpu.vector_load_idx %arg12[%get3A_99] : memref<10240xf32, #tpu.memory_space<vmem>>[vector<16xi32>], vector<16xf32>,
        %gather3A_119 = tpu.vector_load_idx %arg12[%get3A_103] : memref<10240xf32, #tpu.memory_space<vmem>>[vector<16xi32>], vector<16xf32>,
        %gather3A_120 = tpu.vector_load_idx %arg12[%get3A_107] : memref<10240xf32, #tpu.memory_space<vmem>>[vector<16xi32>], vector<16xf32>,
        %gather3A_121 = tpu.vector_load_idx %arg12[%get3A_111] : memref<10240xf32, #tpu.memory_space<vmem>>[vector<16xi32>], vector<16xf32>,
        %gather3A_122 = tpu.vector_load_idx %arg12[%get3A_115] : memref<10240xf32, #tpu.memory_space<vmem>>[vector<16xi32>], vector<16xf32>,
        %get3A_123 = arith.constant 19968 : index
        %get3A_124 = tpu.vector_load %arg11[%get3A_123] {strides = array<i32>} : memref<20096xf32, #tpu.memory_space<vmem>>, vector<16xf32>,
        %get3A_125 = arith.constant 19984 : index
        %get3A_126 = tpu.vector_load %arg11[%get3A_125] {strides = array<i32>} : memref<20096xf32, #tpu.memory_space<vmem>>, vector<16xf32>,
        %get3A_127 = arith.constant 20000 : index
        %get3A_128 = tpu.vector_load %arg11[%get3A_127] {strides = array<i32>} : memref<20096xf32, #tpu.memory_space<vmem>>, vector<16xf32>,
        %get3A_129 = arith.constant 20016 : index
        %get3A_130 = tpu.vector_load %arg11[%get3A_129] {strides = array<i32>} : memref<20096xf32, #tpu.memory_space<vmem>>, vector<16xf32>,
        %get3A_131 = arith.constant 20032 : index
        %get3A_132 = tpu.vector_load %arg11[%get3A_131] {strides = array<i32>} : memref<20096xf32, #tpu.memory_space<vmem>>, vector<16xf32>,
        %get3A_133 = arith.constant 20048 : index
        %get3A_134 = tpu.vector_load %arg11[%get3A_133] {strides = array<i32>} : memref<20096xf32, #tpu.memory_space<vmem>>, vector<16xf32>,
        %get3A_135 = arith.constant 20064 : index
        %get3A_136 = tpu.vector_load %arg11[%get3A_135] {strides = array<i32>} : memref<20096xf32, #tpu.memory_space<vmem>>, vector<16xf32>,
        %get3A_137 = arith.constant 20080 : index
        %get3A_138 = tpu.vector_load %arg11[%get3A_137] {strides = array<i32>} : memref<20096xf32, #tpu.memory_space<vmem>>, vector<16xf32>,
        %get3A_139 = arith.constant 0 : i32
        %get3A_140 = arith.index_cast %get3A_139 : i32 to index
        %get3A_141 = arith.constant 19968 : index
        %get3A_142 = tpu.vector_load %arg10[%get3A_140, %get3A_141] {strides = array<i32>} : memref<2x20096xi32, #tpu.memory_space<vmem>>, vector<16xi32>,
        %get3A_143 = arith.constant 0 : i32
        %get3A_144 = arith.index_cast %get3A_143 : i32 to index
        %get3A_145 = arith.constant 19984 : index
        %get3A_146 = tpu.vector_load %arg10[%get3A_144, %get3A_145] {strides = array<i32>} : memref<2x20096xi32, #tpu.memory_space<vmem>>, vector<16xi32>,
        %get3A_147 = arith.constant 0 : i32
        %get3A_148 = arith.index_cast %get3A_147 : i32 to index
        %get3A_149 = arith.constant 20000 : index
        %get3A_150 = tpu.vector_load %arg10[%get3A_148, %get3A_149] {strides = array<i32>} : memref<2x20096xi32, #tpu.memory_space<vmem>>, vector<16xi32>,
        %get3A_151 = arith.constant 0 : i32
        %get3A_152 = arith.index_cast %get3A_151 : i32 to index
        %get3A_153 = arith.constant 20016 : index
        %get3A_154 = tpu.vector_load %arg10[%get3A_152, %get3A_153] {strides = array<i32>} : memref<2x20096xi32, #tpu.memory_space<vmem>>, vector<16xi32>,
        %get3A_155 = arith.constant 0 : i32
        %get3A_156 = arith.index_cast %get3A_155 : i32 to index
        %get3A_157 = arith.constant 20032 : index
        %get3A_158 = tpu.vector_load %arg10[%get3A_156, %get3A_157] {strides = array<i32>} : memref<2x20096xi32, #tpu.memory_space<vmem>>, vector<16xi32>,
        %get3A_159 = arith.constant 0 : i32
        %get3A_160 = arith.index_cast %get3A_159 : i32 to index
        %get3A_161 = arith.constant 20048 : index
        %get3A_162 = tpu.vector_load %arg10[%get3A_160, %get3A_161] {strides = array<i32>} : memref<2x20096xi32, #tpu.memory_space<vmem>>, vector<16xi32>,
        %get3A_163 = arith.constant 0 : i32
        %get3A_164 = arith.index_cast %get3A_163 : i32 to index
        %get3A_165 = arith.constant 20064 : index
        %get3A_166 = tpu.vector_load %arg10[%get3A_164, %get3A_165] {strides = array<i32>} : memref<2x20096xi32, #tpu.memory_space<vmem>>, vector<16xi32>,
        %get3A_167 = arith.constant 0 : i32
        %get3A_168 = arith.index_cast %get3A_167 : i32 to index
        %get3A_169 = arith.constant 20080 : index
        %get3A_170 = tpu.vector_load %arg10[%get3A_168, %get3A_169] {strides = array<i32>} : memref<2x20096xi32, #tpu.memory_space<vmem>>, vector<16xi32>,
        %mul3A_171 = arith.mulf %gather3A, %get3A_124 : vector<16xf32>
        %mul3A_172 = arith.mulf %gather3A_116, %get3A_126 : vector<16xf32>
        %mul3A_173 = arith.mulf %gather3A_117, %get3A_128 : vector<16xf32>
        %mul3A_174 = arith.mulf %gather3A_118, %get3A_130 : vector<16xf32>
        %mul3A_175 = arith.mulf %gather3A_119, %get3A_132 : vector<16xf32>
        %mul3A_176 = arith.mulf %gather3A_120, %get3A_134 : vector<16xf32>
        %mul3A_177 = arith.mulf %gather3A_121, %get3A_136 : vector<16xf32>
        %mul3A_178 = arith.mulf %gather3A_122, %get3A_138 : vector<16xf32>
        tpu.vector_store_idx %arg13[%get3A_142], %mul3A_171 {add = true} : memref<10240xf32, #tpu.memory_space<vmem>>[vector<16xi32>], vector<16xf32>,
        tpu.vector_store_idx %arg13[%get3A_146], %mul3A_172 {add = true} : memref<10240xf32, #tpu.memory_space<vmem>>[vector<16xi32>], vector<16xf32>,
        tpu.vector_store_idx %arg13[%get3A_150], %mul3A_173 {add = true} : memref<10240xf32, #tpu.memory_space<vmem>>[vector<16xi32>], vector<16xf32>,
        tpu.vector_store_idx %arg13[%get3A_154], %mul3A_174 {add = true} : memref<10240xf32, #tpu.memory_space<vmem>>[vector<16xi32>], vector<16xf32>,
        tpu.vector_store_idx %arg13[%get3A_158], %mul3A_175 {add = true} : memref<10240xf32, #tpu.memory_space<vmem>>[vector<16xi32>], vector<16xf32>,
        tpu.vector_store_idx %arg13[%get3A_162], %mul3A_176 {add = true} : memref<10240xf32, #tpu.memory_space<vmem>>[vector<16xi32>], vector<16xf32>,
        tpu.vector_store_idx %arg13[%get3A_166], %mul3A_177 {add = true} : memref<10240xf32, #tpu.memory_space<vmem>>[vector<16xi32>], vector<16xf32>,
        tpu.vector_store_idx %arg13[%get3A_170], %mul3A_178 {add = true} : memref<10240xf32, #tpu.memory_space<vmem>>[vector<16xi32>], vector<16xf32>,
      } else {
      }
      "tpu.region"() ({
        %run_scoped3A = tpu.sem_alloc : memref<!tpu.dma_semaphore, #tpu.memory_space<semaphore_mem>>
        %dma_start3A_85 = arith.constant 0 : i32
        %dma_start3A_86 = tpu.memref_slice %arg22[%arg1, %dma_start3A_85] : memref<16x10240xf32, #tpu.memory_space<vmem_shared>> -> memref<1x10240xf32, #tpu.memory_space<vmem_shared>>
        %dma_start3A_87 = tpu.memref_squeeze %dma_start3A_86 : memref<1x10240xf32, #tpu.memory_space<vmem_shared>> -> memref<10240xf32, #tpu.memory_space<vmem_shared>>
        %dma_start3A_88 = arith.constant 0 : i32
        %dma_start3A_89 = tpu.memref_slice %arg22[%arg1, %dma_start3A_88] : memref<16x10240xf32, #tpu.memory_space<vmem_shared>> -> memref<1x10240xf32, #tpu.memory_space<vmem_shared>>
        %dma_start3A_90 = tpu.memref_squeeze %dma_start3A_89 : memref<1x10240xf32, #tpu.memory_space<vmem_shared>> -> memref<10240xf32, #tpu.memory_space<vmem_shared>>
        tpu.enqueue_dma source(%arg13 : memref<10240xf32, #tpu.memory_space<vmem>>) target(%dma_start3A_90 : memref<10240xf32, #tpu.memory_space<vmem_shared>>) target_semaphore(%run_scoped3A : memref<!tpu.dma_semaphore, #tpu.memory_space<semaphore_mem>>)
        %dma_wait3A_91 = arith.constant 0 : i32
        %dma_wait3A_92 = tpu.memref_slice %arg22[%arg1, %dma_wait3A_91] : memref<16x10240xf32, #tpu.memory_space<vmem_shared>> -> memref<1x10240xf32, #tpu.memory_space<vmem_shared>>
        %dma_wait3A_93 = tpu.memref_squeeze %dma_wait3A_92 : memref<1x10240xf32, #tpu.memory_space<vmem_shared>> -> memref<10240xf32, #tpu.memory_space<vmem_shared>>
        %dma_wait3A_94 = arith.constant 0 : i32
        %dma_wait3A_95 = tpu.memref_slice %arg22[%arg1, %dma_wait3A_94] : memref<16x10240xf32, #tpu.memory_space<vmem_shared>> -> memref<1x10240xf32, #tpu.memory_space<vmem_shared>>
        %dma_wait3A_96 = tpu.memref_squeeze %dma_wait3A_95 : memref<1x10240xf32, #tpu.memory_space<vmem_shared>> -> memref<10240xf32, #tpu.memory_space<vmem_shared>>
        tpu.wait_dma2 semaphore(%run_scoped3A : memref<!tpu.dma_semaphore, #tpu.memory_space<semaphore_mem>>) src(%arg13 : memref<10240xf32, #tpu.memory_space<vmem>>) dst(%dma_wait3A_96 : memref<10240xf32, #tpu.memory_space<vmem_shared>>)
        tpu.yield
      }) : () -> ()
      %barrier3A_80 = arith.constant 0 : index
      tpu.barrier barrier_id(%barrier3A_80)
      "tpu.region"() ({
        %run_scoped3A = tpu.sem_alloc : memref<!tpu.dma_semaphore, #tpu.memory_space<semaphore_mem>>
        %dma_start3A_85 = arith.constant 0 : i32
        %dma_start3A_86 = tpu.memref_slice %arg22[%dma_start3A_85, %mul3A_13] : memref<16x10240xf32, #tpu.memory_space<vmem_shared>> -> memref<16x640xf32, #tpu.memory_space<vmem_shared>>
        %dma_start3A_87 = arith.constant 0 : i32
        %dma_start3A_88 = tpu.memref_slice %arg22[%dma_start3A_87, %mul3A_13] : memref<16x10240xf32, #tpu.memory_space<vmem_shared>> -> memref<16x640xf32, #tpu.memory_space<vmem_shared>>
        tpu.enqueue_dma source(%dma_start3A_88 : memref<16x640xf32, #tpu.memory_space<vmem_shared>>) target(%arg14 : memref<16x640xf32, #tpu.memory_space<vmem>>) target_semaphore(%run_scoped3A : memref<!tpu.dma_semaphore, #tpu.memory_space<semaphore_mem>>)
        %dma_wait3A_89 = arith.constant 0 : i32
        %dma_wait3A_90 = tpu.memref_slice %arg22[%dma_wait3A_89, %mul3A_13] : memref<16x10240xf32, #tpu.memory_space<vmem_shared>> -> memref<16x640xf32, #tpu.memory_space<vmem_shared>>
        %dma_wait3A_91 = arith.constant 0 : i32
        %dma_wait3A_92 = tpu.memref_slice %arg22[%dma_wait3A_91, %mul3A_13] : memref<16x10240xf32, #tpu.memory_space<vmem_shared>> -> memref<16x640xf32, #tpu.memory_space<vmem_shared>>
        tpu.wait_dma2 semaphore(%run_scoped3A : memref<!tpu.dma_semaphore, #tpu.memory_space<semaphore_mem>>) src(%dma_wait3A_92 : memref<16x640xf32, #tpu.memory_space<vmem_shared>>) dst(%arg14 : memref<16x640xf32, #tpu.memory_space<vmem>>)
        tpu.yield
      }) : () -> ()
      %barrier3A_81 = arith.constant 0 : index
      tpu.barrier barrier_id(%barrier3A_81)
      %parallel_loop3A_82 = arith.constant 0 : i32
      %parallel_loop3A_83 = arith.constant 20 : i32
      %parallel_loop3A_84 = arith.constant 1 : i32
      scf.for %parallel_loop3A_85 = %parallel_loop3A_82 to %parallel_loop3A_83 step %parallel_loop3A_84  : i32 {
        %parallel_loop3A_86 = arith.constant 32 : i32
        %parallel_loop3A_87 = arith.muli %parallel_loop3A_85, %parallel_loop3A_86 : i32
        %parallel_loop3A_88 = arith.constant 32 : i32
        %parallel_loop3A_89 = arith.muli %parallel_loop3A_85, %parallel_loop3A_88 : i32
        %parallel_loop3A_90 = arith.constant 16 : i32
        %parallel_loop3A_91 = arith.addi %parallel_loop3A_89, %parallel_loop3A_90 : i32
        %parallel_loop3A_92 = arith.constant 0 : i32
        %parallel_loop3A_93 = arith.index_cast %parallel_loop3A_92 : i32 to index
        %parallel_loop3A_94 = arith.index_cast %parallel_loop3A_87 : i32 to index
        %parallel_loop3A_95 = tpu.vector_load %arg14[%parallel_loop3A_93, %parallel_loop3A_94] {strides = array<i32>} : memref<16x640xf32, #tpu.memory_space<vmem>>, vector<16xf32>,
        %parallel_loop3A_96 = arith.constant 0 : i32
        %parallel_loop3A_97 = arith.index_cast %parallel_loop3A_96 : i32 to index
        %parallel_loop3A_98 = arith.index_cast %parallel_loop3A_91 : i32 to index
        %parallel_loop3A_99 = tpu.vector_load %arg14[%parallel_loop3A_97, %parallel_loop3A_98] {strides = array<i32>} : memref<16x640xf32, #tpu.memory_space<vmem>>, vector<16xf32>,
        %parallel_loop3A_100 = arith.constant 1 : i32
        %parallel_loop3A_101 = arith.index_cast %parallel_loop3A_100 : i32 to index
        %parallel_loop3A_102 = arith.index_cast %parallel_loop3A_87 : i32 to index
        %parallel_loop3A_103 = tpu.vector_load %arg14[%parallel_loop3A_101, %parallel_loop3A_102] {strides = array<i32>} : memref<16x640xf32, #tpu.memory_space<vmem>>, vector<16xf32>,
        %parallel_loop3A_104 = arith.addf %parallel_loop3A_95, %parallel_loop3A_103 : vector<16xf32>
        %parallel_loop3A_105 = arith.constant 1 : i32
        %parallel_loop3A_106 = arith.index_cast %parallel_loop3A_105 : i32 to index
        %parallel_loop3A_107 = arith.index_cast %parallel_loop3A_91 : i32 to index
        %parallel_loop3A_108 = tpu.vector_load %arg14[%parallel_loop3A_106, %parallel_loop3A_107] {strides = array<i32>} : memref<16x640xf32, #tpu.memory_space<vmem>>, vector<16xf32>,
        %parallel_loop3A_109 = arith.addf %parallel_loop3A_99, %parallel_loop3A_108 : vector<16xf32>
        %parallel_loop3A_110 = arith.constant 2 : i32
        %parallel_loop3A_111 = arith.index_cast %parallel_loop3A_110 : i32 to index
        %parallel_loop3A_112 = arith.index_cast %parallel_loop3A_87 : i32 to index
        %parallel_loop3A_113 = tpu.vector_load %arg14[%parallel_loop3A_111, %parallel_loop3A_112] {strides = array<i32>} : memref<16x640xf32, #tpu.memory_space<vmem>>, vector<16xf32>,
        %parallel_loop3A_114 = arith.addf %parallel_loop3A_104, %parallel_loop3A_113 : vector<16xf32>
        %parallel_loop3A_115 = arith.constant 2 : i32
        %parallel_loop3A_116 = arith.index_cast %parallel_loop3A_115 : i32 to index
        %parallel_loop3A_117 = arith.index_cast %parallel_loop3A_91 : i32 to index
        %parallel_loop3A_118 = tpu.vector_load %arg14[%parallel_loop3A_116, %parallel_loop3A_117] {strides = array<i32>} : memref<16x640xf32, #tpu.memory_space<vmem>>, vector<16xf32>,
        %parallel_loop3A_119 = arith.addf %parallel_loop3A_109, %parallel_loop3A_118 : vector<16xf32>
        %parallel_loop3A_120 = arith.constant 3 : i32
        %parallel_loop3A_121 = arith.index_cast %parallel_loop3A_120 : i32 to index
        %parallel_loop3A_122 = arith.index_cast %parallel_loop3A_87 : i32 to index
        %parallel_loop3A_123 = tpu.vector_load %arg14[%parallel_loop3A_121, %parallel_loop3A_122] {strides = array<i32>} : memref<16x640xf32, #tpu.memory_space<vmem>>, vector<16xf32>,
        %parallel_loop3A_124 = arith.addf %parallel_loop3A_114, %parallel_loop3A_123 : vector<16xf32>
        %parallel_loop3A_125 = arith.constant 3 : i32
        %parallel_loop3A_126 = arith.index_cast %parallel_loop3A_125 : i32 to index
        %parallel_loop3A_127 = arith.index_cast %parallel_loop3A_91 : i32 to index
        %parallel_loop3A_128 = tpu.vector_load %arg14[%parallel_loop3A_126, %parallel_loop3A_127] {strides = array<i32>} : memref<16x640xf32, #tpu.memory_space<vmem>>, vector<16xf32>,
        %parallel_loop3A_129 = arith.addf %parallel_loop3A_119, %parallel_loop3A_128 : vector<16xf32>
        %parallel_loop3A_130 = arith.constant 4 : i32
        %parallel_loop3A_131 = arith.index_cast %parallel_loop3A_130 : i32 to index
        %parallel_loop3A_132 = arith.index_cast %parallel_loop3A_87 : i32 to index
        %parallel_loop3A_133 = tpu.vector_load %arg14[%parallel_loop3A_131, %parallel_loop3A_132] {strides = array<i32>} : memref<16x640xf32, #tpu.memory_space<vmem>>, vector<16xf32>,
        %parallel_loop3A_134 = arith.addf %parallel_loop3A_124, %parallel_loop3A_133 : vector<16xf32>
        %parallel_loop3A_135 = arith.constant 4 : i32
        %parallel_loop3A_136 = arith.index_cast %parallel_loop3A_135 : i32 to index
        %parallel_loop3A_137 = arith.index_cast %parallel_loop3A_91 : i32 to index
        %parallel_loop3A_138 = tpu.vector_load %arg14[%parallel_loop3A_136, %parallel_loop3A_137] {strides = array<i32>} : memref<16x640xf32, #tpu.memory_space<vmem>>, vector<16xf32>,
        %parallel_loop3A_139 = arith.addf %parallel_loop3A_129, %parallel_loop3A_138 : vector<16xf32>
        %parallel_loop3A_140 = arith.constant 5 : i32
        %parallel_loop3A_141 = arith.index_cast %parallel_loop3A_140 : i32 to index
        %parallel_loop3A_142 = arith.index_cast %parallel_loop3A_87 : i32 to index
        %parallel_loop3A_143 = tpu.vector_load %arg14[%parallel_loop3A_141, %parallel_loop3A_142] {strides = array<i32>} : memref<16x640xf32, #tpu.memory_space<vmem>>, vector<16xf32>,
        %parallel_loop3A_144 = arith.addf %parallel_loop3A_134, %parallel_loop3A_143 : vector<16xf32>
        %parallel_loop3A_145 = arith.constant 5 : i32
        %parallel_loop3A_146 = arith.index_cast %parallel_loop3A_145 : i32 to index
        %parallel_loop3A_147 = arith.index_cast %parallel_loop3A_91 : i32 to index
        %parallel_loop3A_148 = tpu.vector_load %arg14[%parallel_loop3A_146, %parallel_loop3A_147] {strides = array<i32>} : memref<16x640xf32, #tpu.memory_space<vmem>>, vector<16xf32>,
        %parallel_loop3A_149 = arith.addf %parallel_loop3A_139, %parallel_loop3A_148 : vector<16xf32>
        %parallel_loop3A_150 = arith.constant 6 : i32
        %parallel_loop3A_151 = arith.index_cast %parallel_loop3A_150 : i32 to index
        %parallel_loop3A_152 = arith.index_cast %parallel_loop3A_87 : i32 to index
        %parallel_loop3A_153 = tpu.vector_load %arg14[%parallel_loop3A_151, %parallel_loop3A_152] {strides = array<i32>} : memref<16x640xf32, #tpu.memory_space<vmem>>, vector<16xf32>,
        %parallel_loop3A_154 = arith.addf %parallel_loop3A_144, %parallel_loop3A_153 : vector<16xf32>
        %parallel_loop3A_155 = arith.constant 6 : i32
        %parallel_loop3A_156 = arith.index_cast %parallel_loop3A_155 : i32 to index
        %parallel_loop3A_157 = arith.index_cast %parallel_loop3A_91 : i32 to index
        %parallel_loop3A_158 = tpu.vector_load %arg14[%parallel_loop3A_156, %parallel_loop3A_157] {strides = array<i32>} : memref<16x640xf32, #tpu.memory_space<vmem>>, vector<16xf32>,
        %parallel_loop3A_159 = arith.addf %parallel_loop3A_149, %parallel_loop3A_158 : vector<16xf32>
        %parallel_loop3A_160 = arith.constant 7 : i32
        %parallel_loop3A_161 = arith.index_cast %parallel_loop3A_160 : i32 to index
        %parallel_loop3A_162 = arith.index_cast %parallel_loop3A_87 : i32 to index
        %parallel_loop3A_163 = tpu.vector_load %arg14[%parallel_loop3A_161, %parallel_loop3A_162] {strides = array<i32>} : memref<16x640xf32, #tpu.memory_space<vmem>>, vector<16xf32>,
        %parallel_loop3A_164 = arith.addf %parallel_loop3A_154, %parallel_loop3A_163 : vector<16xf32>
        %parallel_loop3A_165 = arith.constant 7 : i32
        %parallel_loop3A_166 = arith.index_cast %parallel_loop3A_165 : i32 to index
        %parallel_loop3A_167 = arith.index_cast %parallel_loop3A_91 : i32 to index
        %parallel_loop3A_168 = tpu.vector_load %arg14[%parallel_loop3A_166, %parallel_loop3A_167] {strides = array<i32>} : memref<16x640xf32, #tpu.memory_space<vmem>>, vector<16xf32>,
        %parallel_loop3A_169 = arith.addf %parallel_loop3A_159, %parallel_loop3A_168 : vector<16xf32>
        %parallel_loop3A_170 = arith.constant 8 : i32
        %parallel_loop3A_171 = arith.index_cast %parallel_loop3A_170 : i32 to index
        %parallel_loop3A_172 = arith.index_cast %parallel_loop3A_87 : i32 to index
        %parallel_loop3A_173 = tpu.vector_load %arg14[%parallel_loop3A_171, %parallel_loop3A_172] {strides = array<i32>} : memref<16x640xf32, #tpu.memory_space<vmem>>, vector<16xf32>,
        %parallel_loop3A_174 = arith.addf %parallel_loop3A_164, %parallel_loop3A_173 : vector<16xf32>
        %parallel_loop3A_175 = arith.constant 8 : i32
        %parallel_loop3A_176 = arith.index_cast %parallel_loop3A_175 : i32 to index
        %parallel_loop3A_177 = arith.index_cast %parallel_loop3A_91 : i32 to index
        %parallel_loop3A_178 = tpu.vector_load %arg14[%parallel_loop3A_176, %parallel_loop3A_177] {strides = array<i32>} : memref<16x640xf32, #tpu.memory_space<vmem>>, vector<16xf32>,
        %parallel_loop3A_179 = arith.addf %parallel_loop3A_169, %parallel_loop3A_178 : vector<16xf32>
        %parallel_loop3A_180 = arith.constant 9 : i32
        %parallel_loop3A_181 = arith.index_cast %parallel_loop3A_180 : i32 to index
        %parallel_loop3A_182 = arith.index_cast %parallel_loop3A_87 : i32 to index
        %parallel_loop3A_183 = tpu.vector_load %arg14[%parallel_loop3A_181, %parallel_loop3A_182] {strides = array<i32>} : memref<16x640xf32, #tpu.memory_space<vmem>>, vector<16xf32>,
        %parallel_loop3A_184 = arith.addf %parallel_loop3A_174, %parallel_loop3A_183 : vector<16xf32>
        %parallel_loop3A_185 = arith.constant 9 : i32
        %parallel_loop3A_186 = arith.index_cast %parallel_loop3A_185 : i32 to index
        %parallel_loop3A_187 = arith.index_cast %parallel_loop3A_91 : i32 to index
        %parallel_loop3A_188 = tpu.vector_load %arg14[%parallel_loop3A_186, %parallel_loop3A_187] {strides = array<i32>} : memref<16x640xf32, #tpu.memory_space<vmem>>, vector<16xf32>,
        %parallel_loop3A_189 = arith.addf %parallel_loop3A_179, %parallel_loop3A_188 : vector<16xf32>
        %parallel_loop3A_190 = arith.constant 10 : i32
        %parallel_loop3A_191 = arith.index_cast %parallel_loop3A_190 : i32 to index
        %parallel_loop3A_192 = arith.index_cast %parallel_loop3A_87 : i32 to index
        %parallel_loop3A_193 = tpu.vector_load %arg14[%parallel_loop3A_191, %parallel_loop3A_192] {strides = array<i32>} : memref<16x640xf32, #tpu.memory_space<vmem>>, vector<16xf32>,
        %parallel_loop3A_194 = arith.addf %parallel_loop3A_184, %parallel_loop3A_193 : vector<16xf32>
        %parallel_loop3A_195 = arith.constant 10 : i32
        %parallel_loop3A_196 = arith.index_cast %parallel_loop3A_195 : i32 to index
        %parallel_loop3A_197 = arith.index_cast %parallel_loop3A_91 : i32 to index
        %parallel_loop3A_198 = tpu.vector_load %arg14[%parallel_loop3A_196, %parallel_loop3A_197] {strides = array<i32>} : memref<16x640xf32, #tpu.memory_space<vmem>>, vector<16xf32>,
        %parallel_loop3A_199 = arith.addf %parallel_loop3A_189, %parallel_loop3A_198 : vector<16xf32>
        %parallel_loop3A_200 = arith.constant 11 : i32
        %parallel_loop3A_201 = arith.index_cast %parallel_loop3A_200 : i32 to index
        %parallel_loop3A_202 = arith.index_cast %parallel_loop3A_87 : i32 to index
        %parallel_loop3A_203 = tpu.vector_load %arg14[%parallel_loop3A_201, %parallel_loop3A_202] {strides = array<i32>} : memref<16x640xf32, #tpu.memory_space<vmem>>, vector<16xf32>,
        %parallel_loop3A_204 = arith.addf %parallel_loop3A_194, %parallel_loop3A_203 : vector<16xf32>
        %parallel_loop3A_205 = arith.constant 11 : i32
        %parallel_loop3A_206 = arith.index_cast %parallel_loop3A_205 : i32 to index
        %parallel_loop3A_207 = arith.index_cast %parallel_loop3A_91 : i32 to index
        %parallel_loop3A_208 = tpu.vector_load %arg14[%parallel_loop3A_206, %parallel_loop3A_207] {strides = array<i32>} : memref<16x640xf32, #tpu.memory_space<vmem>>, vector<16xf32>,
        %parallel_loop3A_209 = arith.addf %parallel_loop3A_199, %parallel_loop3A_208 : vector<16xf32>
        %parallel_loop3A_210 = arith.constant 12 : i32
        %parallel_loop3A_211 = arith.index_cast %parallel_loop3A_210 : i32 to index
        %parallel_loop3A_212 = arith.index_cast %parallel_loop3A_87 : i32 to index
        %parallel_loop3A_213 = tpu.vector_load %arg14[%parallel_loop3A_211, %parallel_loop3A_212] {strides = array<i32>} : memref<16x640xf32, #tpu.memory_space<vmem>>, vector<16xf32>,
        %parallel_loop3A_214 = arith.addf %parallel_loop3A_204, %parallel_loop3A_213 : vector<16xf32>
        %parallel_loop3A_215 = arith.constant 12 : i32
        %parallel_loop3A_216 = arith.index_cast %parallel_loop3A_215 : i32 to index
        %parallel_loop3A_217 = arith.index_cast %parallel_loop3A_91 : i32 to index
        %parallel_loop3A_218 = tpu.vector_load %arg14[%parallel_loop3A_216, %parallel_loop3A_217] {strides = array<i32>} : memref<16x640xf32, #tpu.memory_space<vmem>>, vector<16xf32>,
        %parallel_loop3A_219 = arith.addf %parallel_loop3A_209, %parallel_loop3A_218 : vector<16xf32>
        %parallel_loop3A_220 = arith.constant 13 : i32
        %parallel_loop3A_221 = arith.index_cast %parallel_loop3A_220 : i32 to index
        %parallel_loop3A_222 = arith.index_cast %parallel_loop3A_87 : i32 to index
        %parallel_loop3A_223 = tpu.vector_load %arg14[%parallel_loop3A_221, %parallel_loop3A_222] {strides = array<i32>} : memref<16x640xf32, #tpu.memory_space<vmem>>, vector<16xf32>,
        %parallel_loop3A_224 = arith.addf %parallel_loop3A_214, %parallel_loop3A_223 : vector<16xf32>
        %parallel_loop3A_225 = arith.constant 13 : i32
        %parallel_loop3A_226 = arith.index_cast %parallel_loop3A_225 : i32 to index
        %parallel_loop3A_227 = arith.index_cast %parallel_loop3A_91 : i32 to index
        %parallel_loop3A_228 = tpu.vector_load %arg14[%parallel_loop3A_226, %parallel_loop3A_227] {strides = array<i32>} : memref<16x640xf32, #tpu.memory_space<vmem>>, vector<16xf32>,
        %parallel_loop3A_229 = arith.addf %parallel_loop3A_219, %parallel_loop3A_228 : vector<16xf32>
        %parallel_loop3A_230 = arith.constant 14 : i32
        %parallel_loop3A_231 = arith.index_cast %parallel_loop3A_230 : i32 to index
        %parallel_loop3A_232 = arith.index_cast %parallel_loop3A_87 : i32 to index
        %parallel_loop3A_233 = tpu.vector_load %arg14[%parallel_loop3A_231, %parallel_loop3A_232] {strides = array<i32>} : memref<16x640xf32, #tpu.memory_space<vmem>>, vector<16xf32>,
        %parallel_loop3A_234 = arith.addf %parallel_loop3A_224, %parallel_loop3A_233 : vector<16xf32>
        %parallel_loop3A_235 = arith.constant 14 : i32
        %parallel_loop3A_236 = arith.index_cast %parallel_loop3A_235 : i32 to index
        %parallel_loop3A_237 = arith.index_cast %parallel_loop3A_91 : i32 to index
        %parallel_loop3A_238 = tpu.vector_load %arg14[%parallel_loop3A_236, %parallel_loop3A_237] {strides = array<i32>} : memref<16x640xf32, #tpu.memory_space<vmem>>, vector<16xf32>,
        %parallel_loop3A_239 = arith.addf %parallel_loop3A_229, %parallel_loop3A_238 : vector<16xf32>
        %parallel_loop3A_240 = arith.constant 15 : i32
        %parallel_loop3A_241 = arith.index_cast %parallel_loop3A_240 : i32 to index
        %parallel_loop3A_242 = arith.index_cast %parallel_loop3A_87 : i32 to index
        %parallel_loop3A_243 = tpu.vector_load %arg14[%parallel_loop3A_241, %parallel_loop3A_242] {strides = array<i32>} : memref<16x640xf32, #tpu.memory_space<vmem>>, vector<16xf32>,
        %parallel_loop3A_244 = arith.addf %parallel_loop3A_234, %parallel_loop3A_243 : vector<16xf32>
        %parallel_loop3A_245 = arith.constant 15 : i32
        %parallel_loop3A_246 = arith.index_cast %parallel_loop3A_245 : i32 to index
        %parallel_loop3A_247 = arith.index_cast %parallel_loop3A_91 : i32 to index
        %parallel_loop3A_248 = tpu.vector_load %arg14[%parallel_loop3A_246, %parallel_loop3A_247] {strides = array<i32>} : memref<16x640xf32, #tpu.memory_space<vmem>>, vector<16xf32>,
        %parallel_loop3A_249 = arith.addf %parallel_loop3A_239, %parallel_loop3A_248 : vector<16xf32>
        %parallel_loop3A_250 = arith.index_cast %parallel_loop3A_87 : i32 to index
        %parallel_loop3A_251 = tpu.vector_load %arg17[%parallel_loop3A_250] {strides = array<i32>} : memref<640xf32, #tpu.memory_space<vmem>>, vector<16xf32>,
        tpu.vector_store %arg17[%parallel_loop3A_250], %parallel_loop3A_244 {strides = array<i32>} : memref<640xf32, #tpu.memory_space<vmem>>, vector<16xf32>,
        %parallel_loop3A_252 = arith.index_cast %parallel_loop3A_91 : i32 to index
        %parallel_loop3A_253 = tpu.vector_load %arg17[%parallel_loop3A_252] {strides = array<i32>} : memref<640xf32, #tpu.memory_space<vmem>>, vector<16xf32>,
        tpu.vector_store %arg17[%parallel_loop3A_252], %parallel_loop3A_249 {strides = array<i32>} : memref<640xf32, #tpu.memory_space<vmem>>, vector<16xf32>,
      } {sc.loop_unroll_factor = 1 : i64, sc.parallel_access}
      "tpu.region"() ({
        %run_scoped3A = tpu.sem_alloc : memref<!tpu.dma_semaphore, #tpu.memory_space<semaphore_mem>>
        %dma_start3A_85 = tpu.memref_slice %arg8[%mul3A_13] : memref<10240xf32, #tpu.memory_space<hbm>> -> memref<640xf32, #tpu.memory_space<hbm>>
        %dma_start3A_86 = tpu.memref_slice %arg8[%mul3A_13] : memref<10240xf32, #tpu.memory_space<hbm>> -> memref<640xf32, #tpu.memory_space<hbm>>
        tpu.enqueue_dma source(%arg17 : memref<640xf32, #tpu.memory_space<vmem>>) target(%dma_start3A_86 : memref<640xf32, #tpu.memory_space<hbm>>) target_semaphore(%run_scoped3A : memref<!tpu.dma_semaphore, #tpu.memory_space<semaphore_mem>>)
        %dma_wait3A_87 = tpu.memref_slice %arg8[%mul3A_13] : memref<10240xf32, #tpu.memory_space<hbm>> -> memref<640xf32, #tpu.memory_space<hbm>>
        %dma_wait3A_88 = tpu.memref_slice %arg8[%mul3A_13] : memref<10240xf32, #tpu.memory_space<hbm>> -> memref<640xf32, #tpu.memory_space<hbm>>
        tpu.wait_dma2 semaphore(%run_scoped3A : memref<!tpu.dma_semaphore, #tpu.memory_space<semaphore_mem>>) src(%arg17 : memref<640xf32, #tpu.memory_space<vmem>>) dst(%dma_wait3A_88 : memref<640xf32, #tpu.memory_space<hbm>>)
        tpu.yield
      }) : () -> ()
    } else {
    }
    %eq3A_2 = arith.constant 1 : i32
    %eq3A_3 = arith.cmpi eq, %arg0, %eq3A_2 : i32
    %convert_element_type3A_4 = arith.extui %eq3A_3 : i1 to i32
    %cond3A_5 = arith.constant 0 : i32
    %cond3A_6 = arith.cmpi ne, %convert_element_type3A_4, %cond3A_5 : i32
    scf.if %cond3A_6 {
      %mul3A = arith.constant 640 : i32
      %mul3A_7 = arith.muli %arg1, %mul3A : i32
      "tpu.region"() ({
        %run_scoped3A = tpu.sem_alloc : memref<!tpu.dma_semaphore, #tpu.memory_space<semaphore_mem>>
        %dma_start3A_205 = tpu.memref_slice %arg5[%mul3A_7] : memref<10240xi32, #tpu.memory_space<hbm>> -> memref<640xi32, #tpu.memory_space<hbm>>
        %dma_start3A_206 = tpu.memref_slice %arg5[%mul3A_7] : memref<10240xi32, #tpu.memory_space<hbm>> -> memref<640xi32, #tpu.memory_space<hbm>>
        tpu.enqueue_dma source(%dma_start3A_206 : memref<640xi32, #tpu.memory_space<hbm>>) target(%arg19 : memref<640xi32, #tpu.memory_space<vmem>>) target_semaphore(%run_scoped3A : memref<!tpu.dma_semaphore, #tpu.memory_space<semaphore_mem>>)
        %dma_wait3A_207 = tpu.memref_slice %arg5[%mul3A_7] : memref<10240xi32, #tpu.memory_space<hbm>> -> memref<640xi32, #tpu.memory_space<hbm>>
        %dma_wait3A_208 = tpu.memref_slice %arg5[%mul3A_7] : memref<10240xi32, #tpu.memory_space<hbm>> -> memref<640xi32, #tpu.memory_space<hbm>>
        tpu.wait_dma2 semaphore(%run_scoped3A : memref<!tpu.dma_semaphore, #tpu.memory_space<semaphore_mem>>) src(%dma_wait3A_208 : memref<640xi32, #tpu.memory_space<hbm>>) dst(%arg19 : memref<640xi32, #tpu.memory_space<vmem>>)
        tpu.yield
      }) : () -> ()
      %dma_start3A = arith.constant 0 : i32
      %dma_start3A_8 = tpu.memref_slice %arg19[%dma_start3A] : memref<640xi32, #tpu.memory_space<vmem>> -> memref<64xi32, #tpu.memory_space<vmem>>
      %dma_start3A_9 = arith.constant 0 : i32
      %dma_start3A_10 = arith.constant 0 : i32
      %dma_start3A_11 = tpu.memref_slice %arg6[%dma_start3A_9, %dma_start3A_10] : memref<100000x128xf32, #tpu.memory_space<hbm>> -> memref<100000x128xf32, #tpu.memory_space<hbm>>
      tpu.enqueue_indirect_dma source(%dma_start3A_11 : memref<100000x128xf32, #tpu.memory_space<hbm>>) target(%arg20 : memref<64x128xf32, #tpu.memory_space<vmem>>) offsets(%dma_start3A_8 : memref<64xi32, #tpu.memory_space<vmem>>) semaphore(%arg25 : memref<!tpu.dma_semaphore, #tpu.memory_space<semaphore_mem>>)
      %dma_start3A_12 = arith.constant 64 : i32
      %dma_start3A_13 = tpu.memref_slice %arg19[%dma_start3A_12] : memref<640xi32, #tpu.memory_space<vmem>> -> memref<64xi32, #tpu.memory_space<vmem>>
      %dma_start3A_14 = arith.constant 0 : i32
      %dma_start3A_15 = arith.constant 0 : i32
      %dma_start3A_16 = tpu.memref_slice %arg6[%dma_start3A_14, %dma_start3A_15] : memref<100000x128xf32, #tpu.memory_space<hbm>> -> memref<100000x128xf32, #tpu.memory_space<hbm>>
      tpu.enqueue_indirect_dma source(%dma_start3A_16 : memref<100000x128xf32, #tpu.memory_space<hbm>>) target(%arg21 : memref<64x128xf32, #tpu.memory_space<vmem>>) offsets(%dma_start3A_13 : memref<64xi32, #tpu.memory_space<vmem>>) semaphore(%arg26 : memref<!tpu.dma_semaphore, #tpu.memory_space<semaphore_mem>>)
      %dma_wait3A = arith.constant 0 : i32
      %dma_wait3A_17 = tpu.memref_slice %arg19[%dma_wait3A] : memref<640xi32, #tpu.memory_space<vmem>> -> memref<64xi32, #tpu.memory_space<vmem>>
      %dma_wait3A_18 = arith.constant 0 : i32
      %dma_wait3A_19 = arith.constant 0 : i32
      %dma_wait3A_20 = tpu.memref_slice %arg6[%dma_wait3A_18, %dma_wait3A_19] : memref<100000x128xf32, #tpu.memory_space<hbm>> -> memref<100000x128xf32, #tpu.memory_space<hbm>>
      tpu.wait_indirect_dma semaphore(%arg25 : memref<!tpu.dma_semaphore, #tpu.memory_space<semaphore_mem>>) src(%dma_wait3A_20 : memref<100000x128xf32, #tpu.memory_space<hbm>>) dst(%arg20 : memref<64x128xf32, #tpu.memory_space<vmem>>)
      %add3A = arith.constant 0 : i32
      %add3A_21 = arith.addi %mul3A_7, %add3A : i32
      %dma_start3A_22 = arith.constant 0 : i32
      %dma_start3A_23 = tpu.memref_slice %arg9[%add3A_21, %dma_start3A_22] : memref<10240x128xf32, #tpu.memory_space<hbm>> -> memref<64x128xf32, #tpu.memory_space<hbm>>
      %dma_start3A_24 = arith.constant 0 : i32
      %dma_start3A_25 = tpu.memref_slice %arg9[%add3A_21, %dma_start3A_24] : memref<10240x128xf32, #tpu.memory_space<hbm>> -> memref<64x128xf32, #tpu.memory_space<hbm>>
      tpu.enqueue_dma source(%arg20 : memref<64x128xf32, #tpu.memory_space<vmem>>) target(%dma_start3A_25 : memref<64x128xf32, #tpu.memory_space<hbm>>) target_semaphore(%arg27 : memref<!tpu.dma_semaphore, #tpu.memory_space<semaphore_mem>>)
      %dma_wait3A_26 = arith.constant 0 : i32
      %dma_wait3A_27 = tpu.memref_slice %arg9[%add3A_21, %dma_wait3A_26] : memref<10240x128xf32, #tpu.memory_space<hbm>> -> memref<64x128xf32, #tpu.memory_space<hbm>>
      %dma_wait3A_28 = arith.constant 0 : i32
      %dma_wait3A_29 = tpu.memref_slice %arg9[%add3A_21, %dma_wait3A_28] : memref<10240x128xf32, #tpu.memory_space<hbm>> -> memref<64x128xf32, #tpu.memory_space<hbm>>
      tpu.wait_dma2 semaphore(%arg27 : memref<!tpu.dma_semaphore, #tpu.memory_space<semaphore_mem>>) src(%arg20 : memref<64x128xf32, #tpu.memory_space<vmem>>) dst(%dma_wait3A_29 : memref<64x128xf32, #tpu.memory_space<hbm>>)
      %dma_start3A_30 = arith.constant 128 : i32
      %dma_start3A_31 = tpu.memref_slice %arg19[%dma_start3A_30] : memref<640xi32, #tpu.memory_space<vmem>> -> memref<64xi32, #tpu.memory_space<vmem>>
      %dma_start3A_32 = arith.constant 0 : i32
      %dma_start3A_33 = arith.constant 0 : i32
      %dma_start3A_34 = tpu.memref_slice %arg6[%dma_start3A_32, %dma_start3A_33] : memref<100000x128xf32, #tpu.memory_space<hbm>> -> memref<100000x128xf32, #tpu.memory_space<hbm>>
      tpu.enqueue_indirect_dma source(%dma_start3A_34 : memref<100000x128xf32, #tpu.memory_space<hbm>>) target(%arg20 : memref<64x128xf32, #tpu.memory_space<vmem>>) offsets(%dma_start3A_31 : memref<64xi32, #tpu.memory_space<vmem>>) semaphore(%arg25 : memref<!tpu.dma_semaphore, #tpu.memory_space<semaphore_mem>>)
      %dma_wait3A_35 = arith.constant 64 : i32
      %dma_wait3A_36 = tpu.memref_slice %arg19[%dma_wait3A_35] : memref<640xi32, #tpu.memory_space<vmem>> -> memref<64xi32, #tpu.memory_space<vmem>>
      %dma_wait3A_37 = arith.constant 0 : i32
      %dma_wait3A_38 = arith.constant 0 : i32
      %dma_wait3A_39 = tpu.memref_slice %arg6[%dma_wait3A_37, %dma_wait3A_38] : memref<100000x128xf32, #tpu.memory_space<hbm>> -> memref<100000x128xf32, #tpu.memory_space<hbm>>
      tpu.wait_indirect_dma semaphore(%arg26 : memref<!tpu.dma_semaphore, #tpu.memory_space<semaphore_mem>>) src(%dma_wait3A_39 : memref<100000x128xf32, #tpu.memory_space<hbm>>) dst(%arg21 : memref<64x128xf32, #tpu.memory_space<vmem>>)
      %add3A_40 = arith.constant 64 : i32
      %add3A_41 = arith.addi %mul3A_7, %add3A_40 : i32
      %dma_start3A_42 = arith.constant 0 : i32
      %dma_start3A_43 = tpu.memref_slice %arg9[%add3A_41, %dma_start3A_42] : memref<10240x128xf32, #tpu.memory_space<hbm>> -> memref<64x128xf32, #tpu.memory_space<hbm>>
      %dma_start3A_44 = arith.constant 0 : i32
      %dma_start3A_45 = tpu.memref_slice %arg9[%add3A_41, %dma_start3A_44] : memref<10240x128xf32, #tpu.memory_space<hbm>> -> memref<64x128xf32, #tpu.memory_space<hbm>>
      tpu.enqueue_dma source(%arg21 : memref<64x128xf32, #tpu.memory_space<vmem>>) target(%dma_start3A_45 : memref<64x128xf32, #tpu.memory_space<hbm>>) target_semaphore(%arg28 : memref<!tpu.dma_semaphore, #tpu.memory_space<semaphore_mem>>)
      %dma_wait3A_46 = arith.constant 0 : i32
      %dma_wait3A_47 = tpu.memref_slice %arg9[%add3A_41, %dma_wait3A_46] : memref<10240x128xf32, #tpu.memory_space<hbm>> -> memref<64x128xf32, #tpu.memory_space<hbm>>
      %dma_wait3A_48 = arith.constant 0 : i32
      %dma_wait3A_49 = tpu.memref_slice %arg9[%add3A_41, %dma_wait3A_48] : memref<10240x128xf32, #tpu.memory_space<hbm>> -> memref<64x128xf32, #tpu.memory_space<hbm>>
      tpu.wait_dma2 semaphore(%arg28 : memref<!tpu.dma_semaphore, #tpu.memory_space<semaphore_mem>>) src(%arg21 : memref<64x128xf32, #tpu.memory_space<vmem>>) dst(%dma_wait3A_49 : memref<64x128xf32, #tpu.memory_space<hbm>>)
      %dma_start3A_50 = arith.constant 192 : i32
      %dma_start3A_51 = tpu.memref_slice %arg19[%dma_start3A_50] : memref<640xi32, #tpu.memory_space<vmem>> -> memref<64xi32, #tpu.memory_space<vmem>>
      %dma_start3A_52 = arith.constant 0 : i32
      %dma_start3A_53 = arith.constant 0 : i32
      %dma_start3A_54 = tpu.memref_slice %arg6[%dma_start3A_52, %dma_start3A_53] : memref<100000x128xf32, #tpu.memory_space<hbm>> -> memref<100000x128xf32, #tpu.memory_space<hbm>>
      tpu.enqueue_indirect_dma source(%dma_start3A_54 : memref<100000x128xf32, #tpu.memory_space<hbm>>) target(%arg21 : memref<64x128xf32, #tpu.memory_space<vmem>>) offsets(%dma_start3A_51 : memref<64xi32, #tpu.memory_space<vmem>>) semaphore(%arg26 : memref<!tpu.dma_semaphore, #tpu.memory_space<semaphore_mem>>)
      %dma_wait3A_55 = arith.constant 128 : i32
      %dma_wait3A_56 = tpu.memref_slice %arg19[%dma_wait3A_55] : memref<640xi32, #tpu.memory_space<vmem>> -> memref<64xi32, #tpu.memory_space<vmem>>
      %dma_wait3A_57 = arith.constant 0 : i32
      %dma_wait3A_58 = arith.constant 0 : i32
      %dma_wait3A_59 = tpu.memref_slice %arg6[%dma_wait3A_57, %dma_wait3A_58] : memref<100000x128xf32, #tpu.memory_space<hbm>> -> memref<100000x128xf32, #tpu.memory_space<hbm>>
      tpu.wait_indirect_dma semaphore(%arg25 : memref<!tpu.dma_semaphore, #tpu.memory_space<semaphore_mem>>) src(%dma_wait3A_59 : memref<100000x128xf32, #tpu.memory_space<hbm>>) dst(%arg20 : memref<64x128xf32, #tpu.memory_space<vmem>>)
      %add3A_60 = arith.constant 128 : i32
      %add3A_61 = arith.addi %mul3A_7, %add3A_60 : i32
      %dma_start3A_62 = arith.constant 0 : i32
      %dma_start3A_63 = tpu.memref_slice %arg9[%add3A_61, %dma_start3A_62] : memref<10240x128xf32, #tpu.memory_space<hbm>> -> memref<64x128xf32, #tpu.memory_space<hbm>>
      %dma_start3A_64 = arith.constant 0 : i32
      %dma_start3A_65 = tpu.memref_slice %arg9[%add3A_61, %dma_start3A_64] : memref<10240x128xf32, #tpu.memory_space<hbm>> -> memref<64x128xf32, #tpu.memory_space<hbm>>
      tpu.enqueue_dma source(%arg20 : memref<64x128xf32, #tpu.memory_space<vmem>>) target(%dma_start3A_65 : memref<64x128xf32, #tpu.memory_space<hbm>>) target_semaphore(%arg27 : memref<!tpu.dma_semaphore, #tpu.memory_space<semaphore_mem>>)
      %dma_wait3A_66 = arith.constant 0 : i32
      %dma_wait3A_67 = tpu.memref_slice %arg9[%add3A_61, %dma_wait3A_66] : memref<10240x128xf32, #tpu.memory_space<hbm>> -> memref<64x128xf32, #tpu.memory_space<hbm>>
      %dma_wait3A_68 = arith.constant 0 : i32
      %dma_wait3A_69 = tpu.memref_slice %arg9[%add3A_61, %dma_wait3A_68] : memref<10240x128xf32, #tpu.memory_space<hbm>> -> memref<64x128xf32, #tpu.memory_space<hbm>>
      tpu.wait_dma2 semaphore(%arg27 : memref<!tpu.dma_semaphore, #tpu.memory_space<semaphore_mem>>) src(%arg20 : memref<64x128xf32, #tpu.memory_space<vmem>>) dst(%dma_wait3A_69 : memref<64x128xf32, #tpu.memory_space<hbm>>)
      %dma_start3A_70 = arith.constant 256 : i32
      %dma_start3A_71 = tpu.memref_slice %arg19[%dma_start3A_70] : memref<640xi32, #tpu.memory_space<vmem>> -> memref<64xi32, #tpu.memory_space<vmem>>
      %dma_start3A_72 = arith.constant 0 : i32
      %dma_start3A_73 = arith.constant 0 : i32
      %dma_start3A_74 = tpu.memref_slice %arg6[%dma_start3A_72, %dma_start3A_73] : memref<100000x128xf32, #tpu.memory_space<hbm>> -> memref<100000x128xf32, #tpu.memory_space<hbm>>
      tpu.enqueue_indirect_dma source(%dma_start3A_74 : memref<100000x128xf32, #tpu.memory_space<hbm>>) target(%arg20 : memref<64x128xf32, #tpu.memory_space<vmem>>) offsets(%dma_start3A_71 : memref<64xi32, #tpu.memory_space<vmem>>) semaphore(%arg25 : memref<!tpu.dma_semaphore, #tpu.memory_space<semaphore_mem>>)
      %dma_wait3A_75 = arith.constant 192 : i32
      %dma_wait3A_76 = tpu.memref_slice %arg19[%dma_wait3A_75] : memref<640xi32, #tpu.memory_space<vmem>> -> memref<64xi32, #tpu.memory_space<vmem>>
      %dma_wait3A_77 = arith.constant 0 : i32
      %dma_wait3A_78 = arith.constant 0 : i32
      %dma_wait3A_79 = tpu.memref_slice %arg6[%dma_wait3A_77, %dma_wait3A_78] : memref<100000x128xf32, #tpu.memory_space<hbm>> -> memref<100000x128xf32, #tpu.memory_space<hbm>>
      tpu.wait_indirect_dma semaphore(%arg26 : memref<!tpu.dma_semaphore, #tpu.memory_space<semaphore_mem>>) src(%dma_wait3A_79 : memref<100000x128xf32, #tpu.memory_space<hbm>>) dst(%arg21 : memref<64x128xf32, #tpu.memory_space<vmem>>)
      %add3A_80 = arith.constant 192 : i32
      %add3A_81 = arith.addi %mul3A_7, %add3A_80 : i32
      %dma_start3A_82 = arith.constant 0 : i32
      %dma_start3A_83 = tpu.memref_slice %arg9[%add3A_81, %dma_start3A_82] : memref<10240x128xf32, #tpu.memory_space<hbm>> -> memref<64x128xf32, #tpu.memory_space<hbm>>
      %dma_start3A_84 = arith.constant 0 : i32
      %dma_start3A_85 = tpu.memref_slice %arg9[%add3A_81, %dma_start3A_84] : memref<10240x128xf32, #tpu.memory_space<hbm>> -> memref<64x128xf32, #tpu.memory_space<hbm>>
      tpu.enqueue_dma source(%arg21 : memref<64x128xf32, #tpu.memory_space<vmem>>) target(%dma_start3A_85 : memref<64x128xf32, #tpu.memory_space<hbm>>) target_semaphore(%arg28 : memref<!tpu.dma_semaphore, #tpu.memory_space<semaphore_mem>>)
      %dma_wait3A_86 = arith.constant 0 : i32
      %dma_wait3A_87 = tpu.memref_slice %arg9[%add3A_81, %dma_wait3A_86] : memref<10240x128xf32, #tpu.memory_space<hbm>> -> memref<64x128xf32, #tpu.memory_space<hbm>>
      %dma_wait3A_88 = arith.constant 0 : i32
      %dma_wait3A_89 = tpu.memref_slice %arg9[%add3A_81, %dma_wait3A_88] : memref<10240x128xf32, #tpu.memory_space<hbm>> -> memref<64x128xf32, #tpu.memory_space<hbm>>
      tpu.wait_dma2 semaphore(%arg28 : memref<!tpu.dma_semaphore, #tpu.memory_space<semaphore_mem>>) src(%arg21 : memref<64x128xf32, #tpu.memory_space<vmem>>) dst(%dma_wait3A_89 : memref<64x128xf32, #tpu.memory_space<hbm>>)
      %dma_start3A_90 = arith.constant 320 : i32
      %dma_start3A_91 = tpu.memref_slice %arg19[%dma_start3A_90] : memref<640xi32, #tpu.memory_space<vmem>> -> memref<64xi32, #tpu.memory_space<vmem>>
      %dma_start3A_92 = arith.constant 0 : i32
      %dma_start3A_93 = arith.constant 0 : i32
      %dma_start3A_94 = tpu.memref_slice %arg6[%dma_start3A_92, %dma_start3A_93] : memref<100000x128xf32, #tpu.memory_space<hbm>> -> memref<100000x128xf32, #tpu.memory_space<hbm>>
      tpu.enqueue_indirect_dma source(%dma_start3A_94 : memref<100000x128xf32, #tpu.memory_space<hbm>>) target(%arg21 : memref<64x128xf32, #tpu.memory_space<vmem>>) offsets(%dma_start3A_91 : memref<64xi32, #tpu.memory_space<vmem>>) semaphore(%arg26 : memref<!tpu.dma_semaphore, #tpu.memory_space<semaphore_mem>>)
      %dma_wait3A_95 = arith.constant 256 : i32
      %dma_wait3A_96 = tpu.memref_slice %arg19[%dma_wait3A_95] : memref<640xi32, #tpu.memory_space<vmem>> -> memref<64xi32, #tpu.memory_space<vmem>>
      %dma_wait3A_97 = arith.constant 0 : i32
      %dma_wait3A_98 = arith.constant 0 : i32
      %dma_wait3A_99 = tpu.memref_slice %arg6[%dma_wait3A_97, %dma_wait3A_98] : memref<100000x128xf32, #tpu.memory_space<hbm>> -> memref<100000x128xf32, #tpu.memory_space<hbm>>
      tpu.wait_indirect_dma semaphore(%arg25 : memref<!tpu.dma_semaphore, #tpu.memory_space<semaphore_mem>>) src(%dma_wait3A_99 : memref<100000x128xf32, #tpu.memory_space<hbm>>) dst(%arg20 : memref<64x128xf32, #tpu.memory_space<vmem>>)
      %add3A_100 = arith.constant 256 : i32
      %add3A_101 = arith.addi %mul3A_7, %add3A_100 : i32
      %dma_start3A_102 = arith.constant 0 : i32
      %dma_start3A_103 = tpu.memref_slice %arg9[%add3A_101, %dma_start3A_102] : memref<10240x128xf32, #tpu.memory_space<hbm>> -> memref<64x128xf32, #tpu.memory_space<hbm>>
      %dma_start3A_104 = arith.constant 0 : i32
      %dma_start3A_105 = tpu.memref_slice %arg9[%add3A_101, %dma_start3A_104] : memref<10240x128xf32, #tpu.memory_space<hbm>> -> memref<64x128xf32, #tpu.memory_space<hbm>>
      tpu.enqueue_dma source(%arg20 : memref<64x128xf32, #tpu.memory_space<vmem>>) target(%dma_start3A_105 : memref<64x128xf32, #tpu.memory_space<hbm>>) target_semaphore(%arg27 : memref<!tpu.dma_semaphore, #tpu.memory_space<semaphore_mem>>)
      %dma_wait3A_106 = arith.constant 0 : i32
      %dma_wait3A_107 = tpu.memref_slice %arg9[%add3A_101, %dma_wait3A_106] : memref<10240x128xf32, #tpu.memory_space<hbm>> -> memref<64x128xf32, #tpu.memory_space<hbm>>
      %dma_wait3A_108 = arith.constant 0 : i32
      %dma_wait3A_109 = tpu.memref_slice %arg9[%add3A_101, %dma_wait3A_108] : memref<10240x128xf32, #tpu.memory_space<hbm>> -> memref<64x128xf32, #tpu.memory_space<hbm>>
      tpu.wait_dma2 semaphore(%arg27 : memref<!tpu.dma_semaphore, #tpu.memory_space<semaphore_mem>>) src(%arg20 : memref<64x128xf32, #tpu.memory_space<vmem>>) dst(%dma_wait3A_109 : memref<64x128xf32, #tpu.memory_space<hbm>>)
      %dma_start3A_110 = arith.constant 384 : i32
      %dma_start3A_111 = tpu.memref_slice %arg19[%dma_start3A_110] : memref<640xi32, #tpu.memory_space<vmem>> -> memref<64xi32, #tpu.memory_space<vmem>>
      %dma_start3A_112 = arith.constant 0 : i32
      %dma_start3A_113 = arith.constant 0 : i32
      %dma_start3A_114 = tpu.memref_slice %arg6[%dma_start3A_112, %dma_start3A_113] : memref<100000x128xf32, #tpu.memory_space<hbm>> -> memref<100000x128xf32, #tpu.memory_space<hbm>>
      tpu.enqueue_indirect_dma source(%dma_start3A_114 : memref<100000x128xf32, #tpu.memory_space<hbm>>) target(%arg20 : memref<64x128xf32, #tpu.memory_space<vmem>>) offsets(%dma_start3A_111 : memref<64xi32, #tpu.memory_space<vmem>>) semaphore(%arg25 : memref<!tpu.dma_semaphore, #tpu.memory_space<semaphore_mem>>)
      %dma_wait3A_115 = arith.constant 320 : i32
      %dma_wait3A_116 = tpu.memref_slice %arg19[%dma_wait3A_115] : memref<640xi32, #tpu.memory_space<vmem>> -> memref<64xi32, #tpu.memory_space<vmem>>
      %dma_wait3A_117 = arith.constant 0 : i32
      %dma_wait3A_118 = arith.constant 0 : i32
      %dma_wait3A_119 = tpu.memref_slice %arg6[%dma_wait3A_117, %dma_wait3A_118] : memref<100000x128xf32, #tpu.memory_space<hbm>> -> memref<100000x128xf32, #tpu.memory_space<hbm>>
      tpu.wait_indirect_dma semaphore(%arg26 : memref<!tpu.dma_semaphore, #tpu.memory_space<semaphore_mem>>) src(%dma_wait3A_119 : memref<100000x128xf32, #tpu.memory_space<hbm>>) dst(%arg21 : memref<64x128xf32, #tpu.memory_space<vmem>>)
      %add3A_120 = arith.constant 320 : i32
      %add3A_121 = arith.addi %mul3A_7, %add3A_120 : i32
      %dma_start3A_122 = arith.constant 0 : i32
      %dma_start3A_123 = tpu.memref_slice %arg9[%add3A_121, %dma_start3A_122] : memref<10240x128xf32, #tpu.memory_space<hbm>> -> memref<64x128xf32, #tpu.memory_space<hbm>>
      %dma_start3A_124 = arith.constant 0 : i32
      %dma_start3A_125 = tpu.memref_slice %arg9[%add3A_121, %dma_start3A_124] : memref<10240x128xf32, #tpu.memory_space<hbm>> -> memref<64x128xf32, #tpu.memory_space<hbm>>
      tpu.enqueue_dma source(%arg21 : memref<64x128xf32, #tpu.memory_space<vmem>>) target(%dma_start3A_125 : memref<64x128xf32, #tpu.memory_space<hbm>>) target_semaphore(%arg28 : memref<!tpu.dma_semaphore, #tpu.memory_space<semaphore_mem>>)
      %dma_wait3A_126 = arith.constant 0 : i32
      %dma_wait3A_127 = tpu.memref_slice %arg9[%add3A_121, %dma_wait3A_126] : memref<10240x128xf32, #tpu.memory_space<hbm>> -> memref<64x128xf32, #tpu.memory_space<hbm>>
      %dma_wait3A_128 = arith.constant 0 : i32
      %dma_wait3A_129 = tpu.memref_slice %arg9[%add3A_121, %dma_wait3A_128] : memref<10240x128xf32, #tpu.memory_space<hbm>> -> memref<64x128xf32, #tpu.memory_space<hbm>>
      tpu.wait_dma2 semaphore(%arg28 : memref<!tpu.dma_semaphore, #tpu.memory_space<semaphore_mem>>) src(%arg21 : memref<64x128xf32, #tpu.memory_space<vmem>>) dst(%dma_wait3A_129 : memref<64x128xf32, #tpu.memory_space<hbm>>)
      %dma_start3A_130 = arith.constant 448 : i32
      %dma_start3A_131 = tpu.memref_slice %arg19[%dma_start3A_130] : memref<640xi32, #tpu.memory_space<vmem>> -> memref<64xi32, #tpu.memory_space<vmem>>
      %dma_start3A_132 = arith.constant 0 : i32
      %dma_start3A_133 = arith.constant 0 : i32
      %dma_start3A_134 = tpu.memref_slice %arg6[%dma_start3A_132, %dma_start3A_133] : memref<100000x128xf32, #tpu.memory_space<hbm>> -> memref<100000x128xf32, #tpu.memory_space<hbm>>
      tpu.enqueue_indirect_dma source(%dma_start3A_134 : memref<100000x128xf32, #tpu.memory_space<hbm>>) target(%arg21 : memref<64x128xf32, #tpu.memory_space<vmem>>) offsets(%dma_start3A_131 : memref<64xi32, #tpu.memory_space<vmem>>) semaphore(%arg26 : memref<!tpu.dma_semaphore, #tpu.memory_space<semaphore_mem>>)
      %dma_wait3A_135 = arith.constant 384 : i32
      %dma_wait3A_136 = tpu.memref_slice %arg19[%dma_wait3A_135] : memref<640xi32, #tpu.memory_space<vmem>> -> memref<64xi32, #tpu.memory_space<vmem>>
      %dma_wait3A_137 = arith.constant 0 : i32
      %dma_wait3A_138 = arith.constant 0 : i32
      %dma_wait3A_139 = tpu.memref_slice %arg6[%dma_wait3A_137, %dma_wait3A_138] : memref<100000x128xf32, #tpu.memory_space<hbm>> -> memref<100000x128xf32, #tpu.memory_space<hbm>>
      tpu.wait_indirect_dma semaphore(%arg25 : memref<!tpu.dma_semaphore, #tpu.memory_space<semaphore_mem>>) src(%dma_wait3A_139 : memref<100000x128xf32, #tpu.memory_space<hbm>>) dst(%arg20 : memref<64x128xf32, #tpu.memory_space<vmem>>)
      %add3A_140 = arith.constant 384 : i32
      %add3A_141 = arith.addi %mul3A_7, %add3A_140 : i32
      %dma_start3A_142 = arith.constant 0 : i32
      %dma_start3A_143 = tpu.memref_slice %arg9[%add3A_141, %dma_start3A_142] : memref<10240x128xf32, #tpu.memory_space<hbm>> -> memref<64x128xf32, #tpu.memory_space<hbm>>
      %dma_start3A_144 = arith.constant 0 : i32
      %dma_start3A_145 = tpu.memref_slice %arg9[%add3A_141, %dma_start3A_144] : memref<10240x128xf32, #tpu.memory_space<hbm>> -> memref<64x128xf32, #tpu.memory_space<hbm>>
      tpu.enqueue_dma source(%arg20 : memref<64x128xf32, #tpu.memory_space<vmem>>) target(%dma_start3A_145 : memref<64x128xf32, #tpu.memory_space<hbm>>) target_semaphore(%arg27 : memref<!tpu.dma_semaphore, #tpu.memory_space<semaphore_mem>>)
      %dma_wait3A_146 = arith.constant 0 : i32
      %dma_wait3A_147 = tpu.memref_slice %arg9[%add3A_141, %dma_wait3A_146] : memref<10240x128xf32, #tpu.memory_space<hbm>> -> memref<64x128xf32, #tpu.memory_space<hbm>>
      %dma_wait3A_148 = arith.constant 0 : i32
      %dma_wait3A_149 = tpu.memref_slice %arg9[%add3A_141, %dma_wait3A_148] : memref<10240x128xf32, #tpu.memory_space<hbm>> -> memref<64x128xf32, #tpu.memory_space<hbm>>
      tpu.wait_dma2 semaphore(%arg27 : memref<!tpu.dma_semaphore, #tpu.memory_space<semaphore_mem>>) src(%arg20 : memref<64x128xf32, #tpu.memory_space<vmem>>) dst(%dma_wait3A_149 : memref<64x128xf32, #tpu.memory_space<hbm>>)
      %dma_start3A_150 = arith.constant 512 : i32
      %dma_start3A_151 = tpu.memref_slice %arg19[%dma_start3A_150] : memref<640xi32, #tpu.memory_space<vmem>> -> memref<64xi32, #tpu.memory_space<vmem>>
      %dma_start3A_152 = arith.constant 0 : i32
      %dma_start3A_153 = arith.constant 0 : i32
      %dma_start3A_154 = tpu.memref_slice %arg6[%dma_start3A_152, %dma_start3A_153] : memref<100000x128xf32, #tpu.memory_space<hbm>> -> memref<100000x128xf32, #tpu.memory_space<hbm>>
      tpu.enqueue_indirect_dma source(%dma_start3A_154 : memref<100000x128xf32, #tpu.memory_space<hbm>>) target(%arg20 : memref<64x128xf32, #tpu.memory_space<vmem>>) offsets(%dma_start3A_151 : memref<64xi32, #tpu.memory_space<vmem>>) semaphore(%arg25 : memref<!tpu.dma_semaphore, #tpu.memory_space<semaphore_mem>>)
      %dma_wait3A_155 = arith.constant 448 : i32
      %dma_wait3A_156 = tpu.memref_slice %arg19[%dma_wait3A_155] : memref<640xi32, #tpu.memory_space<vmem>> -> memref<64xi32, #tpu.memory_space<vmem>>
      %dma_wait3A_157 = arith.constant 0 : i32
      %dma_wait3A_158 = arith.constant 0 : i32
      %dma_wait3A_159 = tpu.memref_slice %arg6[%dma_wait3A_157, %dma_wait3A_158] : memref<100000x128xf32, #tpu.memory_space<hbm>> -> memref<100000x128xf32, #tpu.memory_space<hbm>>
      tpu.wait_indirect_dma semaphore(%arg26 : memref<!tpu.dma_semaphore, #tpu.memory_space<semaphore_mem>>) src(%dma_wait3A_159 : memref<100000x128xf32, #tpu.memory_space<hbm>>) dst(%arg21 : memref<64x128xf32, #tpu.memory_space<vmem>>)
      %add3A_160 = arith.constant 448 : i32
      %add3A_161 = arith.addi %mul3A_7, %add3A_160 : i32
      %dma_start3A_162 = arith.constant 0 : i32
      %dma_start3A_163 = tpu.memref_slice %arg9[%add3A_161, %dma_start3A_162] : memref<10240x128xf32, #tpu.memory_space<hbm>> -> memref<64x128xf32, #tpu.memory_space<hbm>>
      %dma_start3A_164 = arith.constant 0 : i32
      %dma_start3A_165 = tpu.memref_slice %arg9[%add3A_161, %dma_start3A_164] : memref<10240x128xf32, #tpu.memory_space<hbm>> -> memref<64x128xf32, #tpu.memory_space<hbm>>
      tpu.enqueue_dma source(%arg21 : memref<64x128xf32, #tpu.memory_space<vmem>>) target(%dma_start3A_165 : memref<64x128xf32, #tpu.memory_space<hbm>>) target_semaphore(%arg28 : memref<!tpu.dma_semaphore, #tpu.memory_space<semaphore_mem>>)
      %dma_wait3A_166 = arith.constant 0 : i32
      %dma_wait3A_167 = tpu.memref_slice %arg9[%add3A_161, %dma_wait3A_166] : memref<10240x128xf32, #tpu.memory_space<hbm>> -> memref<64x128xf32, #tpu.memory_space<hbm>>
      %dma_wait3A_168 = arith.constant 0 : i32
      %dma_wait3A_169 = tpu.memref_slice %arg9[%add3A_161, %dma_wait3A_168] : memref<10240x128xf32, #tpu.memory_space<hbm>> -> memref<64x128xf32, #tpu.memory_space<hbm>>
      tpu.wait_dma2 semaphore(%arg28 : memref<!tpu.dma_semaphore, #tpu.memory_space<semaphore_mem>>) src(%arg21 : memref<64x128xf32, #tpu.memory_space<vmem>>) dst(%dma_wait3A_169 : memref<64x128xf32, #tpu.memory_space<hbm>>)
      %dma_start3A_170 = arith.constant 576 : i32
      %dma_start3A_171 = tpu.memref_slice %arg19[%dma_start3A_170] : memref<640xi32, #tpu.memory_space<vmem>> -> memref<64xi32, #tpu.memory_space<vmem>>
      %dma_start3A_172 = arith.constant 0 : i32
      %dma_start3A_173 = arith.constant 0 : i32
      %dma_start3A_174 = tpu.memref_slice %arg6[%dma_start3A_172, %dma_start3A_173] : memref<100000x128xf32, #tpu.memory_space<hbm>> -> memref<100000x128xf32, #tpu.memory_space<hbm>>
      tpu.enqueue_indirect_dma source(%dma_start3A_174 : memref<100000x128xf32, #tpu.memory_space<hbm>>) target(%arg21 : memref<64x128xf32, #tpu.memory_space<vmem>>) offsets(%dma_start3A_171 : memref<64xi32, #tpu.memory_space<vmem>>) semaphore(%arg26 : memref<!tpu.dma_semaphore, #tpu.memory_space<semaphore_mem>>)
      %dma_wait3A_175 = arith.constant 512 : i32
      %dma_wait3A_176 = tpu.memref_slice %arg19[%dma_wait3A_175] : memref<640xi32, #tpu.memory_space<vmem>> -> memref<64xi32, #tpu.memory_space<vmem>>
      %dma_wait3A_177 = arith.constant 0 : i32
      %dma_wait3A_178 = arith.constant 0 : i32
      %dma_wait3A_179 = tpu.memref_slice %arg6[%dma_wait3A_177, %dma_wait3A_178] : memref<100000x128xf32, #tpu.memory_space<hbm>> -> memref<100000x128xf32, #tpu.memory_space<hbm>>
      tpu.wait_indirect_dma semaphore(%arg25 : memref<!tpu.dma_semaphore, #tpu.memory_space<semaphore_mem>>) src(%dma_wait3A_179 : memref<100000x128xf32, #tpu.memory_space<hbm>>) dst(%arg20 : memref<64x128xf32, #tpu.memory_space<vmem>>)
      %add3A_180 = arith.constant 512 : i32
      %add3A_181 = arith.addi %mul3A_7, %add3A_180 : i32
      %dma_start3A_182 = arith.constant 0 : i32
      %dma_start3A_183 = tpu.memref_slice %arg9[%add3A_181, %dma_start3A_182] : memref<10240x128xf32, #tpu.memory_space<hbm>> -> memref<64x128xf32, #tpu.memory_space<hbm>>
      %dma_start3A_184 = arith.constant 0 : i32
      %dma_start3A_185 = tpu.memref_slice %arg9[%add3A_181, %dma_start3A_184] : memref<10240x128xf32, #tpu.memory_space<hbm>> -> memref<64x128xf32, #tpu.memory_space<hbm>>
      tpu.enqueue_dma source(%arg20 : memref<64x128xf32, #tpu.memory_space<vmem>>) target(%dma_start3A_185 : memref<64x128xf32, #tpu.memory_space<hbm>>) target_semaphore(%arg27 : memref<!tpu.dma_semaphore, #tpu.memory_space<semaphore_mem>>)
      %dma_wait3A_186 = arith.constant 576 : i32
      %dma_wait3A_187 = tpu.memref_slice %arg19[%dma_wait3A_186] : memref<640xi32, #tpu.memory_space<vmem>> -> memref<64xi32, #tpu.memory_space<vmem>>
      %dma_wait3A_188 = arith.constant 0 : i32
      %dma_wait3A_189 = arith.constant 0 : i32
      %dma_wait3A_190 = tpu.memref_slice %arg6[%dma_wait3A_188, %dma_wait3A_189] : memref<100000x128xf32, #tpu.memory_space<hbm>> -> memref<100000x128xf32, #tpu.memory_space<hbm>>
      tpu.wait_indirect_dma semaphore(%arg26 : memref<!tpu.dma_semaphore, #tpu.memory_space<semaphore_mem>>) src(%dma_wait3A_190 : memref<100000x128xf32, #tpu.memory_space<hbm>>) dst(%arg21 : memref<64x128xf32, #tpu.memory_space<vmem>>)
      %add3A_191 = arith.constant 576 : i32
      %add3A_192 = arith.addi %mul3A_7, %add3A_191 : i32
      %dma_start3A_193 = arith.constant 0 : i32
      %dma_start3A_194 = tpu.memref_slice %arg9[%add3A_192, %dma_start3A_193] : memref<10240x128xf32, #tpu.memory_space<hbm>> -> memref<64x128xf32, #tpu.memory_space<hbm>>
      %dma_start3A_195 = arith.constant 0 : i32
      %dma_start3A_196 = tpu.memref_slice %arg9[%add3A_192, %dma_start3A_195] : memref<10240x128xf32, #tpu.memory_space<hbm>> -> memref<64x128xf32, #tpu.memory_space<hbm>>
      tpu.enqueue_dma source(%arg21 : memref<64x128xf32, #tpu.memory_space<vmem>>) target(%dma_start3A_196 : memref<64x128xf32, #tpu.memory_space<hbm>>) target_semaphore(%arg28 : memref<!tpu.dma_semaphore, #tpu.memory_space<semaphore_mem>>)
      %dma_wait3A_197 = arith.constant 0 : i32
      %dma_wait3A_198 = tpu.memref_slice %arg9[%add3A_181, %dma_wait3A_197] : memref<10240x128xf32, #tpu.memory_space<hbm>> -> memref<64x128xf32, #tpu.memory_space<hbm>>
      %dma_wait3A_199 = arith.constant 0 : i32
      %dma_wait3A_200 = tpu.memref_slice %arg9[%add3A_181, %dma_wait3A_199] : memref<10240x128xf32, #tpu.memory_space<hbm>> -> memref<64x128xf32, #tpu.memory_space<hbm>>
      tpu.wait_dma2 semaphore(%arg27 : memref<!tpu.dma_semaphore, #tpu.memory_space<semaphore_mem>>) src(%arg20 : memref<64x128xf32, #tpu.memory_space<vmem>>) dst(%dma_wait3A_200 : memref<64x128xf32, #tpu.memory_space<hbm>>)
      %dma_wait3A_201 = arith.constant 0 : i32
      %dma_wait3A_202 = tpu.memref_slice %arg9[%add3A_192, %dma_wait3A_201] : memref<10240x128xf32, #tpu.memory_space<hbm>> -> memref<64x128xf32, #tpu.memory_space<hbm>>
      %dma_wait3A_203 = arith.constant 0 : i32
      %dma_wait3A_204 = tpu.memref_slice %arg9[%add3A_192, %dma_wait3A_203] : memref<10240x128xf32, #tpu.memory_space<hbm>> -> memref<64x128xf32, #tpu.memory_space<hbm>>
      tpu.wait_dma2 semaphore(%arg28 : memref<!tpu.dma_semaphore, #tpu.memory_space<semaphore_mem>>) src(%arg21 : memref<64x128xf32, #tpu.memory_space<vmem>>) dst(%dma_wait3A_204 : memref<64x128xf32, #tpu.memory_space<hbm>>)
    } else {
    }
    return
  }
}

module attributes {stable_mosaic.version = 14 : i64} {
  func.func @_tc_body(%arg0: memref<10240x128xf32, #tpu.memory_space<vmem>>, %arg1: memref<1x10240xf32, #tpu.memory_space<vmem>>, %arg2: memref<1x10240xf32, #tpu.memory_space<vmem>>, %arg3: memref<1x10240xf32, #tpu.memory_space<vmem>>, %arg4: memref<128x128xf32, #tpu.memory_space<vmem>>, %arg5: memref<128x128xf32, #tpu.memory_space<vmem>>, %arg6: memref<1x128xf32, #tpu.memory_space<vmem>>, %arg7: memref<128x32xf32, #tpu.memory_space<vmem>>, %arg8: memref<128x32xf32, #tpu.memory_space<vmem>>, %arg9: memref<1x32xf32, #tpu.memory_space<vmem>>, %arg10: memref<1x32xf32, #tpu.memory_space<vmem>>) attributes {dimension_semantics = [], scalar_prefetch = 0 : i64, scratch_operands = 0 : i64, tpu.core_type = #tpu.core_type<tc>} {
    %get3A = arith.constant 0 : index
    %get3A_0 = arith.constant 0 : index
    %get3A_1 = vector.load %arg0[%get3A, %get3A_0] : memref<10240x128xf32, #tpu.memory_space<vmem>>, vector<10240x128xf32>
    %mul3A = arith.mulf %get3A_1, %get3A_1 : vector<10240x128xf32>
    %reduce_sum3A = arith.constant dense<0.000000e+00> : vector<10240xf32>
    %reduce_sum3A_2 = vector.multi_reduction <add>, %mul3A, %reduce_sum3A [1] : vector<10240x128xf32> to vector<10240xf32>
    %broadcast_in_dim3A = vector.shape_cast %reduce_sum3A_2 : vector<10240xf32> to vector<10240x1xf32>
    %max3A = arith.constant 1.000000e-30 : f32
    %max3A_3 = vector.broadcast %max3A : f32 to vector<10240x1xf32>
    %max3A_4 = arith.maximumf %broadcast_in_dim3A, %max3A_3 : vector<10240x1xf32>
    %rsqrt3A = math.rsqrt %max3A_4 : vector<10240x1xf32>
    %min3A = arith.constant 1.000000e+00 : f32
    %min3A_5 = vector.broadcast %min3A : f32 to vector<10240x1xf32>
    %min3A_6 = arith.minimumf %min3A_5, %rsqrt3A : vector<10240x1xf32>
    %mul3A_7 = vector.broadcast %min3A_6 : vector<10240x1xf32> to vector<10240x128xf32>
    %mul3A_8 = arith.mulf %get3A_1, %mul3A_7 : vector<10240x128xf32>
    %get3A_9 = arith.constant 0 : index
    %get3A_10 = arith.constant 0 : index
    %get3A_11 = vector.load %arg1[%get3A_9, %get3A_10] : memref<1x10240xf32, #tpu.memory_space<vmem>>, vector<1x10240xf32>
    %get3A_12 = arith.constant 0 : index
    %get3A_13 = arith.constant 0 : index
    %get3A_14 = vector.load %arg2[%get3A_12, %get3A_13] : memref<1x10240xf32, #tpu.memory_space<vmem>>, vector<1x10240xf32>
    %get3A_15 = arith.constant 0 : index
    %get3A_16 = arith.constant 0 : index
    %get3A_17 = vector.load %arg3[%get3A_15, %get3A_16] : memref<1x10240xf32, #tpu.memory_space<vmem>>, vector<1x10240xf32>
    %mul3A_18 = arith.mulf %get3A_11, %get3A_11 : vector<1x10240xf32>
    %mul3A_19 = arith.mulf %get3A_14, %get3A_11 : vector<1x10240xf32>
    %mul3A_20 = arith.mulf %get3A_17, %get3A_11 : vector<1x10240xf32>
    %concatenate3A = tpu.concatenate %mul3A_18, %mul3A_19, %mul3A_20 in 0 : vector<1x10240xf32>, vector<1x10240xf32>, vector<1x10240xf32> -> vector<3x10240xf32>
    %dot_general3A = arith.constant dense<0.000000e+00> : vector<3x128xf32>
    %dot_general3A_21 = tpu.matmul %concatenate3A, %mul3A_8, %dot_general3A {dimension_numbers = #tpu.dot_dimension_numbers<[1], [0], [0], [1], [0, 0, 1, 1], [], []>, precision = #tpu.contract_precision<fp32>, transpose_lhs_hint = false} : vector<3x10240xf32>, vector<10240x128xf32>, vector<3x128xf32> -> vector<3x128xf32>
    %slice3A = vector.extract_strided_slice %dot_general3A_21 {offsets = [0, 0], sizes = [1, 128], strides = [1, 1]} : vector<3x128xf32> to vector<1x128xf32>
    %slice3A_22 = vector.extract_strided_slice %dot_general3A_21 {offsets = [1, 0], sizes = [1, 128], strides = [1, 1]} : vector<3x128xf32> to vector<1x128xf32>
    %slice3A_23 = vector.extract_strided_slice %dot_general3A_21 {offsets = [2, 0], sizes = [1, 128], strides = [1, 1]} : vector<3x128xf32> to vector<1x128xf32>
    %reduce_sum3A_24 = vector.shape_cast %get3A_11 : vector<1x10240xf32> to vector<1x1x10240xf32>
    %reduce_sum3A_25 = arith.constant dense<0.000000e+00> : vector<1xf32>
    %reduce_sum3A_26 = vector.multi_reduction <add>, %reduce_sum3A_24, %reduce_sum3A_25 [1, 2] : vector<1x1x10240xf32> to vector<1xf32>
    %reduce_sum3A_27 = vector.shape_cast %reduce_sum3A_26 : vector<1xf32> to vector<1x1x1xf32>
    %reduce_sum3A_28 = vector.extract %reduce_sum3A_27[0, 0, 0] : f32 from vector<1x1x1xf32>
    %reduce_sum3A_29 = vector.shape_cast %get3A_14 : vector<1x10240xf32> to vector<1x1x10240xf32>
    %reduce_sum3A_30 = arith.constant dense<0.000000e+00> : vector<1xf32>
    %reduce_sum3A_31 = vector.multi_reduction <add>, %reduce_sum3A_29, %reduce_sum3A_30 [1, 2] : vector<1x1x10240xf32> to vector<1xf32>
    %reduce_sum3A_32 = vector.shape_cast %reduce_sum3A_31 : vector<1xf32> to vector<1x1x1xf32>
    %reduce_sum3A_33 = vector.extract %reduce_sum3A_32[0, 0, 0] : f32 from vector<1x1x1xf32>
    %get3A_34 = arith.constant 0 : index
    %get3A_35 = arith.constant 0 : index
    %get3A_36 = vector.load %arg6[%get3A_34, %get3A_35] : memref<1x128xf32, #tpu.memory_space<vmem>>, vector<1x128xf32>
    %get3A_37 = arith.constant 0 : index
    %get3A_38 = arith.constant 0 : index
    %get3A_39 = vector.load %arg9[%get3A_37, %get3A_38] : memref<1x32xf32, #tpu.memory_space<vmem>>, vector<1x32xf32>
    %get3A_40 = arith.constant 0 : index
    %get3A_41 = arith.constant 0 : index
    %get3A_42 = vector.load %arg4[%get3A_40, %get3A_41] : memref<128x128xf32, #tpu.memory_space<vmem>>, vector<128x128xf32>
    %dot_general3A_43 = arith.constant dense<0.000000e+00> : vector<1x128xf32>
    %dot_general3A_44 = tpu.matmul %slice3A, %get3A_42, %dot_general3A_43 {dimension_numbers = #tpu.dot_dimension_numbers<[1], [0], [0], [1], [0, 0, 1, 1], [], []>, precision = #tpu.contract_precision<fp32>, transpose_lhs_hint = false} : vector<1x128xf32>, vector<128x128xf32>, vector<1x128xf32> -> vector<1x128xf32>
    %mul3A_45 = vector.broadcast %reduce_sum3A_28 : f32 to vector<1x128xf32>
    %mul3A_46 = arith.mulf %mul3A_45, %get3A_36 : vector<1x128xf32>
    %add3A = arith.addf %dot_general3A_44, %mul3A_46 : vector<1x128xf32>
    %get3A_47 = arith.constant 0 : index
    %get3A_48 = arith.constant 0 : index
    %get3A_49 = vector.load %arg5[%get3A_47, %get3A_48] : memref<128x128xf32, #tpu.memory_space<vmem>>, vector<128x128xf32>
    %dot_general3A_50 = arith.constant dense<0.000000e+00> : vector<1x128xf32>
    %dot_general3A_51 = tpu.matmul %slice3A_22, %get3A_49, %dot_general3A_50 {dimension_numbers = #tpu.dot_dimension_numbers<[1], [0], [0], [1], [0, 0, 1, 1], [], []>, precision = #tpu.contract_precision<fp32>, transpose_lhs_hint = false} : vector<1x128xf32>, vector<128x128xf32>, vector<1x128xf32> -> vector<1x128xf32>
    %add3A_52 = arith.addf %add3A, %dot_general3A_51 : vector<1x128xf32>
    %get3A_53 = arith.constant 0 : index
    %get3A_54 = arith.constant 0 : index
    %get3A_55 = vector.load %arg4[%get3A_53, %get3A_54] : memref<128x128xf32, #tpu.memory_space<vmem>>, vector<128x128xf32>
    %dot_general3A_56 = arith.constant dense<0.000000e+00> : vector<1x128xf32>
    %dot_general3A_57 = tpu.matmul %slice3A_22, %get3A_55, %dot_general3A_56 {dimension_numbers = #tpu.dot_dimension_numbers<[1], [0], [0], [1], [0, 0, 1, 1], [], []>, precision = #tpu.contract_precision<fp32>, transpose_lhs_hint = false} : vector<1x128xf32>, vector<128x128xf32>, vector<1x128xf32> -> vector<1x128xf32>
    %mul3A_58 = vector.broadcast %reduce_sum3A_33 : f32 to vector<1x128xf32>
    %mul3A_59 = arith.mulf %mul3A_58, %get3A_36 : vector<1x128xf32>
    %add3A_60 = arith.addf %dot_general3A_57, %mul3A_59 : vector<1x128xf32>
    %get3A_61 = arith.constant 0 : index
    %get3A_62 = arith.constant 0 : index
    %get3A_63 = vector.load %arg5[%get3A_61, %get3A_62] : memref<128x128xf32, #tpu.memory_space<vmem>>, vector<128x128xf32>
    %dot_general3A_64 = arith.constant dense<0.000000e+00> : vector<1x128xf32>
    %dot_general3A_65 = tpu.matmul %slice3A_23, %get3A_63, %dot_general3A_64 {dimension_numbers = #tpu.dot_dimension_numbers<[1], [0], [0], [1], [0, 0, 1, 1], [], []>, precision = #tpu.contract_precision<fp32>, transpose_lhs_hint = false} : vector<1x128xf32>, vector<128x128xf32>, vector<1x128xf32> -> vector<1x128xf32>
    %add3A_66 = arith.addf %add3A_60, %dot_general3A_65 : vector<1x128xf32>
    %get3A_67 = arith.constant 0 : index
    %get3A_68 = arith.constant 0 : index
    %get3A_69 = vector.load %arg7[%get3A_67, %get3A_68] : memref<128x32xf32, #tpu.memory_space<vmem>>, vector<128x32xf32>
    %dot_general3A_70 = arith.constant dense<0.000000e+00> : vector<1x32xf32>
    %dot_general3A_71 = tpu.matmul %add3A_52, %get3A_69, %dot_general3A_70 {dimension_numbers = #tpu.dot_dimension_numbers<[1], [0], [0], [1], [0, 0, 1, 1], [], []>, precision = #tpu.contract_precision<fp32>, transpose_lhs_hint = false} : vector<1x128xf32>, vector<128x32xf32>, vector<1x32xf32> -> vector<1x32xf32>
    %mul3A_72 = vector.broadcast %reduce_sum3A_28 : f32 to vector<1x32xf32>
    %mul3A_73 = arith.mulf %mul3A_72, %get3A_39 : vector<1x32xf32>
    %add3A_74 = arith.addf %dot_general3A_71, %mul3A_73 : vector<1x32xf32>
    %get3A_75 = arith.constant 0 : index
    %get3A_76 = arith.constant 0 : index
    %get3A_77 = vector.load %arg8[%get3A_75, %get3A_76] : memref<128x32xf32, #tpu.memory_space<vmem>>, vector<128x32xf32>
    %dot_general3A_78 = arith.constant dense<0.000000e+00> : vector<1x32xf32>
    %dot_general3A_79 = tpu.matmul %add3A_66, %get3A_77, %dot_general3A_78 {dimension_numbers = #tpu.dot_dimension_numbers<[1], [0], [0], [1], [0, 0, 1, 1], [], []>, precision = #tpu.contract_precision<fp32>, transpose_lhs_hint = false} : vector<1x128xf32>, vector<128x32xf32>, vector<1x32xf32> -> vector<1x32xf32>
    %add3A_80 = arith.addf %add3A_74, %dot_general3A_79 : vector<1x32xf32>
    %div3A = vector.broadcast %reduce_sum3A_28 : f32 to vector<1x32xf32>
    %div3A_81 = arith.divf %add3A_80, %div3A : vector<1x32xf32>
    %swap3A = arith.constant 0 : index
    %swap3A_82 = arith.constant 0 : index
    %swap3A_83 = vector.load %arg10[%swap3A, %swap3A_82] : memref<1x32xf32, #tpu.memory_space<vmem>>, vector<1x32xf32>
    tpu.vector_store %arg10[%swap3A, %swap3A_82], %div3A_81 {strides = array<i32>} : memref<1x32xf32, #tpu.memory_space<vmem>>, vector<1x32xf32>,
    return
  }
}

</mosaic_0001>

<sc_bundles>
// kernel: kernel.4.cloned.1.call-start
scs
__scs_entry_jumppad:
0x0: {  	(pc) =	sbr.rel $0x88, $3  }
0x1: {  	(tag) =	ssettag $0x0;
	lr =	simm.s32 $0x1  }
0x2: {  	[smem:$0x3F96] =	sst lr;
	_ =	strace $0xD0000000  }
0x3: {  	_ = 	snop  }
0x4: {  	_ = 	snop  }
0x5: {  	_ = 	snop  }
0x6: {  	_ = 	snop  }
0x7: {  	_ = 	snop  }
__scs_overlays_trampoline_lowered:
0x8: {  	[smem:$0x3FA5] =	sst s0  }
0x9: {  	[smem:$0x3FA6] =	sst s1  }
0xa: {  	[smem:$0x3FA7] =	sst s2  }
0xb: {  	[smem:$0x3FA8] =	sst s3  }
0xc: {  	[smem:$0x3FA9] =	sst s4  }
0xd: {  	[smem:$0x3FAA] =	sst s5  }
0xe: {  	[smem:$0x3FAB] =	sst s6  }
0xf: {  	[smem:$0x3FAC] =	sst s7  }
0x10: {  	[smem:$0x3FAD] =	sst s8  }
0x11: {  	[smem:$0x3FAE] =	sst s9;
	s0 =	simm.s32 @!p0 $0x0  }
0x12: {  	s1 =	sld [smem:$0x3F94];
	s0 =	simm.s32 @p0 $0x1  }
0x13: {  	[smem:$0x3FAF] =	sst s0;
	s0 =	simm.s32 @!p1 $0x0  }
0x14: {  	s2 =	sld [smem:$0x3F93];
	s0 =	simm.s32 @p1 $0x1  }
0x15: {  	[smem:$0x3FB0] =	sst s0;
	s0 =	simm.s32 @!p2 $0x0  }
0x16: {  	s3 =	sld [smem:$0x3FDB];
	s0 =	simm.s32 @p2 $0x1  }
0x17: {  	s4 =	simm.s32 $0x1BF5;
	[smem:$0x3FB2] =	sst s0  }
0x18: {  	s0 =	sld [smem:$0x3F95];
	_ =	swait.ge [sflag:s4], $0x0  }
0x19: {  	s7 =	sld [smem:$0x3F96]  }
0x1a: {  	s8 =	sadd.s32 $0xFFFFE003, lr  }
0x1b: {  	s9 =	sadd.s32 $0xFFFFFEF7, lr;
	s5 =	simm.s32 $0xFFFFFFFF;
	p2 =	slt.u32 s8, $0xFFFFF086  }
0x1c: {  	p1 =	slt.u32 s9, $0xF7A;
	s5 =	simm.s32 @!p2 $0x0  }
0x1d: {  	s5 =	simm.s32 @p1 $0x1;
	p0 =	seq.s32 s7, s2  }
0x1e: {  	s7 =	smul.u32 @!p0 $0xF7A, s2;
	p2 =	seq.s32 @!p0 s5, $0x0  }
0x1f: {  	s9 =	smul.u32 $0xF7A, s1;
	s8 =	simm.s32 @!p0 $0x1BF5;
	p2 =	por !p2, p0  }
0x20: {  	[sflag:s8] =	ssyncset.s32 @!p0 $0xFFFFF086;
	s6 =	sadd.s32 @!p0 s3, s7;
	s7 =	simm.s32 @!p0 $0x108  }
0x21: {  	s3 =	sadd.s32 s3, s9;
	s6 =	sadd.s32 @!p0 $0x88, s6;
	s7 =	simm.s32 @p2 $0x1082  }
0x22: {  	[simem:s7], [sflag:s8] =	dma.local @!p0 [hbm:s6], $0xF7A  }
0x23: {  	s9 =	sor.u32 $0xD0000000, s2;
	s6 =	simm.s32 $0x108;
	_ =	swait.ge @!p0 [sflag:s8], $0x0  }
0x24: {  	s3 =	sadd.s32 $0x88, s3;
	s6 =	simm.s32 @!p1 $0x1082;
	[sflag:s4] =	ssyncset.s32 $0xFFFFF086  }
0x25: {  	[simem:s6], [sflag:s4] =	dma.local [hbm:s3], $0xF7A  }
0x26: {  	[smem:$0x3F96] =	sst s1;
	(tag) =	ssettag s2;
	_ =	strace s9  }
0x27: {  	s1 =	sld [smem:$0x3FA6]  }
0x28: {  	s2 =	sld [smem:$0x3FA7]  }
0x29: {  	s4 =	sld [smem:$0x3FA9]  }
0x2a: {  	p0 =	seq.s32 s5, $0x0;
	s5 =	sld [smem:$0x3FAA]  }
0x2b: {  	s6 =	sld [smem:$0x3FAB]  }
0x2c: {  	s7 =	sld [smem:$0x3FAC]  }
0x2d: {  	s3 =	simm.s32 $0x108;
	s8 =	sld [smem:$0x3FAD]  }
0x2e: {  	s3 =	simm.s32 @!p0 $0x1082;
	s9 =	sld [smem:$0x3FAE]  }
0x2f: {  	lr =	sadd.s32 s0, s3;
	s0 =	sld [smem:$0x3FA5]  }
0x30: {  	s3 =	sld [smem:$0x3FA8]  }
0x31: {  	[smem:$0x3FB1] =	sst s10  }
0x32: {  	s10 =	sld [smem:$0x3FAF];
	_ =	sdelay $0x3  }
0x33: {  	p0 =	seq.s32 s10, $0x1;
	s10 =	sld [smem:$0x3FB1];
	_ =	sdelay $0x3  }
0x34: {  	[smem:$0x3FB1] =	sst s10  }
0x35: {  	s10 =	sld [smem:$0x3FB0];
	_ =	sdelay $0x3  }
0x36: {  	p1 =	seq.s32 s10, $0x1;
	s10 =	sld [smem:$0x3FB1];
	_ =	sdelay $0x3  }
0x37: {  	[smem:$0x3FB1] =	sst s10  }
0x38: {  	s10 =	sld [smem:$0x3FB2]  }
0x39: {  	_ = 	snop;
	(pc) =	sbr.ind lr, $3  }
0x3a: {  	_ = 	snop  }
0x3b: {  	_ = 	snop  }
0x3c: {  	p2 =	seq.s32 s10, $0x1;
	s10 =	sld [smem:$0x3FB1]  }
0x3d: {  	_ =	shalt  }
0x3e: {  	_ =	shalt  }
0x3f: {  	_ =	shalt  }
0x40: {  	_ =	shalt  }
0x41: {  	_ =	shalt  }
0x42: {  	_ =	shalt  }
0x43: {  	_ =	shalt  }
0x44: {  	_ =	shalt  }
0x45: {  	_ =	shalt  }
0x46: {  	_ =	shalt  }
0x47: {  	_ =	shalt  }
0x48: {  	_ =	shalt  }
0x49: {  	_ =	shalt  }
0x4a: {  	_ =	shalt  }
0x4b: {  	_ =	shalt  }
0x4c: {  	_ =	shalt  }
0x4d: {  	_ =	shalt  }
0x4e: {  	_ =	shalt  }
0x4f: {  	_ =	shalt  }
0x50: {  	_ =	shalt  }
0x51: {  	_ =	shalt  }
0x52: {  	_ =	shalt  }
0x53: {  	_ =	shalt  }
0x54: {  	_ =	shalt  }
0x55: {  	_ =	shalt  }
0x56: {  	_ =	shalt  }
0x57: {  	_ =	shalt  }
0x58: {  	_ =	shalt  }
0x59: {  	_ =	shalt  }
0x5a: {  	_ =	shalt  }
0x5b: {  	_ =	shalt  }
0x5c: {  	_ =	shalt  }
0x5d: {  	_ =	shalt  }
0x5e: {  	_ =	shalt  }
0x5f: {  	_ =	shalt  }
0x60: {  	_ =	shalt  }
0x61: {  	_ =	shalt  }
0x62: {  	_ =	shalt  }
0x63: {  	_ =	shalt  }
0x64: {  	_ =	shalt  }
0x65: {  	_ =	shalt  }
0x66: {  	_ =	shalt  }
0x67: {  	_ =	shalt  }
0x68: {  	_ =	shalt  }
0x69: {  	_ =	shalt  }
0x6a: {  	_ =	shalt  }
0x6b: {  	_ =	shalt  }
0x6c: {  	_ =	shalt  }
0x6d: {  	_ =	shalt  }
0x6e: {  	_ =	shalt  }
0x6f: {  	_ =	shalt  }
0x70: {  	_ =	shalt  }
0x71: {  	_ =	shalt  }
0x72: {  	_ =	shalt  }
0x73: {  	_ =	shalt  }
0x74: {  	_ =	shalt  }
0x75: {  	_ =	shalt  }
0x76: {  	_ =	shalt  }
0x77: {  	_ =	shalt  }
0x78: {  	_ =	shalt  }
0x79: {  	_ =	shalt  }
0x7a: {  	_ =	shalt  }
0x7b: {  	_ =	shalt  }
0x7c: {  	_ =	shalt  }
0x7d: {  	_ =	shalt  }
0x7e: {  	_ =	shalt  }
0x7f: {  	_ =	shalt  }
0x80: {  	_ =	shalt  }
0x81: {  	_ =	shalt  }
0x82: {  	_ =	shalt  }
0x83: {  	_ =	shalt  }
0x84: {  	_ =	shalt  }
0x85: {  	_ =	shalt  }
0x86: {  	_ =	shalt  }
0x87: {  	_ =	shalt  }
.Lfunc_end0:
.L_simem_size_0:
called_computation_lowered:
.L_overlay_start_0:
0x88: {  	s2 =	sld [smem:$0x3FD9]  }
0x89: {  	s3 =	sld [smem:$0x3FFE];
	_ =	sdelay $0x1  }
0x8a: {  	s1 =	srdreg.scid  }
0x8b: {  	s0 =	sand.u32 $0x1, s1  }
0x8c: {  	s17 =	sshll.u32 s0, $0xA;
	s2 =	sadd.s32 s3, s2  }
0x8d: {  	s2 =	sadd.s32 s2, s17  }
0x8e: {  	[smem:$0x3FBD] =	sst s2  }
0x8f: {  	_ = 	snop  }
0x90: {  	s2 =	sld [smem:$0x3FC7]  }
0x91: {  	s18 =	sld [smem:$0x3FC6]  }
0x92: {  	s4 =	sld [smem:$0x3FC5];
	(tm) =	ssettm $0x1  }
0x93: {  	s5 =	sld [smem:$0x3FFB];
	_ =	sdelay $0x3  }
0x94: {  	_ =	strace s5  }
0x95: {  	s5 =	sld [smem:$0x3FFC];
	_ =	sdelay $0x3  }
0x96: {  	_ =	strace s5  }
0x97: {  	s5 =	sld [smem:$0x3FFD];
	_ =	sdelay $0x3  }
0x98: {  	_ =	strace s5  }
0x99: {  	_ =	strace $0x8FFFFFFF  }
0x9a: {  	s19 =	sld [smem:$0x3FDB];
	_ =	sdelay $0x1  }
0x9b: {  	s6 =	simm.s32 $_scs_section_size  }
0x9c: {  	s7 =	simm.s32 $_size__tile_overlayer_lowered;
	s8 =	simm.s32 $_tile_overlayer_lowered  }
0x9d: {  	s22 =	simm.s32 $0x1BFF;
	s21 =	sshll.u32 s8, $0x1;
	s5 =	sadd.s32 s6, s19  }
0x9e: {  	s9 =	simm.s32 $0x0;
	s20 =	sshll.u32 s7, $0x1;
	s7 =	sadd.s32 s21, s5  }
0x9f: {  	[timem:s9], [sflag:s22] =	dma.local [hbm:s7], s20  }
0xa0: {  	_ =	swait.ge [sflag:s22], s20  }
0xa1: {  	s6 =	ssub.s32 $0x0, s20;
	[sflag:s22] =	ssyncset.done $0x0  }
0xa2: {  	[sflag:s22] =	ssyncadd.s32 s6;
	_ =	sdelay $0x1  }
0xa3: {  	s23 =	simm.s32 $0x1B8B  }
0xa4: {  	_ =	swait.ge [sflag:s23], $0x1  }
0xa5: {  	[sflag:s23] =	ssyncset.done $0x0  }
0xa6: {  	s25 =	simm.s32 $0x1B8E;
	s24 =	sld [smem:$0x3FFE];
	[sflag:s23] =	ssyncadd.s32 $0xFFFFFFFF  }
0xa7: {  	s26 =	simm.s32 $execute0_lowered;
	[smem:$0x3FD2] =	sst s25  }
0xa8: {  	s7 =	sshll.u32 s26, $0x1;
	_ =	strace $0x80000046;
	[dreg:$0x1] =	wrdreg $0xFFFFFFFF  }
0xa9: {  	s28 =	simm.s32 $_size_execute0_lowered;
	s5 =	sadd.s32 s5, s7;
	[dreg:$0x0] =	wrdreg $0x0  }
0xaa: {  	s7 =	sshll.u32 s28, $0x1;
	[dreg:$0x2] =	wrdreg s5  }
0xab: {  	[dreg:$0x3] =	wrdreg s7  }
0xac: {  	[dreg:$0x4] =	wrdreg $0xC0  }
0xad: {  	_ =	task [dreg:s9], $0x5FFFF  }
0xae: {  	[dreg:$0x1] =	wrdreg $0xFFFFFFFF  }
0xaf: {  	[dreg:$0x0] =	wrdreg $0x60  }
0xb0: {  	[dreg:$0x2] =	wrdreg s2  }
0xb1: {  	[dreg:$0x3] =	wrdreg s18  }
0xb2: {  	[dreg:$0x4] =	wrdreg s24  }
0xb3: {  	[dreg:$0x5] =	wrdreg s4  }
0xb4: {  	[dreg:$0x6] =	wrdreg $0x1DA800  }
0xb5: {  	[dreg:$0x7] =	wrdreg $0x1B0000  }
0xb6: {  	[dreg:$0x8] =	wrdreg $0x1D8000  }
0xb7: {  	[dreg:$0x9] =	wrdreg $0x9  }
0xb8: {  	_ =	task.clear_ibuf [dreg:s9], $0xAFFFF;
	_ =	strace $0x90000046  }
0xb9: {  	s29 =	simm.s32 $0x9;
	_ =	strace $0x80000048  }
0xba: {  	_ =	swait.ge [sflag:s29], $0x1  }
0xbb: {  	[sflag:s29] =	ssyncadd.s32 $0xFFFFFFFF  }
0xbc: {  	_ =	strace $0x90000048  }
0xbd: {  	_ =	sfence  }
0xbe: {  	s30 =	sld [smem:$0x0];
	_ =	sdelay $0x2  }
0xbf: {  	s31 =	sshll.u32 s1, $0xD;
	s1 =	sshrl.u32 s1, $0x2  }
0xc0: {  	s3 =	sand.u32 $0x4000, s31;
	s1 =	sadd.s32 s1, s30  }
0xc1: {  	s0 =	sor.u32 s3, s0;
	s1 =	sshll.u32 s1, $0x11  }
0xc2: {  	s0 =	sor.u32 s1, s0  }
0xc3: {  	s0 =	sadd.s32 $0x8F2B, s0  }
0xc4: {  	[sflag:s0] =	ssyncadd.remote.s32 $0x1  }
0xc5: {  	_ =	sfence.sel $0xFFFF  }
0xc6: {  	[dreg:$0x0] =	wrdreg $0xFFFFFFFF;
	(pc) =	sbr.abs _section_cstart, $3  }
0xc7: {  	[dreg:$0x1] =	wrdreg $0xFFFFFFFF  }
0xc8: {  	_ =	task.clear_ibuf [dreg:s9], $0x2FFFF;
	_ =	strace $0x9FFFFFFF  }
0xc9: {  	(tm) =	ssettm $0x7FFFFFFF  }
tec
execute0_lowered:
.L_overlay_start_1:
0x0: {  	(tag) =	ssettag $0x1  }
0x1: {  	s0 =	rddreg [dreg:$0x0]  }
0x2: {  	s2 =	rddreg [dreg:$0x1]  }
0x3: {  	s3 =	rddreg [dreg:$0x2]  }
0x4: {  	s1 =	rddreg [dreg:$0x3]  }
0x5: {  	s5 =	rddreg [dreg:$0x5]  }
0x6: {  	s16 =	rddreg [dreg:$0x6];
	s4 =	simm.s32 $0x0;
	s6 =	stileid.u32  }
0x7: {  	s9 =	srdreg.scid;
	s29 =	simm.s32 $0x6;
	s30 =	simm.s32 $0x40  }
0x8: {  	s31 =	simm.s32 $0x17000;
	s28 =	simm.s32 $0x1;
	s7 =	smul.u32 $0x50, s6  }
0x9: {  	[smem:$0x7FF] =	sst s4;
	s8 =	smul.u32 $0x280, s6;
	s9 =	sand.u32 $0x1, s9  }
0xa: {  	s10 =	smul.u32 $0x4E00, s6;
	s11 =	smin.u32 s6, $0x4;
	s20 =	sshrl.u32 s6, $0x3  }
0xb: {  	s22 =	sshll.u32 s6, $0x7;
	s23 =	smul.u32 $0x5000, s6;
	p2 =	sgt.u32 s6, $0x3  }
0xc: {  	p1 =	sne.s32 s6, $0x0;
	_ =	strace $0x80000047;
	s13 =	ssub.s32 $0x2, s9  }
0xd: {  	s11 =	sshll.u32 s11, $0x7;
	p0 =	seq.s32 s9, $0x1;
	s21 =	smul.u32 $0x50000, s20  }
0xe: {  	s24 =	sand.u32 $0x380, s22;
	s7 =	sadd.s32 s7, s3;
	s12 =	sshrl.u32 s8, $0x3  }
0xf: {  	s15 =	sshrl.u32 s13, $0x1;
	s10 =	sadd.s32 s10, s11;
	s25 =	sshrl.u32 s23, $0x2  }
0x10: {  	s14 =	sadd.s32 s12, s3;
	s3 =	sadd.s32 $0x2400, s3;
	s13 =	ssub.s32 s13, s15  }
0x11: {  	s11 =	sshrl.u32 s10, $0x2;
	s18 =	sadd.s32 $0x4E00, s10;
	s10 =	sshrl.u32 s10, $0x3  }
0x12: {  	s15 =	smul.u32 $0x14000, s6;
	s12 =	sadd.s32 s8, s16;
	s17 =	sadd.s32 s0, s11  }
0x13: {  	s19 =	sshrl.u32 s18, $0x2;
	s10 =	sadd.s32 s2, s10;
	[dreg:$0x8] =	wrdreg s17  }
0x14: {  	s9 =	sshrl.u32 s18, $0x3;
	s26 =	sadd.s32 $0x1800, s14;
	[dreg:$0x9] =	wrdreg s10  }
0x15: {  	s11 =	sadd.s32 s25, s5;
	s18 =	sadd.s32 $0x2AA00, s14;
	[dreg:$0xc] =	wrdreg s26  }
0x16: {  	s0 =	sadd.s32 s0, s19;
	s2 =	sadd.s32 s2, s9;
	[dreg:$0xe] =	wrdreg s18  }
0x17: {  	s9 =	smul.u32 $0x2800, s6;
	s16 =	sshrl.u32 s15, $0x3;
	[dreg:$0xa] =	wrdreg s0  }
0x18: {  	s17 =	sadd.s32 $0x2A400, s14;
	s19 =	sadd.s32 $0x1E00, s7;
	[dreg:$0xb] =	wrdreg s2  }
0x19: {  	s6 =	simm.s32 $0x4;
	[dreg:$0xd] =	wrdreg s17;
	s2 =	sadd.s32 s3, s16  }
0x1a: {  	s7 =	simm.s32 $0x11380;
	[dreg:$0xf] =	wrdreg s19;
	s20 =	sadd.s32 $0x800, s2  }
0x1b: {  	s0 =	sshrl.u32 s21, $0x2;
	s21 =	sadd.s32 $0xC00, s2;
	[dreg:$0x11] =	wrdreg s20  }
0x1c: {  	s18 =	simm.s32 $0xEB80;
	s22 =	sadd.s32 $0x1000, s2;
	[dreg:$0x12] =	wrdreg s21  }
0x1d: {  	s17 =	simm.s32 $0x13B80;
	s23 =	sadd.s32 $0x1400, s2;
	[dreg:$0x13] =	wrdreg s22  }
0x1e: {  	s0 =	sadd.s32 s0, s5;
	s25 =	sadd.s32 $0x1C00, s2;
	[dreg:$0x14] =	wrdreg s23  }
0x1f: {  	s26 =	sadd.s32 $0x2000, s2;
	s10 =	sadd.s32 s24, s0;
	[dreg:$0x16] =	wrdreg s25  }
.Ltmp0:
0x20: {  	s24 =	sadd.s32 $0x1800, s2;
	[dreg:$0x17] =	wrdreg s26;
	(pc) =	sbr.rel .LBB2_1-.Ltmp0, $4  }
0x21: {  	s19 =	simm.s32 $0x0;
	s2 =	sadd.s32 $0x2400, s2;
	[dreg:$0x15] =	wrdreg s24  }
0x22: {  	s5 =	simm.s32 $0x2;
	s0 =	sadd.s32 s3, s9;
	[dreg:$0x18] =	wrdreg s2  }
0x23: {  	s25 =	smax.u32 s13, $0x1;
	[dreg:$0x10] =	wrdreg s0;
	s0 =	sadd.s32 $0x400, s0  }
0x24: {  	v0 =	vimm.f32 $0.0e+00;
	v1 =	vimm.f32 $1.000000000e+00;
	s3 =	simm.s32 $0x3;
	[dreg:$0x19] =	wrdreg s0;
	s0 =	simm.s32 $0x19000  }
.LBB2_21:
0x25: {  	s2 =	rddreg [dreg:$0xf];
	s8 =	simm.s32 $0x16D80  }
0x26: {  	[tilespmem:s8], [sflag:$0x6] =	stream.linear.gather [hbm4b:s2+s4], $0x280, $0x38;
	[tilespmem:$0x1DD00] =	vst v63  }
0x27: {  	_ =	swait.ge [sflag:s29], $0x280  }
0x28: {  	[sflag:s29] =	ssyncset.done $0x0  }
0x29: {  	[sflag:s29] =	ssyncadd.s32 $0xFFFFFD80  }
0x2a: {  	[tilespmem:s31], [sflag:$0x1] =	stream.indirect.gather [hbm4b:s1+s30], $0x80, s8, s30, $0xb8;
	[tilespmem:$0x1DD00] =	vst v63  }
0x2b: {  	s16 =	simm.s32 $0x16DC0  }
0x2c: {  	[tilespmem:s0], [sflag:$0x2] =	stream.indirect.gather [hbm4b:s1+s30], $0x80, s16, s30, $0xb8;
	[tilespmem:$0x1DD00] =	vst v63  }
0x2d: {  	_ =	swait.ge [sflag:s28], $0x2000  }
0x2e: {  	[sflag:s28] =	ssyncset.done $0x0  }
0x2f: {  	s20 =	rddreg [dreg:$0x10];
	[sflag:s28] =	ssyncadd.s32 $0xFFFFE000  }
0x30: {  	[hbm4b:s20+s4] =	stream.linear.scatter [tilespmem:s31], [sflag:$0x3], $0x2000, $0x38;
	[tilespmem:$0x1DD00] =	vst v63  }
0x31: {  	_ =	swait.ge [sflag:s3], $0x2000  }
0x32: {  	[sflag:s3] =	ssyncset.done $0x0  }
0x33: {  	s21 =	simm.s32 $0x16E00;
	[sflag:s3] =	ssyncadd.s32 $0xFFFFE000  }
0x34: {  	[tilespmem:s31], [sflag:$0x1] =	stream.indirect.gather [hbm4b:s1+s30], $0x80, s21, s30, $0xb8;
	[tilespmem:$0x1DD00] =	vst v63  }
0x35: {  	_ =	swait.ge [sflag:s5], $0x2000  }
0x36: {  	[sflag:s5] =	ssyncset.done $0x0  }
0x37: {  	s22 =	rddreg [dreg:$0x19];
	[sflag:s5] =	ssyncadd.s32 $0xFFFFE000  }
0x38: {  	[hbm4b:s22+s4] =	stream.linear.scatter [tilespmem:s0], [sflag:$0x4], $0x2000, $0x38;
	[tilespmem:$0x1DD00] =	vst v63  }
0x39: {  	_ =	swait.ge [sflag:s6], $0x2000  }
0x3a: {  	[sflag:s6] =	ssyncset.done $0x0  }
0x3b: {  	s23 =	simm.s32 $0x16E40;
	[sflag:s6] =	ssyncadd.s32 $0xFFFFE000  }
0x3c: {  	[tilespmem:s0], [sflag:$0x2] =	stream.indirect.gather [hbm4b:s1+s30], $0x80, s23, s30, $0xb8;
	[tilespmem:$0x1DD00] =	vst v63  }
0x3d: {  	_ =	swait.ge [sflag:s28], $0x2000  }
0x3e: {  	[sflag:s28] =	ssyncset.done $0x0  }
0x3f: {  	s24 =	rddreg [dreg:$0x11];
	[sflag:s28] =	ssyncadd.s32 $0xFFFFE000  }
0x40: {  	[hbm4b:s24+s4] =	stream.linear.scatter [tilespmem:s31], [sflag:$0x3], $0x2000, $0x38;
	[tilespmem:$0x1DD00] =	vst v63  }
0x41: {  	_ =	swait.ge [sflag:s3], $0x2000  }
0x42: {  	[sflag:s3] =	ssyncset.done $0x0  }
0x43: {  	s26 =	simm.s32 $0x16E80;
	[sflag:s3] =	ssyncadd.s32 $0xFFFFE000  }
0x44: {  	[tilespmem:s31], [sflag:$0x1] =	stream.indirect.gather [hbm4b:s1+s30], $0x80, s26, s30, $0xb8;
	[tilespmem:$0x1DD00] =	vst v63  }
0x45: {  	_ =	swait.ge [sflag:s5], $0x2000  }
0x46: {  	[sflag:s5] =	ssyncset.done $0x0  }
0x47: {  	s8 =	rddreg [dreg:$0x12];
	[sflag:s5] =	ssyncadd.s32 $0xFFFFE000  }
0x48: {  	[hbm4b:s8+s4] =	stream.linear.scatter [tilespmem:s0], [sflag:$0x4], $0x2000, $0x38;
	[tilespmem:$0x1DD00] =	vst v63  }
0x49: {  	_ =	swait.ge [sflag:s6], $0x2000  }
0x4a: {  	[sflag:s6] =	ssyncset.done $0x0  }
0x4b: {  	s9 =	simm.s32 $0x16EC0;
	[sflag:s6] =	ssyncadd.s32 $0xFFFFE000  }
0x4c: {  	[tilespmem:s0], [sflag:$0x2] =	stream.indirect.gather [hbm4b:s1+s30], $0x80, s9, s30, $0xb8;
	[tilespmem:$0x1DD00] =	vst v63  }
0x4d: {  	_ =	swait.ge [sflag:s28], $0x2000  }
0x4e: {  	[sflag:s28] =	ssyncset.done $0x0  }
0x4f: {  	s13 =	rddreg [dreg:$0x13];
	[sflag:s28] =	ssyncadd.s32 $0xFFFFE000  }
0x50: {  	[hbm4b:s13+s4] =	stream.linear.scatter [tilespmem:s31], [sflag:$0x3], $0x2000, $0x38;
	[tilespmem:$0x1DD00] =	vst v63  }
0x51: {  	_ =	swait.ge [sflag:s3], $0x2000  }
0x52: {  	[sflag:s3] =	ssyncset.done $0x0  }
0x53: {  	s14 =	simm.s32 $0x16F00;
	[sflag:s3] =	ssyncadd.s32 $0xFFFFE000  }
0x54: {  	[tilespmem:s31], [sflag:$0x1] =	stream.indirect.gather [hbm4b:s1+s30], $0x80, s14, s30, $0xb8;
	[tilespmem:$0x1DD00] =	vst v63  }
0x55: {  	_ =	swait.ge [sflag:s5], $0x2000  }
0x56: {  	[sflag:s5] =	ssyncset.done $0x0  }
0x57: {  	s15 =	rddreg [dreg:$0x14];
	[sflag:s5] =	ssyncadd.s32 $0xFFFFE000  }
0x58: {  	[hbm4b:s15+s4] =	stream.linear.scatter [tilespmem:s0], [sflag:$0x4], $0x2000, $0x38;
	[tilespmem:$0x1DD00] =	vst v63  }
0x59: {  	_ =	swait.ge [sflag:s6], $0x2000  }
0x5a: {  	[sflag:s6] =	ssyncset.done $0x0  }
0x5b: {  	s16 =	simm.s32 $0x16F40;
	[sflag:s6] =	ssyncadd.s32 $0xFFFFE000  }
0x5c: {  	[tilespmem:s0], [sflag:$0x2] =	stream.indirect.gather [hbm4b:s1+s30], $0x80, s16, s30, $0xb8;
	[tilespmem:$0x1DD00] =	vst v63  }
0x5d: {  	_ =	swait.ge [sflag:s28], $0x2000  }
0x5e: {  	[sflag:s28] =	ssyncset.done $0x0  }
0x5f: {  	s20 =	rddreg [dreg:$0x15];
	[sflag:s28] =	ssyncadd.s32 $0xFFFFE000  }
0x60: {  	[hbm4b:s20+s4] =	stream.linear.scatter [tilespmem:s31], [sflag:$0x3], $0x2000, $0x38;
	[tilespmem:$0x1DD00] =	vst v63  }
0x61: {  	_ =	swait.ge [sflag:s3], $0x2000  }
0x62: {  	[sflag:s3] =	ssyncset.done $0x0  }
0x63: {  	s21 =	simm.s32 $0x16F80;
	[sflag:s3] =	ssyncadd.s32 $0xFFFFE000  }
0x64: {  	[tilespmem:s31], [sflag:$0x1] =	stream.indirect.gather [hbm4b:s1+s30], $0x80, s21, s30, $0xb8;
	[tilespmem:$0x1DD00] =	vst v63  }
0x65: {  	_ =	swait.ge [sflag:s5], $0x2000  }
0x66: {  	[sflag:s5] =	ssyncset.done $0x0  }
0x67: {  	s22 =	rddreg [dreg:$0x16];
	[sflag:s5] =	ssyncadd.s32 $0xFFFFE000  }
0x68: {  	[hbm4b:s22+s4] =	stream.linear.scatter [tilespmem:s0], [sflag:$0x4], $0x2000, $0x38;
	[tilespmem:$0x1DD00] =	vst v63  }
0x69: {  	_ =	swait.ge [sflag:s6], $0x2000  }
0x6a: {  	[sflag:s6] =	ssyncset.done $0x0  }
0x6b: {  	s23 =	simm.s32 $0x16FC0;
	[sflag:s6] =	ssyncadd.s32 $0xFFFFE000  }
0x6c: {  	[tilespmem:s0], [sflag:$0x2] =	stream.indirect.gather [hbm4b:s1+s30], $0x80, s23, s30, $0xb8;
	[tilespmem:$0x1DD00] =	vst v63  }
0x6d: {  	_ =	swait.ge [sflag:s28], $0x2000  }
0x6e: {  	[sflag:s28] =	ssyncset.done $0x0  }
0x6f: {  	s24 =	rddreg [dreg:$0x17];
	[sflag:s28] =	ssyncadd.s32 $0xFFFFE000  }
0x70: {  	[hbm4b:s24+s4] =	stream.linear.scatter [tilespmem:s31], [sflag:$0x3], $0x2000, $0x38;
	[tilespmem:$0x1DD00] =	vst v63  }
0x71: {  	_ =	swait.ge [sflag:s5], $0x2000  }
0x72: {  	[sflag:s5] =	ssyncset.done $0x0  }
0x73: {  	s26 =	rddreg [dreg:$0x18];
	[sflag:s5] =	ssyncadd.s32 $0xFFFFE000  }
0x74: {  	[hbm4b:s26+s4] =	stream.linear.scatter [tilespmem:s0], [sflag:$0x4], $0x2000, $0x38;
	[tilespmem:$0x1DD00] =	vst v63  }
0x75: {  	_ =	swait.ge [sflag:s3], $0x2000  }
0x76: {  	[sflag:s3] =	ssyncset.done $0x0  }
0x77: {  	[sflag:s3] =	ssyncadd.s32 $0xFFFFE000  }
0x78: {  	_ =	swait.ge [sflag:s6], $0x2000  }
0x79: {  	[sflag:s6] =	ssyncset.done $0x0  }
0x7a: {  	[sflag:s6] =	ssyncadd.s32 $0xFFFFE000  }
.LBB2_22:
0x7b: {  	s19 =	sadd.s32 $0x1, s19  }
0x7c: {  	p3 =	sne.s32 s19, s25  }
.Ltmp1:
0x7d: {  	_ = 	snop;
	(pc) =	sbr.rel @!p3 .LBB2_23-.Ltmp1, $1  }
0x7e: {  	_ =	sdelay $0x3  }
.LBB2_1:
.Ltmp2:
0x7f: {  	(pc) =	sbr.rel @p0 .LBB2_21-.Ltmp2, $1  }
0x80: {  	_ =	sdelay $0x3  }
0x81: {  	s2 =	rddreg [dreg:$0x8]  }
0x82: {  	[tilespmem:s4], [sflag:$0x6] =	stream.linear.gather [hbm4b:s2+s4], $0x9C00, $0x38;
	[tilespmem:$0x1DD00] =	vst v63  }
0x83: {  	_ =	swait.ge [sflag:s29], $0x9C00  }
0x84: {  	[sflag:s29] =	ssyncset.done $0x0  }
0x85: {  	s8 =	simm.s32 $0x9D00;
	s22 =	rddreg [dreg:$0x9];
	[sflag:s29] =	ssyncadd.s32 $0xFFFF6400  }
0x86: {  	[tilespmem:s8], [sflag:$0x5] =	stream.linear.gather [hbm4b:s22+s4], $0x4E00, $0x38;
	[tilespmem:$0x1DD00] =	vst v63  }
0x87: {  	s2 =	simm.s32 @!p2 $0x0;
	s9 =	rddreg [dreg:$0xa];
	s8 =	simm.s32 @!p2 $0x9C00  }
0x88: {  	[tilespmem:s8], [sflag:$0x6] =	stream.linear.gather @!p2 [hbm4b:s9+s2], $0x100, $0x38;
	[tilespmem:$0x1DD00] =	vst v63  }
0x89: {  	s8 =	simm.s32 @!p2 $0x6  }
0x8a: {  	_ =	swait.ge @!p2 [sflag:s8], $0x100  }
0x8b: {  	[sflag:s8] =	ssyncset.done @!p2 $0x0  }
0x8c: {  	s9 =	simm.s32 @!p2 $0xEB00;
	s13 =	rddreg [dreg:$0xb];
	[sflag:s8] =	ssyncadd.s32 @!p2 $0xFFFFFF00  }
0x8d: {  	[tilespmem:s9], [sflag:$0x6] =	stream.linear.gather @!p2 [hbm4b:s13+s2], $0x80, $0x38;
	[tilespmem:$0x1DD00] =	vst v63  }
0x8e: {  	_ =	swait.ge @!p2 [sflag:s8], $0x80  }
0x8f: {  	s23 =	simm.s32 $0x0;
	[sflag:s8] =	ssyncset.done @!p2 $0x0  }
0x90: {  	s26 =	simm.s32 $0x16380;
	s24 =	rddreg [dreg:$0xc];
	[sflag:s8] =	ssyncadd.s32 @!p2 $0xFFFFFF80  }
0x91: {  	[tilespmem:s26], [sflag:$0x6] =	stream.linear.gather [hbm4b:s24+s23], $0x280, $0x38;
	[tilespmem:$0x1DD00] =	vst v63  }
0x92: {  	_ =	swait.ge [sflag:s29], $0x280  }
0x93: {  	[sflag:s29] =	ssyncset.done $0x0  }
0x94: {  	s2 =	simm.s32 $0x40;
	s8 =	simm.s32 $0x0;
	[sflag:s29] =	ssyncadd.s32 $0xFFFFFD80  }
.LBB2_3:
0x95: {  	p3 =	sne.s32 s2, $0x9FC0;
	[tilespmem:s8+$0x11380] =	vst v0;
	s8 =	smov.u32 s2;
	s2 =	sadd.s32 $0x40, s2  }
.Ltmp3:
0x96: {  	(pc) =	sbr.rel @p3 .LBB2_3-.Ltmp3, $2  }
0x97: {  	_ =	sdelay $0x2  }
0x98: {  	s8 =	sshra.s32 s8, $0x2  }
0x99: {  	[tilespmem:s8+$0x11380] =	vst v0;
	s2 =	simm.s32 @!p1 $0x11380;
	s8 =	rddreg [dreg:$0x4]  }
0x9a: {  	[spmem:s8] =	stream.linear.scatter @!p1 [tilespmem:s2], [sflag:$0x6], $0x2800, $0x38;
	[tilespmem:$0x1DD00] =	vst v63  }
0x9b: {  	s2 =	simm.s32 @!p1 $0x6  }
0x9c: {  	_ =	swait.ge @!p1 [sflag:s2], $0x2800  }
0x9d: {  	[sflag:s2] =	ssyncset.done @!p1 $0x0  }
0x9e: {  	s8 =	simm.s32 $0x0;
	[sflag:s2] =	ssyncadd.s32 @!p1 $0xFFFFD800  }
0x9f: {  	v2 =	vld [tilespmem:s8+$0x80]  }
0xa0: {  	v3 =	vld [tilespmem:s8+$0x90]  }
0xa1: {  	v4 =	vld [tilespmem:s8+$0xA0]  }
0xa2: {  	v5 =	vld [tilespmem:s8+$0xB0]  }
0xa3: {  	v6 =	vld [tilespmem:s8+$0xC0]  }
0xa4: {  	v7 =	vld [tilespmem:s8+$0xD0]  }
0xa5: {  	s2 =	simm.s32 $0x400;
	v8 =	vld [tilespmem:s8+$0xE0]  }
.LBB2_5:
0xa6: {  	p3 =	sne.s32 s2, $0x26C00;
	v9 =	vld [tilespmem:s8+$0xF0]  }
0xa7: {  	[tilespmem:v2+s7+$0x0] =	vst.idx.add.f32.msk $0xffff, v1  }
0xa8: {  	[tilespmem:v3+s7+$0x0] =	vst.idx.add.f32.msk $0xffff, v1  }
0xa9: {  	[tilespmem:v4+s7+$0x0] =	vst.idx.add.f32.msk $0xffff, v1  }
0xaa: {  	[tilespmem:v5+s7+$0x0] =	vst.idx.add.f32.msk $0xffff, v1  }
0xab: {  	[tilespmem:v6+s7+$0x0] =	vst.idx.add.f32.msk $0xffff, v1  }
0xac: {  	[tilespmem:v7+s7+$0x0] =	vst.idx.add.f32.msk $0xffff, v1  }
0xad: {  	[tilespmem:v8+s7+$0x0] =	vst.idx.add.f32.msk $0xffff, v1  }
0xae: {  	s8 =	sshra.s32 s2, $0x2;
	[tilespmem:v9+s7+$0x0] =	vst.idx.add.f32.msk $0xffff, v1  }
0xaf: {  	v2 =	vld [tilespmem:s8+$0x80]  }
0xb0: {  	v3 =	vld [tilespmem:s8+$0x90]  }
.Ltmp4:
0xb1: {  	v4 =	vld [tilespmem:s8+$0xA0];
	(pc) =	sbr.rel @p3 .LBB2_5-.Ltmp4, $4  }
0xb2: {  	v5 =	vld [tilespmem:s8+$0xB0]  }
0xb3: {  	v6 =	vld [tilespmem:s8+$0xC0]  }
0xb4: {  	v7 =	vld [tilespmem:s8+$0xD0]  }
0xb5: {  	s2 =	sadd.s32 $0x400, s2;
	v8 =	vld [tilespmem:s8+$0xE0]  }
0xb6: {  	_ =	sdelay $0x2  }
0xb7: {  	v9 =	vld [tilespmem:s8+$0xF0]  }
0xb8: {  	[tilespmem:v2+s7+$0x0] =	vst.idx.add.f32.msk $0xffff, v1  }
0xb9: {  	[tilespmem:v3+s7+$0x0] =	vst.idx.add.f32.msk $0xffff, v1  }
0xba: {  	[tilespmem:v4+s7+$0x0] =	vst.idx.add.f32.msk $0xffff, v1  }
0xbb: {  	[tilespmem:v5+s7+$0x0] =	vst.idx.add.f32.msk $0xffff, v1  }
0xbc: {  	[tilespmem:v6+s7+$0x0] =	vst.idx.add.f32.msk $0xffff, v1  }
0xbd: {  	[tilespmem:v7+s7+$0x0] =	vst.idx.add.f32.msk $0xffff, v1  }
0xbe: {  	[tilespmem:v8+s7+$0x0] =	vst.idx.add.f32.msk $0xffff, v1  }
0xbf: {  	[tilespmem:v9+s7+$0x0] =	vst.idx.add.f32.msk $0xffff, v1  }
0xc0: {  	v2 =	vld @!p2 [tilespmem:$0x9C80]  }
0xc1: {  	v3 =	vld @!p2 [tilespmem:$0x9C90]  }
0xc2: {  	v4 =	vld @!p2 [tilespmem:$0x9CA0]  }
0xc3: {  	v5 =	vld @!p2 [tilespmem:$0x9CB0]  }
0xc4: {  	v6 =	vld @!p2 [tilespmem:$0x9CC0]  }
0xc5: {  	v7 =	vld @!p2 [tilespmem:$0x9CD0]  }
0xc6: {  	v8 =	vld @!p2 [tilespmem:$0x9CE0]  }
0xc7: {  	v10 =	vimm.f32 @!p2 $1.000000000e+00;
	s2 =	simm.s32 @!p2 $0x11380;
	v9 =	vld @!p2 [tilespmem:$0x9CF0]  }
0xc8: {  	[tilespmem:v2+s2+$0x0] =	vst.idx.add.f32.msk @!p2 $0xffff, v10  }
0xc9: {  	[tilespmem:v3+s2+$0x0] =	vst.idx.add.f32.msk @!p2 $0xffff, v10  }
0xca: {  	[tilespmem:v4+s2+$0x0] =	vst.idx.add.f32.msk @!p2 $0xffff, v10  }
0xcb: {  	[tilespmem:v5+s2+$0x0] =	vst.idx.add.f32.msk @!p2 $0xffff, v10  }
0xcc: {  	[tilespmem:v6+s2+$0x0] =	vst.idx.add.f32.msk @!p2 $0xffff, v10  }
0xcd: {  	[tilespmem:v7+s2+$0x0] =	vst.idx.add.f32.msk @!p2 $0xffff, v10  }
0xce: {  	[tilespmem:v8+s2+$0x0] =	vst.idx.add.f32.msk @!p2 $0xffff, v10  }
0xcf: {  	s20 =	simm.s32 $0x5;
	[tilespmem:v9+s2+$0x0] =	vst.idx.add.f32.msk @!p2 $0xffff, v10  }
0xd0: {  	_ =	swait.ge [sflag:s20], $0x4E00  }
0xd1: {  	[sflag:s20] =	ssyncset.done $0x0  }
0xd2: {  	s21 =	simm.s32 $0x80;
	s22 =	simm.s32 $0x400;
	[sflag:s20] =	ssyncadd.s32 $0xFFFFB200  }
0xd3: {  	[spmem:s10] =	stream.strided.scatter [tilespmem:s7], [sflag:$0x6], $0x2800, s22, s21, $0x38;
	[tilespmem:$0x1DD00] =	vst v63  }
0xd4: {  	_ =	swait.ge [sflag:s29], $0x2800  }
0xd5: {  	[sflag:s29] =	ssyncset.done $0x0  }
0xd6: {  	[sflag:s29] =	ssyncadd.s32 $0xFFFFD800  }
0xd7: {  	s23 =	simm.s32 $0x1400;
	s24 =	simm.s32 $0x14000;
	[bflag:$0x0] =	sbarrier.arrive $0xFFFF  }
0xd8: {  	[tilespmem:s17], [sflag:$0x6] =	stream.strided.gather [spmem:s11], $0x2800, s24, s23, $0x38;
	[tilespmem:$0x1DD00] =	vst v63  }
0xd9: {  	s24 =	simm.s32 $0x0;
	_ =	swait.ge [sflag:s29], $0x2800  }
0xda: {  	s2 =	sand.u32 $0x1C00, s24;
	[sflag:s29] =	ssyncset.done $0x0  }
0xdb: {  	s8 =	sand.u32 $0x60, s24;
	s9 =	sadd.s32 $0x13B80, s2;
	[sflag:s29] =	ssyncadd.s32 $0xFFFFD800  }
0xdc: {  	s16 =	sor.u32 $0x10, s8;
	s13 =	sor.u32 s8, s9;
	[bflag:$0x0] =	sbarrier.arrive $0xFFFF  }
0xdd: {  	s9 =	sor.u32 s16, s9;
	v2 =	vld [tilespmem:s13+$0x0]  }
0xde: {  	v3 =	vld [tilespmem:s9+$0x0]  }
0xdf: {  	v4 =	vld [tilespmem:s13+$0x80]  }
0xe0: {  	v5 =	vld [tilespmem:s9+$0x80]  }
0xe1: {  	v6 =	vld [tilespmem:s13+$0x100]  }
0xe2: {  	v7 =	vld [tilespmem:s9+$0x100]  }
0xe3: {  	v8 =	vld [tilespmem:s13+$0x180]  }
0xe4: {  	v9 =	vld [tilespmem:s9+$0x180]  }
0xe5: {  	v10 =	vld [tilespmem:s13+$0x200]  }
0xe6: {  	v11 =	vld [tilespmem:s9+$0x200]  }
0xe7: {  	v12 =	vld [tilespmem:s13+$0x280]  }
0xe8: {  	v13 =	vld [tilespmem:s9+$0x280]  }
0xe9: {  	v14 =	vld [tilespmem:s13+$0x300]  }
0xea: {  	v15 =	vld [tilespmem:s9+$0x300]  }
0xeb: {  	s26 =	sadd.s32 $0x14F80, s2;
	v16 =	vld [tilespmem:s13+$0x380]  }
0xec: {  	s14 =	sor.u32 s8, s26;
	v17 =	vld [tilespmem:s9+$0x380]  }
0xed: {  	s20 =	sadd.s32 $0x15000, s2;
	s15 =	sor.u32 s16, s26;
	v18 =	vld [tilespmem:s14+$0x0]  }
0xee: {  	s21 =	sor.u32 s8, s20;
	v19 =	vld [tilespmem:s15+$0x0]  }
0xef: {  	s23 =	sadd.s32 $0x15080, s2;
	s22 =	sor.u32 s16, s20;
	v20 =	vld [tilespmem:s21+$0x0]  }
0xf0: {  	s26 =	sor.u32 s8, s23;
	v21 =	vld [tilespmem:s22+$0x0]  }
0xf1: {  	v22 =	vld [tilespmem:s26+$0x0];
	s13 =	sor.u32 s16, s23;
	s14 =	sadd.s32 $0x15100, s2  }
0xf2: {  	v23 =	vld [tilespmem:s13+$0x0];
	s15 =	sor.u32 s8, s14  }
0xf3: {  	s21 =	sadd.s32 $0x15180, s2;
	s20 =	sor.u32 s16, s14;
	v24 =	vld [tilespmem:s15+$0x0]  }
0xf4: {  	s22 =	sor.u32 s8, s21;
	v25 =	vld [tilespmem:s20+$0x0]  }
0xf5: {  	s26 =	sadd.s32 $0x15200, s2;
	s23 =	sor.u32 s16, s21;
	v26 =	vld [tilespmem:s22+$0x0]  }
0xf6: {  	s14 =	sor.u32 s8, s26;
	v27 =	vld [tilespmem:s23+$0x0]  }
0xf7: {  	v28 =	vld [tilespmem:s14+$0x0];
	s15 =	sor.u32 s16, s26;
	s20 =	sadd.s32 $0x15280, s2  }
0xf8: {  	v29 =	vld [tilespmem:s15+$0x0];
	s21 =	sor.u32 s8, s20  }
0xf9: {  	s23 =	sadd.s32 $0x15300, s2;
	s26 =	simm.s32 $0x100;
	s22 =	sor.u32 s16, s20;
	v30 =	vld [tilespmem:s21+$0x0]  }
0xfa: {  	s20 =	simm.s32 $0x20;
	s2 =	sand.u32 $0x1C00, s26;
	s14 =	sor.u32 s8, s23;
	v31 =	vld [tilespmem:s22+$0x0]  }
0xfb: {  	s15 =	sor.u32 s16, s23;
	s8 =	sand.u32 $0x60, s20;
	s22 =	sadd.s32 $0x13B80, s2;
	v32 =	vld [tilespmem:s14+$0x0]  }
0xfc: {  	v33 =	vld [tilespmem:s15+$0x0];
	s23 =	sor.u32 s8, s22  }
0xfd: {  	s21 =	sor.u32 $0x10, s8;
	v2 =	vadd.f32 v4, v2;
	v34 =	vld [tilespmem:s23+$0x0]  }
0xfe: {  	v3 =	vadd.f32 v5, v3;
	s26 =	sor.u32 s21, s22;
	v5 =	vld [tilespmem:s23+$0x80]  }
0xff: {  	v4 =	vld [tilespmem:s26+$0x0];
	v2 =	vadd.f32 v6, v2  }
0x100: {  	v3 =	vadd.f32 v7, v3;
	v6 =	vld [tilespmem:s26+$0x80]  }
0x101: {  	v7 =	vld [tilespmem:s23+$0x100];
	v2 =	vadd.f32 v8, v2  }
0x102: {  	v3 =	vadd.f32 v9, v3;
	v8 =	vld [tilespmem:s26+$0x100]  }
0x103: {  	v9 =	vld [tilespmem:s23+$0x180];
	v2 =	vadd.f32 v10, v2  }
0x104: {  	v3 =	vadd.f32 v11, v3;
	v10 =	vld [tilespmem:s26+$0x180];
	v5 =	vadd.f32 v5, v34  }
0x105: {  	v4 =	vadd.f32 v6, v4;
	v6 =	vld [tilespmem:s23+$0x200];
	v2 =	vadd.f32 v12, v2  }
0x106: {  	v11 =	vld [tilespmem:s26+$0x200];
	v3 =	vadd.f32 v13, v3;
	v5 =	vadd.f32 v7, v5  }
0x107: {  	v7 =	vld [tilespmem:s23+$0x280];
	v4 =	vadd.f32 v8, v4;
	v2 =	vadd.f32 v14, v2  }
0x108: {  	v8 =	vld [tilespmem:s26+$0x280];
	v3 =	vadd.f32 v15, v3;
	v5 =	vadd.f32 v9, v5  }
0x109: {  	v9 =	vld [tilespmem:s23+$0x300];
	v4 =	vadd.f32 v10, v4;
	v2 =	vadd.f32 v16, v2  }
0x10a: {  	v10 =	vld [tilespmem:s26+$0x300];
	v3 =	vadd.f32 v17, v3;
	v5 =	vadd.f32 v6, v5  }
0x10b: {  	s14 =	sadd.s32 $0x14F80, s2;
	v6 =	vld [tilespmem:s23+$0x380];
	v4 =	vadd.f32 v11, v4;
	v2 =	vadd.f32 v18, v2  }
0x10c: {  	s15 =	sor.u32 s8, s14;
	v11 =	vld [tilespmem:s26+$0x380];
	v3 =	vadd.f32 v19, v3;
	v5 =	vadd.f32 v7, v5  }
0x10d: {  	s22 =	sor.u32 s21, s14;
	s23 =	sadd.s32 $0x15000, s2;
	v7 =	vld [tilespmem:s15+$0x0];
	v4 =	vadd.f32 v8, v4;
	v2 =	vadd.f32 v20, v2  }
0x10e: {  	s26 =	sor.u32 s8, s23;
	v8 =	vld [tilespmem:s22+$0x0];
	v3 =	vadd.f32 v21, v3;
	v5 =	vadd.f32 v9, v5  }
0x10f: {  	s14 =	sadd.s32 $0x15080, s2;
	s13 =	sor.u32 s21, s23;
	v9 =	vld [tilespmem:s26+$0x0];
	v4 =	vadd.f32 v10, v4;
	v2 =	vadd.f32 v22, v2  }
0x110: {  	s15 =	sor.u32 s8, s14;
	v10 =	vld [tilespmem:s13+$0x0];
	v3 =	vadd.f32 v23, v3;
	v5 =	vadd.f32 v6, v5  }
0x111: {  	s23 =	sadd.s32 $0x15100, s2;
	s22 =	sor.u32 s21, s14;
	v6 =	vld [tilespmem:s15+$0x0];
	v4 =	vadd.f32 v11, v4;
	v2 =	vadd.f32 v24, v2  }
0x112: {  	s26 =	sor.u32 s8, s23;
	v11 =	vld [tilespmem:s22+$0x0];
	v3 =	vadd.f32 v25, v3;
	v5 =	vadd.f32 v7, v5  }
0x113: {  	s14 =	sadd.s32 $0x15180, s2;
	s13 =	sor.u32 s21, s23;
	v7 =	vld [tilespmem:s26+$0x0];
	v4 =	vadd.f32 v8, v4;
	v2 =	vadd.f32 v26, v2  }
0x114: {  	s15 =	sor.u32 s8, s14;
	v8 =	vld [tilespmem:s13+$0x0];
	v3 =	vadd.f32 v27, v3;
	v5 =	vadd.f32 v9, v5  }
0x115: {  	s23 =	sadd.s32 $0x15200, s2;
	s22 =	sor.u32 s21, s14;
	v9 =	vld [tilespmem:s15+$0x0];
	v4 =	vadd.f32 v10, v4;
	v2 =	vadd.f32 v28, v2  }
0x116: {  	s26 =	sor.u32 s8, s23;
	v10 =	vld [tilespmem:s22+$0x0];
	v3 =	vadd.f32 v29, v3;
	v5 =	vadd.f32 v6, v5  }
0x117: {  	s14 =	sadd.s32 $0x15280, s2;
	s13 =	sor.u32 s21, s23;
	v6 =	vld [tilespmem:s26+$0x0];
	v4 =	vadd.f32 v11, v4;
	v11 =	vadd.f32 v30, v2  }
0x118: {  	s23 =	simm.s32 $0x16600;
	v63 =	vld [tilespmem:s13+$0x0];
	s15 =	sor.u32 s8, s14;
	s13 =	sadd.s32 $0x15300, s2;
	v3 =	vadd.f32 v31, v3;
	v5 =	vadd.f32 v7, v5  }
0x119: {  	s2 =	simm.s32 $0x200;
	s22 =	simm.s32 $0x40;
	s26 =	sor.u32 s21, s14;
	v2 =	vld [tilespmem:s15+$0x0];
	v4 =	vadd.f32 v8, v4;
	v7 =	vadd.f32 v32, v11  }
0x11a: {  	s8 =	sor.u32 s8, s13;
	s14 =	sand.u32 $0x380, s24;
	s24 =	sand.u32 $0x1C00, s2;
	v8 =	vadd.f32 v33, v3;
	v3 =	vld [tilespmem:s26+$0x0];
	v9 =	vadd.f32 v9, v5  }
0x11b: {  	s13 =	sor.u32 s21, s13;
	s15 =	sadd.s32 $0x13B80, s24;
	s26 =	sand.u32 $0x60, s22;
	v10 =	vadd.f32 v10, v4;
	v4 =	vld [tilespmem:s8+$0x0]  }
0x11c: {  	s16 =	sor.u32 s16, s14;
	v5 =	vld [tilespmem:s13+$0x0];
	s9 =	sor.u32 s26, s15;
	s8 =	sor.u32 $0x10, s26;
	[tilespmem:s23+$0x0] =	vst v7;
	v6 =	vadd.f32 v6, v9  }
0x11d: {  	s13 =	sor.u32 s8, s15;
	[tilespmem:s16+$0x16600] =	vst v8;
	v8 =	vld [tilespmem:s9+$0x0];
	s16 =	simm.s32 $0x60;
	v7 =	vadd.f32 v63, v10  }
.LBB2_7:
0x11e: {  	p3 =	sne.s32 s16, $0x260;
	v9 =	vld [tilespmem:s13+$0x0];
	v2 =	vadd.f32 v2, v6  }
0x11f: {  	v6 =	vld [tilespmem:s9+$0x80];
	v3 =	vadd.f32 v3, v7  }
0x120: {  	v7 =	vld [tilespmem:s13+$0x80];
	v2 =	vadd.f32 v4, v2  }
0x121: {  	s14 =	sand.u32 $0x380, s20;
	s23 =	sadd.s32 $0x20, s23;
	s20 =	smov.u32 s22;
	v4 =	vld [tilespmem:s9+$0x100];
	v3 =	vadd.f32 v5, v3  }
0x122: {  	s22 =	smov.u32 s16;
	s14 =	sor.u32 s21, s14;
	s21 =	smov.u32 s8;
	v5 =	vld [tilespmem:s13+$0x100];
	[tilespmem:s23+$0x0] =	vst v2  }
0x123: {  	v2 =	vld [tilespmem:s9+$0x180];
	[tilespmem:s14+$0x16600] =	vst v3  }
0x124: {  	v3 =	vadd.f32 v6, v8;
	v6 =	vld [tilespmem:s13+$0x180]  }
0x125: {  	v7 =	vadd.f32 v7, v9;
	v8 =	vld [tilespmem:s9+$0x200]  }
0x126: {  	v3 =	vadd.f32 v4, v3;
	v4 =	vld [tilespmem:s13+$0x200]  }
0x127: {  	v5 =	vadd.f32 v5, v7;
	v7 =	vld [tilespmem:s9+$0x280]  }
0x128: {  	v2 =	vadd.f32 v2, v3;
	v3 =	vld [tilespmem:s13+$0x280]  }
0x129: {  	v5 =	vadd.f32 v6, v5;
	v6 =	vld [tilespmem:s9+$0x300]  }
0x12a: {  	v2 =	vadd.f32 v8, v2;
	v8 =	vld [tilespmem:s13+$0x300]  }
0x12b: {  	s8 =	sadd.s32 $0x14F80, s24;
	v4 =	vadd.f32 v4, v5;
	v5 =	vld [tilespmem:s9+$0x380]  }
0x12c: {  	s9 =	sor.u32 s26, s8;
	v2 =	vadd.f32 v7, v2;
	v7 =	vld [tilespmem:s13+$0x380]  }
0x12d: {  	s8 =	sor.u32 s21, s8;
	v3 =	vadd.f32 v3, v4;
	v4 =	vld [tilespmem:s9+$0x0];
	s9 =	sadd.s32 $0x15000, s24  }
0x12e: {  	v2 =	vadd.f32 v6, v2;
	v6 =	vld [tilespmem:s8+$0x0];
	s8 =	sor.u32 s26, s9  }
0x12f: {  	v3 =	vadd.f32 v8, v3;
	v8 =	vld [tilespmem:s8+$0x0];
	s8 =	sor.u32 s21, s9;
	s9 =	sadd.s32 $0x15080, s24  }
0x130: {  	v2 =	vadd.f32 v5, v2;
	v5 =	vld [tilespmem:s8+$0x0];
	s8 =	sor.u32 s26, s9  }
0x131: {  	v3 =	vadd.f32 v7, v3;
	v7 =	vld [tilespmem:s8+$0x0];
	s8 =	sor.u32 s21, s9;
	s9 =	sadd.s32 $0x15100, s24  }
0x132: {  	v2 =	vadd.f32 v4, v2;
	v4 =	vld [tilespmem:s8+$0x0];
	s8 =	sor.u32 s26, s9  }
0x133: {  	v3 =	vadd.f32 v6, v3;
	v6 =	vld [tilespmem:s8+$0x0];
	s8 =	sor.u32 s21, s9;
	s9 =	sadd.s32 $0x15180, s24  }
0x134: {  	v2 =	vadd.f32 v8, v2;
	v8 =	vld [tilespmem:s8+$0x0];
	s8 =	sor.u32 s26, s9  }
0x135: {  	v3 =	vadd.f32 v5, v3;
	v5 =	vld [tilespmem:s8+$0x0];
	s8 =	sor.u32 s21, s9;
	s9 =	sadd.s32 $0x15200, s24  }
0x136: {  	v2 =	vadd.f32 v7, v2;
	v7 =	vld [tilespmem:s8+$0x0];
	s8 =	sor.u32 s26, s9  }
0x137: {  	v3 =	vadd.f32 v4, v3;
	v9 =	vld [tilespmem:s8+$0x0];
	s8 =	sor.u32 s21, s9;
	s9 =	sadd.s32 $0x15280, s24  }
0x138: {  	s2 =	sadd.s32 $0x100, s2;
	v4 =	vadd.f32 v6, v2;
	v10 =	vld [tilespmem:s8+$0x0];
	s8 =	sor.u32 s26, s9  }
.Ltmp5:
0x139: {  	v6 =	vadd.f32 v8, v3;
	v2 =	vld [tilespmem:s8+$0x0];
	s8 =	sor.u32 s21, s9;
	s9 =	sadd.s32 $0x15300, s24;
	(pc) =	sbr.rel @p3 .LBB2_7-.Ltmp5, $4  }
0x13a: {  	s24 =	sand.u32 $0x1C00, s2;
	v5 =	vadd.f32 v5, v4;
	v3 =	vld [tilespmem:s8+$0x0];
	s8 =	sor.u32 s26, s9  }
0x13b: {  	s26 =	sand.u32 $0x60, s16;
	s13 =	sadd.s32 $0x13B80, s24;
	s14 =	sor.u32 s21, s9;
	v7 =	vadd.f32 v7, v6;
	v4 =	vld [tilespmem:s8+$0x0]  }
0x13c: {  	s9 =	sor.u32 s26, s13;
	s8 =	sor.u32 $0x10, s26;
	v6 =	vadd.f32 v9, v5;
	v5 =	vld [tilespmem:s14+$0x0]  }
0x13d: {  	s16 =	sadd.s32 $0x20, s16;
	s13 =	sor.u32 s8, s13;
	v8 =	vld [tilespmem:s9+$0x0];
	v7 =	vadd.f32 v10, v7  }
0x13e: {  	v9 =	vld [tilespmem:s13+$0x0]  }
0x13f: {  	v10 =	vld [tilespmem:s9+$0x80]  }
0x140: {  	v11 =	vld [tilespmem:s13+$0x80]  }
0x141: {  	v12 =	vld [tilespmem:s9+$0x100]  }
0x142: {  	v13 =	vld [tilespmem:s13+$0x100]  }
0x143: {  	v14 =	vld [tilespmem:s9+$0x180]  }
0x144: {  	v37 =	vld [tilespmem:s13+$0x180];
	v8 =	vadd.f32 v10, v8  }
0x145: {  	v38 =	vld [tilespmem:s9+$0x200];
	v9 =	vadd.f32 v11, v9  }
0x146: {  	v39 =	vld [tilespmem:s13+$0x200];
	v8 =	vadd.f32 v12, v8  }
0x147: {  	v40 =	vld [tilespmem:s9+$0x280];
	v9 =	vadd.f32 v13, v9  }
0x148: {  	v41 =	vld [tilespmem:s13+$0x280];
	v8 =	vadd.f32 v14, v8  }
0x149: {  	v42 =	vld [tilespmem:s9+$0x300];
	v9 =	vadd.f32 v37, v9  }
0x14a: {  	v43 =	vld [tilespmem:s13+$0x300];
	v8 =	vadd.f32 v38, v8  }
0x14b: {  	v44 =	vld [tilespmem:s9+$0x380];
	s2 =	sadd.s32 $0x14F80, s24;
	v9 =	vadd.f32 v39, v9  }
0x14c: {  	v45 =	vld [tilespmem:s13+$0x380];
	s16 =	sor.u32 s26, s2;
	v8 =	vadd.f32 v40, v8  }
0x14d: {  	s13 =	sadd.s32 $0x15000, s24;
	s2 =	sor.u32 s8, s2;
	v46 =	vld [tilespmem:s16+$0x0];
	v9 =	vadd.f32 v41, v9  }
0x14e: {  	s14 =	sor.u32 s26, s13;
	v47 =	vld [tilespmem:s2+$0x0];
	v8 =	vadd.f32 v42, v8  }
0x14f: {  	s15 =	sor.u32 s8, s13;
	v48 =	vld [tilespmem:s14+$0x0];
	s16 =	sadd.s32 $0x15080, s24;
	v9 =	vadd.f32 v43, v9  }
0x150: {  	v49 =	vld [tilespmem:s15+$0x0];
	s13 =	sor.u32 s26, s16;
	v8 =	vadd.f32 v44, v8  }
0x151: {  	s15 =	sadd.s32 $0x15100, s24;
	s14 =	sor.u32 s8, s16;
	v50 =	vld [tilespmem:s13+$0x0];
	v9 =	vadd.f32 v45, v9  }
0x152: {  	s16 =	sor.u32 s26, s15;
	v51 =	vld [tilespmem:s14+$0x0];
	v8 =	vadd.f32 v46, v8  }
0x153: {  	s9 =	sor.u32 s8, s15;
	v52 =	vld [tilespmem:s16+$0x0];
	s13 =	sadd.s32 $0x15180, s24;
	v9 =	vadd.f32 v47, v9  }
0x154: {  	v53 =	vld [tilespmem:s9+$0x0];
	s14 =	sor.u32 s26, s13;
	v8 =	vadd.f32 v48, v8  }
0x155: {  	s16 =	sadd.s32 $0x15200, s24;
	s15 =	sor.u32 s8, s13;
	v54 =	vld [tilespmem:s14+$0x0];
	v9 =	vadd.f32 v49, v9  }
0x156: {  	s13 =	sor.u32 s26, s16;
	v55 =	vld [tilespmem:s15+$0x0];
	v8 =	vadd.f32 v50, v8  }
0x157: {  	v56 =	vld [tilespmem:s13+$0x0];
	s14 =	sor.u32 s8, s16;
	s15 =	sadd.s32 $0x15280, s24;
	v9 =	vadd.f32 v51, v9  }
0x158: {  	v57 =	vld [tilespmem:s14+$0x0];
	s16 =	sor.u32 s26, s15;
	v8 =	vadd.f32 v52, v8  }
0x159: {  	s13 =	sor.u32 s8, s15;
	s14 =	sadd.s32 $0x15300, s24;
	v58 =	vld [tilespmem:s16+$0x0];
	v9 =	vadd.f32 v53, v9  }
0x15a: {  	v59 =	vld [tilespmem:s13+$0x0];
	s15 =	sor.u32 s26, s14;
	v8 =	vadd.f32 v54, v8  }
0x15b: {  	s16 =	sor.u32 s8, s14;
	v60 =	vld [tilespmem:s15+$0x0];
	v9 =	vadd.f32 v55, v9  }
0x15c: {  	v2 =	vadd.f32 v2, v6;
	v62 =	vld [tilespmem:s16+$0x0];
	v61 =	vadd.f32 v56, v8  }
0x15d: {  	v3 =	vadd.f32 v3, v7;
	v63 =	vadd.f32 v57, v9  }
0x15e: {  	v2 =	vadd.f32 v4, v2;
	v4 =	vadd.f32 v58, v61  }
0x15f: {  	s20 =	sand.u32 $0x380, s20;
	v3 =	vadd.f32 v5, v3;
	s24 =	sadd.s32 $0x20, s23;
	v5 =	vadd.f32 v59, v63  }
0x160: {  	s2 =	sor.u32 s21, s20;
	[tilespmem:s24+$0x0] =	vst v2;
	v2 =	vadd.f32 v60, v4  }
0x161: {  	s26 =	sand.u32 $0x380, s22;
	s9 =	sadd.s32 $0x20, s24;
	[tilespmem:s2+$0x16600] =	vst v3;
	v3 =	vadd.f32 v62, v5  }
0x162: {  	s2 =	sor.u32 s8, s26;
	[tilespmem:s9+$0x0] =	vst v2  }
0x163: {  	s8 =	simm.s32 $0x0;
	[tilespmem:s2+$0x16600] =	vst v3  }
0x164: {  	v2 =	vld [tilespmem:s8+$0x16600];
	_ =	sdelay $0x4  }
0x165: {  	v2 =	vmax.f32 v2, $1.000000000e+00  }
0x166: {  	(erf) = vrcp.f32 v2;
	_ =	sdelay $0x1  }
0x167: {  	s2 =	simm.s32 $0x10  }
0x168: {  	v2 =	vld [tilespmem:s2+$0x16600];
	_ =	sdelay $0x4  }
0x169: {  	s9 =	simm.s32 $0x20;
	v3 =	vld [tilespmem:s8+$0x16380];
	v4 =	vmax.f32 v2, $1.000000000e+00  }
0x16a: {  	v2 =	vld [tilespmem:s9+$0x16600];
	v5 =	vpop (erf);
	(erf) = vrcp.f32 v4;
	_ =	sdelay $0x3  }
0x16b: {  	s13 =	simm.s32 $0xC0;
	v3 =	vmul.f32 v5, v3  }
.LBB2_9:
0x16c: {  	s14 =	sshra.s32 s13, $0x2;
	p3 =	sne.s32 s13, $0x9C0;
	s13 =	sadd.s32 $0x40, s13;
	v4 =	vmax.f32 v2, $1.000000000e+00;
	v5 =	vld [tilespmem:s2+$0x16380]  }
.Ltmp6:
0x16d: {  	v2 =	vld [tilespmem:s14+$0x16600];
	(erf) = vrcp.f32 v4;
	[tilespmem:s8+$0x16B00] =	vst v3;
	s8 =	smov.u32 s2;
	s2 =	smov.u32 s9;
	(pc) =	sbr.rel @p3 .LBB2_9-.Ltmp6, $3  }
0x16e: {  	s9 =	smov.u32 s14;
	_ =	sdelay $0x1  }
0x16f: {  	v3 =	vpop (erf)  }
0x170: {  	v3 =	vmul.f32 v3, v5  }
0x171: {  	v2 =	vmax.f32 v2, $1.000000000e+00  }
0x172: {  	(erf) = vrcp.f32 v2;
	_ =	sdelay $0x3  }
0x173: {  	v2 =	vld [tilespmem:s2+$0x16380];
	[tilespmem:s8+$0x16B00] =	vst v3  }
0x174: {  	v3 =	vld [tilespmem:s9+$0x16380];
	_ =	sdelay $0x2  }
0x175: {  	v4 =	vpop (erf)  }
0x176: {  	v2 =	vmul.f32 v4, v2;
	v4 =	vpop (erf)  }
0x177: {  	v3 =	vmul.f32 v4, v3  }
0x178: {  	[tilespmem:s2+$0x16B00] =	vst v2  }
0x179: {  	s22 =	simm.s32 $0x16B00;
	[tilespmem:s9+$0x16B00] =	vst v3  }
0x17a: {  	[spmem:s12] =	stream.linear.scatter [tilespmem:s22], [sflag:$0x6], $0x280, $0x38;
	[tilespmem:$0x1DD00] =	vst v63  }
0x17b: {  	_ =	swait.ge [sflag:s29], $0x280  }
0x17c: {  	[sflag:s29] =	ssyncset.done $0x0  }
0x17d: {  	[sflag:s29] =	ssyncadd.s32 $0xFFFFFD80  }
0x17e: {  	[bflag:$0x0] =	sbarrier.arrive $0xFFFF  }
0x17f: {  	s23 =	rddreg [dreg:$0x6]  }
0x180: {  	[tilespmem:s18], [sflag:$0x6] =	stream.linear.gather [spmem:s23], $0x2800, $0x38;
	[tilespmem:$0x1DD00] =	vst v63  }
0x181: {  	_ =	swait.ge [sflag:s29], $0x2800  }
0x182: {  	[sflag:s29] =	ssyncset.done $0x0  }
0x183: {  	[sflag:s29] =	ssyncadd.s32 $0xFFFFD800  }
0x184: {  	s24 =	rddreg [dreg:$0x4]  }
0x185: {  	[tilespmem:s7], [sflag:$0x6] =	stream.linear.gather [spmem:s24], $0x2800, $0x38;
	[tilespmem:$0x1DD00] =	vst v63  }
0x186: {  	_ =	swait.ge [sflag:s29], $0x2800  }
0x187: {  	[sflag:s29] =	ssyncset.done $0x0  }
0x188: {  	s26 =	simm.s32 $0x0;
	[sflag:s29] =	ssyncadd.s32 $0xFFFFD800  }
0x189: {  	v9 =	vld [tilespmem:s26+$0x9D00]  }
0x18a: {  	v7 =	vld [tilespmem:s26+$0x9D10]  }
0x18b: {  	v8 =	vld [tilespmem:s26+$0x9D20]  }
0x18c: {  	v6 =	vld [tilespmem:s26+$0x9D30]  }
0x18d: {  	v5 =	vld [tilespmem:s26+$0x9D40]  }
0x18e: {  	v4 =	vld [tilespmem:s26+$0x9D50]  }
0x18f: {  	v3 =	vld [tilespmem:s26+$0x9D60]  }
0x190: {  	s2 =	simm.s32 $0x80;
	v2 =	vld [tilespmem:s26+$0x9D70]  }
0x191: {  	v17 =	vld [tilespmem:s2+$0xFFFFFF80]  }
0x192: {  	v16 =	vld [tilespmem:s2+$0xFFFFFF90]  }
0x193: {  	v15 =	vld [tilespmem:s2+$0xFFFFFFA0]  }
0x194: {  	v14 =	vld [tilespmem:s2+$0xFFFFFFB0]  }
0x195: {  	v13 =	vld [tilespmem:s2+$0xFFFFFFC0]  }
0x196: {  	v11 =	vld [tilespmem:s2+$0xFFFFFFD0]  }
0x197: {  	v12 =	vld [tilespmem:s2+$0xFFFFFFE0]  }
0x198: {  	v10 =	vld [tilespmem:s2+$0xFFFFFFF0]  }
0x199: {  	v19 =	vld [tilespmem:s2+$0x0]  }
0x19a: {  	v20 =	vld [tilespmem:s2+$0x10]  }
0x19b: {  	v21 =	vld [tilespmem:s2+$0x20]  }
0x19c: {  	v22 =	vld [tilespmem:s2+$0x30]  }
0x19d: {  	v23 =	vld [tilespmem:s2+$0x40]  }
0x19e: {  	v24 =	vld [tilespmem:s2+$0x50]  }
0x19f: {  	v25 =	vld [tilespmem:s2+$0x60]  }
0x1a0: {  	s8 =	simm.s32 $0x200;
	v18 =	vld [tilespmem:s2+$0x70]  }
.LBB2_11:
0x1a1: {  	p3 =	sne.s32 s8, $0x13600;
	v19 =	vld.idx.msk [tilespmem:v19+s18+$0x0], $0xffff  }
0x1a2: {  	v20 =	vld.idx.msk [tilespmem:v20+s18+$0x0], $0xffff  }
0x1a3: {  	v21 =	vld.idx.msk [tilespmem:v21+s18+$0x0], $0xffff  }
0x1a4: {  	v22 =	vld.idx.msk [tilespmem:v22+s18+$0x0], $0xffff  }
0x1a5: {  	v23 =	vld.idx.msk [tilespmem:v23+s18+$0x0], $0xffff  }
0x1a6: {  	v24 =	vld.idx.msk [tilespmem:v24+s18+$0x0], $0xffff  }
0x1a7: {  	v9 =	vmul.f32 v9, v19;
	v25 =	vld.idx.msk [tilespmem:v25+s18+$0x0], $0xffff  }
0x1a8: {  	v7 =	vmul.f32 v7, v20;
	v18 =	vld.idx.msk [tilespmem:v18+s18+$0x0], $0xffff  }
0x1a9: {  	v8 =	vmul.f32 v8, v21;
	[tilespmem:v17+s7+$0x0] =	vst.idx.add.f32.msk $0xffff, v9  }
0x1aa: {  	v6 =	vmul.f32 v6, v22;
	[tilespmem:v16+s7+$0x0] =	vst.idx.add.f32.msk $0xffff, v7  }
0x1ab: {  	v5 =	vmul.f32 v5, v23;
	[tilespmem:v15+s7+$0x0] =	vst.idx.add.f32.msk $0xffff, v8  }
0x1ac: {  	v4 =	vmul.f32 v4, v24;
	[tilespmem:v14+s7+$0x0] =	vst.idx.add.f32.msk $0xffff, v6  }
0x1ad: {  	v3 =	vmul.f32 v3, v25;
	[tilespmem:v13+s7+$0x0] =	vst.idx.add.f32.msk $0xffff, v5  }
0x1ae: {  	v2 =	vmul.f32 v2, v18;
	[tilespmem:v11+s7+$0x0] =	vst.idx.add.f32.msk $0xffff, v4  }
0x1af: {  	[tilespmem:v12+s7+$0x0] =	vst.idx.add.f32.msk $0xffff, v3  }
0x1b0: {  	s9 =	sshra.s32 s8, $0x2;
	[tilespmem:v10+s7+$0x0] =	vst.idx.add.f32.msk $0xffff, v2  }
0x1b1: {  	v9 =	vld [tilespmem:s9+$0x9D00]  }
0x1b2: {  	v7 =	vld [tilespmem:s9+$0x9D10]  }
0x1b3: {  	v8 =	vld [tilespmem:s9+$0x9D20]  }
0x1b4: {  	v6 =	vld [tilespmem:s9+$0x9D30]  }
0x1b5: {  	v5 =	vld [tilespmem:s9+$0x9D40]  }
0x1b6: {  	v4 =	vld [tilespmem:s9+$0x9D50]  }
0x1b7: {  	v3 =	vld [tilespmem:s9+$0x9D60]  }
0x1b8: {  	s2 =	sadd.s32 $0x100, s2;
	v2 =	vld [tilespmem:s9+$0x9D70]  }
0x1b9: {  	v17 =	vld [tilespmem:s2+$0xFFFFFF80]  }
0x1ba: {  	v16 =	vld [tilespmem:s2+$0xFFFFFF90]  }
0x1bb: {  	v15 =	vld [tilespmem:s2+$0xFFFFFFA0]  }
0x1bc: {  	v14 =	vld [tilespmem:s2+$0xFFFFFFB0]  }
0x1bd: {  	v13 =	vld [tilespmem:s2+$0xFFFFFFC0]  }
0x1be: {  	v11 =	vld [tilespmem:s2+$0xFFFFFFD0]  }
0x1bf: {  	v12 =	vld [tilespmem:s2+$0xFFFFFFE0]  }
0x1c0: {  	v10 =	vld [tilespmem:s2+$0xFFFFFFF0]  }
0x1c1: {  	v19 =	vld [tilespmem:s2+$0x0]  }
0x1c2: {  	v20 =	vld [tilespmem:s2+$0x10]  }
0x1c3: {  	v21 =	vld [tilespmem:s2+$0x20]  }
.Ltmp7:
0x1c4: {  	v22 =	vld [tilespmem:s2+$0x30];
	(pc) =	sbr.rel @p3 .LBB2_11-.Ltmp7, $4  }
0x1c5: {  	v23 =	vld [tilespmem:s2+$0x40]  }
0x1c6: {  	v24 =	vld [tilespmem:s2+$0x50]  }
0x1c7: {  	v25 =	vld [tilespmem:s2+$0x60]  }
0x1c8: {  	s8 =	sadd.s32 $0x200, s8;
	v18 =	vld [tilespmem:s2+$0x70]  }
0x1c9: {  	_ =	sdelay $0x3  }
0x1ca: {  	v19 =	vld.idx.msk [tilespmem:v19+s18+$0x0], $0xffff  }
0x1cb: {  	v20 =	vld.idx.msk [tilespmem:v20+s18+$0x0], $0xffff  }
0x1cc: {  	v21 =	vld.idx.msk [tilespmem:v21+s18+$0x0], $0xffff  }
0x1cd: {  	v22 =	vld.idx.msk [tilespmem:v22+s18+$0x0], $0xffff  }
0x1ce: {  	v23 =	vld.idx.msk [tilespmem:v23+s18+$0x0], $0xffff  }
0x1cf: {  	v24 =	vld.idx.msk [tilespmem:v24+s18+$0x0], $0xffff  }
0x1d0: {  	v25 =	vld.idx.msk [tilespmem:v25+s18+$0x0], $0xffff;
	v9 =	vmul.f32 v9, v19  }
0x1d1: {  	v18 =	vld.idx.msk [tilespmem:v18+s18+$0x0], $0xffff;
	v7 =	vmul.f32 v7, v20  }
0x1d2: {  	v8 =	vmul.f32 v8, v21;
	[tilespmem:v17+s7+$0x0] =	vst.idx.add.f32.msk $0xffff, v9  }
0x1d3: {  	v6 =	vmul.f32 v6, v22;
	[tilespmem:v16+s7+$0x0] =	vst.idx.add.f32.msk $0xffff, v7  }
0x1d4: {  	v5 =	vmul.f32 v5, v23;
	[tilespmem:v15+s7+$0x0] =	vst.idx.add.f32.msk $0xffff, v8  }
0x1d5: {  	v4 =	vmul.f32 v4, v24;
	[tilespmem:v14+s7+$0x0] =	vst.idx.add.f32.msk $0xffff, v6  }
0x1d6: {  	v3 =	vmul.f32 v3, v25;
	[tilespmem:v13+s7+$0x0] =	vst.idx.add.f32.msk $0xffff, v5  }
0x1d7: {  	v2 =	vmul.f32 v2, v18;
	[tilespmem:v11+s7+$0x0] =	vst.idx.add.f32.msk $0xffff, v4  }
0x1d8: {  	[tilespmem:v12+s7+$0x0] =	vst.idx.add.f32.msk $0xffff, v3  }
0x1d9: {  	[tilespmem:v10+s7+$0x0] =	vst.idx.add.f32.msk $0xffff, v2  }
0x1da: {  	v2 =	vld @!p2 [tilespmem:$0x9C80]  }
0x1db: {  	v3 =	vld @!p2 [tilespmem:$0x9C90]  }
0x1dc: {  	v4 =	vld @!p2 [tilespmem:$0x9CA0]  }
0x1dd: {  	v5 =	vld @!p2 [tilespmem:$0x9CB0]  }
0x1de: {  	v6 =	vld @!p2 [tilespmem:$0x9CC0]  }
0x1df: {  	v7 =	vld @!p2 [tilespmem:$0x9CD0]  }
0x1e0: {  	v8 =	vld @!p2 [tilespmem:$0x9CE0]  }
0x1e1: {  	v9 =	vld @!p2 [tilespmem:$0x9CF0]  }
0x1e2: {  	v10 =	vld @!p2 [tilespmem:$0xEB00]  }
0x1e3: {  	v11 =	vld @!p2 [tilespmem:$0xEB10]  }
0x1e4: {  	v12 =	vld @!p2 [tilespmem:$0xEB20]  }
0x1e5: {  	v13 =	vld @!p2 [tilespmem:$0xEB30]  }
0x1e6: {  	v14 =	vld @!p2 [tilespmem:$0xEB40]  }
0x1e7: {  	v15 =	vld @!p2 [tilespmem:$0xEB50]  }
0x1e8: {  	v16 =	vld @!p2 [tilespmem:$0xEB60]  }
0x1e9: {  	v17 =	vld @!p2 [tilespmem:$0xEB70]  }
0x1ea: {  	v18 =	vld @!p2 [tilespmem:$0x9C00]  }
0x1eb: {  	v19 =	vld @!p2 [tilespmem:$0x9C10]  }
0x1ec: {  	v20 =	vld @!p2 [tilespmem:$0x9C20]  }
0x1ed: {  	v21 =	vld @!p2 [tilespmem:$0x9C30]  }
0x1ee: {  	v22 =	vld @!p2 [tilespmem:$0x9C40]  }
0x1ef: {  	v23 =	vld @!p2 [tilespmem:$0x9C50]  }
0x1f0: {  	s2 =	simm.s32 @!p2 $0xEB80;
	v24 =	vld @!p2 [tilespmem:$0x9C60]  }
0x1f1: {  	v2 =	vld.idx.msk @!p2 [tilespmem:v2+s2+$0x0], $0xffff  }
0x1f2: {  	v3 =	vld.idx.msk @!p2 [tilespmem:v3+s2+$0x0], $0xffff  }
0x1f3: {  	v4 =	vld.idx.msk @!p2 [tilespmem:v4+s2+$0x0], $0xffff  }
0x1f4: {  	v5 =	vld.idx.msk @!p2 [tilespmem:v5+s2+$0x0], $0xffff  }
0x1f5: {  	v6 =	vld.idx.msk @!p2 [tilespmem:v6+s2+$0x0], $0xffff  }
0x1f6: {  	v7 =	vld.idx.msk @!p2 [tilespmem:v7+s2+$0x0], $0xffff  }
0x1f7: {  	v8 =	vld.idx.msk @!p2 [tilespmem:v8+s2+$0x0], $0xffff  }
0x1f8: {  	v9 =	vld.idx.msk @!p2 [tilespmem:v9+s2+$0x0], $0xffff;
	v2 =	vmul.f32 @!p2 v10, v2  }
0x1f9: {  	s2 =	simm.s32 @!p2 $0x11380;
	v10 =	vld @!p2 [tilespmem:$0x9C70];
	v3 =	vmul.f32 @!p2 v11, v3  }
0x1fa: {  	v4 =	vmul.f32 @!p2 v12, v4;
	[tilespmem:v18+s2+$0x0] =	vst.idx.add.f32.msk @!p2 $0xffff, v2  }
0x1fb: {  	v2 =	vmul.f32 @!p2 v13, v5;
	[tilespmem:v19+s2+$0x0] =	vst.idx.add.f32.msk @!p2 $0xffff, v3  }
0x1fc: {  	v3 =	vmul.f32 @!p2 v14, v6;
	[tilespmem:v20+s2+$0x0] =	vst.idx.add.f32.msk @!p2 $0xffff, v4  }
0x1fd: {  	v4 =	vmul.f32 @!p2 v15, v7;
	[tilespmem:v21+s2+$0x0] =	vst.idx.add.f32.msk @!p2 $0xffff, v2  }
0x1fe: {  	v2 =	vmul.f32 @!p2 v16, v8;
	[tilespmem:v22+s2+$0x0] =	vst.idx.add.f32.msk @!p2 $0xffff, v3  }
0x1ff: {  	v3 =	vmul.f32 @!p2 v17, v9;
	[tilespmem:v23+s2+$0x0] =	vst.idx.add.f32.msk @!p2 $0xffff, v4  }
0x200: {  	[tilespmem:v24+s2+$0x0] =	vst.idx.add.f32.msk @!p2 $0xffff, v2  }
0x201: {  	s26 =	simm.s32 $0x80;
	s8 =	simm.s32 $0x400;
	[tilespmem:v10+s2+$0x0] =	vst.idx.add.f32.msk @!p2 $0xffff, v3  }
0x202: {  	[spmem:s10] =	stream.strided.scatter [tilespmem:s7], [sflag:$0x6], $0x2800, s8, s26, $0x38;
	[tilespmem:$0x1DD00] =	vst v63  }
0x203: {  	_ =	swait.ge [sflag:s29], $0x2800  }
0x204: {  	[sflag:s29] =	ssyncset.done $0x0  }
0x205: {  	[sflag:s29] =	ssyncadd.s32 $0xFFFFD800  }
0x206: {  	s9 =	simm.s32 $0x1400;
	s13 =	simm.s32 $0x14000;
	[bflag:$0x0] =	sbarrier.arrive $0xFFFF  }
0x207: {  	[tilespmem:s17], [sflag:$0x6] =	stream.strided.gather [spmem:s11], $0x2800, s13, s9, $0x38;
	[tilespmem:$0x1DD00] =	vst v63  }
0x208: {  	s24 =	simm.s32 $0x0;
	_ =	swait.ge [sflag:s29], $0x2800  }
0x209: {  	s2 =	sand.u32 $0x1C00, s24;
	[sflag:s29] =	ssyncset.done $0x0  }
0x20a: {  	s8 =	sand.u32 $0x60, s24;
	s9 =	sadd.s32 $0x13B80, s2;
	[sflag:s29] =	ssyncadd.s32 $0xFFFFD800  }
0x20b: {  	s16 =	sor.u32 $0x10, s8;
	s13 =	sor.u32 s8, s9;
	[bflag:$0x0] =	sbarrier.arrive $0xFFFF  }
0x20c: {  	s9 =	sor.u32 s16, s9;
	v2 =	vld [tilespmem:s13+$0x0]  }
0x20d: {  	v3 =	vld [tilespmem:s9+$0x0]  }
0x20e: {  	v4 =	vld [tilespmem:s13+$0x80]  }
0x20f: {  	v5 =	vld [tilespmem:s9+$0x80]  }
0x210: {  	v6 =	vld [tilespmem:s13+$0x100]  }
0x211: {  	v7 =	vld [tilespmem:s9+$0x100]  }
0x212: {  	v8 =	vld [tilespmem:s13+$0x180]  }
0x213: {  	v9 =	vld [tilespmem:s9+$0x180]  }
0x214: {  	v10 =	vld [tilespmem:s13+$0x200]  }
0x215: {  	v11 =	vld [tilespmem:s9+$0x200]  }
0x216: {  	v49 =	vld [tilespmem:s13+$0x280]  }
0x217: {  	v50 =	vld [tilespmem:s9+$0x280]  }
0x218: {  	v51 =	vld [tilespmem:s13+$0x300]  }
0x219: {  	v52 =	vld [tilespmem:s9+$0x300]  }
0x21a: {  	s14 =	sadd.s32 $0x14F80, s2;
	v53 =	vld [tilespmem:s13+$0x380]  }
0x21b: {  	s15 =	sor.u32 s8, s14;
	v54 =	vld [tilespmem:s9+$0x380]  }
0x21c: {  	s21 =	sadd.s32 $0x15000, s2;
	s20 =	sor.u32 s16, s14;
	v55 =	vld [tilespmem:s15+$0x0]  }
0x21d: {  	s22 =	sor.u32 s8, s21;
	v56 =	vld [tilespmem:s20+$0x0]  }
0x21e: {  	s26 =	sadd.s32 $0x15080, s2;
	s23 =	sor.u32 s16, s21;
	v57 =	vld [tilespmem:s22+$0x0]  }
0x21f: {  	s14 =	sor.u32 s8, s26;
	v58 =	vld [tilespmem:s23+$0x0]  }
0x220: {  	v59 =	vld [tilespmem:s14+$0x0];
	s15 =	sor.u32 s16, s26;
	s20 =	sadd.s32 $0x15100, s2  }
0x221: {  	v60 =	vld [tilespmem:s15+$0x0];
	s21 =	sor.u32 s8, s20  }
0x222: {  	s23 =	sadd.s32 $0x15180, s2;
	s22 =	sor.u32 s16, s20;
	v61 =	vld [tilespmem:s21+$0x0]  }
0x223: {  	s26 =	sor.u32 s8, s23;
	v62 =	vld [tilespmem:s22+$0x0]  }
0x224: {  	s14 =	sadd.s32 $0x15200, s2;
	s13 =	sor.u32 s16, s23;
	v26 =	vld [tilespmem:s26+$0x0]  }
0x225: {  	s15 =	sor.u32 s8, s14;
	v27 =	vld [tilespmem:s13+$0x0]  }
0x226: {  	s20 =	sor.u32 s16, s14;
	v28 =	vld [tilespmem:s15+$0x0];
	s21 =	sadd.s32 $0x15280, s2  }
0x227: {  	v29 =	vld [tilespmem:s20+$0x0];
	s22 =	sor.u32 s8, s21  }
0x228: {  	s26 =	sadd.s32 $0x15300, s2;
	s15 =	simm.s32 $0x100;
	s23 =	sor.u32 s16, s21;
	v30 =	vld [tilespmem:s22+$0x0]  }
0x229: {  	s20 =	simm.s32 $0x20;
	s2 =	sand.u32 $0x1C00, s15;
	s21 =	sor.u32 s8, s26;
	v31 =	vld [tilespmem:s23+$0x0]  }
0x22a: {  	s8 =	sand.u32 $0x60, s20;
	s14 =	sadd.s32 $0x13B80, s2;
	v32 =	vld [tilespmem:s21+$0x0];
	s22 =	sor.u32 s16, s26  }
0x22b: {  	s21 =	sor.u32 $0x10, s8;
	s23 =	sor.u32 s8, s14;
	v33 =	vld [tilespmem:s22+$0x0]  }
0x22c: {  	s26 =	sor.u32 s21, s14;
	v2 =	vadd.f32 v4, v2;
	v34 =	vld [tilespmem:s23+$0x0]  }
0x22d: {  	v3 =	vadd.f32 v5, v3;
	v4 =	vld [tilespmem:s26+$0x0]  }
0x22e: {  	v5 =	vld [tilespmem:s23+$0x80];
	v2 =	vadd.f32 v6, v2  }
0x22f: {  	v3 =	vadd.f32 v7, v3;
	v6 =	vld [tilespmem:s26+$0x80]  }
0x230: {  	v7 =	vld [tilespmem:s23+$0x100];
	v2 =	vadd.f32 v8, v2  }
0x231: {  	v3 =	vadd.f32 v9, v3;
	v8 =	vld [tilespmem:s26+$0x100]  }
0x232: {  	v9 =	vld [tilespmem:s23+$0x180];
	v2 =	vadd.f32 v10, v2  }
0x233: {  	v3 =	vadd.f32 v11, v3;
	v10 =	vld [tilespmem:s26+$0x180];
	v5 =	vadd.f32 v5, v34  }
0x234: {  	v4 =	vadd.f32 v6, v4;
	v6 =	vld [tilespmem:s23+$0x200];
	v2 =	vadd.f32 v49, v2  }
0x235: {  	v11 =	vld [tilespmem:s26+$0x200];
	v3 =	vadd.f32 v50, v3;
	v5 =	vadd.f32 v7, v5  }
0x236: {  	v7 =	vld [tilespmem:s23+$0x280];
	v4 =	vadd.f32 v8, v4;
	v2 =	vadd.f32 v51, v2  }
0x237: {  	v8 =	vld [tilespmem:s26+$0x280];
	v3 =	vadd.f32 v52, v3;
	v5 =	vadd.f32 v9, v5  }
0x238: {  	v9 =	vld [tilespmem:s23+$0x300];
	v4 =	vadd.f32 v10, v4;
	v2 =	vadd.f32 v53, v2  }
0x239: {  	v10 =	vld [tilespmem:s26+$0x300];
	v3 =	vadd.f32 v54, v3;
	v5 =	vadd.f32 v6, v5  }
0x23a: {  	s14 =	sadd.s32 $0x14F80, s2;
	v6 =	vld [tilespmem:s23+$0x380];
	v4 =	vadd.f32 v11, v4;
	v2 =	vadd.f32 v55, v2  }
0x23b: {  	s15 =	sor.u32 s8, s14;
	v11 =	vld [tilespmem:s26+$0x380];
	v3 =	vadd.f32 v56, v3;
	v5 =	vadd.f32 v7, v5  }
0x23c: {  	s22 =	sor.u32 s21, s14;
	s23 =	sadd.s32 $0x15000, s2;
	v7 =	vld [tilespmem:s15+$0x0];
	v4 =	vadd.f32 v8, v4;
	v2 =	vadd.f32 v57, v2  }
0x23d: {  	s26 =	sor.u32 s8, s23;
	v8 =	vld [tilespmem:s22+$0x0];
	v3 =	vadd.f32 v58, v3;
	v5 =	vadd.f32 v9, v5  }
0x23e: {  	s14 =	sadd.s32 $0x15080, s2;
	s13 =	sor.u32 s21, s23;
	v9 =	vld [tilespmem:s26+$0x0];
	v4 =	vadd.f32 v10, v4;
	v2 =	vadd.f32 v59, v2  }
0x23f: {  	s15 =	sor.u32 s8, s14;
	v10 =	vld [tilespmem:s13+$0x0];
	v3 =	vadd.f32 v60, v3;
	v5 =	vadd.f32 v6, v5  }
0x240: {  	s23 =	sadd.s32 $0x15100, s2;
	s22 =	sor.u32 s21, s14;
	v6 =	vld [tilespmem:s15+$0x0];
	v4 =	vadd.f32 v11, v4;
	v2 =	vadd.f32 v61, v2  }
0x241: {  	s26 =	sor.u32 s8, s23;
	v11 =	vld [tilespmem:s22+$0x0];
	v3 =	vadd.f32 v62, v3;
	v5 =	vadd.f32 v7, v5  }
0x242: {  	s14 =	sadd.s32 $0x15180, s2;
	s13 =	sor.u32 s21, s23;
	v7 =	vld [tilespmem:s26+$0x0];
	v4 =	vadd.f32 v8, v4;
	v2 =	vadd.f32 v26, v2  }
0x243: {  	s15 =	sor.u32 s8, s14;
	v8 =	vld [tilespmem:s13+$0x0];
	v3 =	vadd.f32 v27, v3;
	v5 =	vadd.f32 v9, v5  }
0x244: {  	s23 =	sadd.s32 $0x15200, s2;
	s22 =	sor.u32 s21, s14;
	v9 =	vld [tilespmem:s15+$0x0];
	v4 =	vadd.f32 v10, v4;
	v2 =	vadd.f32 v28, v2  }
0x245: {  	s26 =	sor.u32 s8, s23;
	v10 =	vld [tilespmem:s22+$0x0];
	v3 =	vadd.f32 v29, v3;
	v5 =	vadd.f32 v6, v5  }
0x246: {  	s14 =	sadd.s32 $0x15280, s2;
	s13 =	sor.u32 s21, s23;
	v6 =	vld [tilespmem:s26+$0x0];
	v4 =	vadd.f32 v11, v4;
	v11 =	vadd.f32 v30, v2  }
0x247: {  	s23 =	simm.s32 $0x16880;
	v63 =	vld [tilespmem:s13+$0x0];
	s15 =	sor.u32 s8, s14;
	s13 =	sadd.s32 $0x15300, s2;
	v3 =	vadd.f32 v31, v3;
	v5 =	vadd.f32 v7, v5  }
0x248: {  	s2 =	simm.s32 $0x200;
	s22 =	simm.s32 $0x40;
	s26 =	sor.u32 s21, s14;
	v2 =	vld [tilespmem:s15+$0x0];
	v7 =	vadd.f32 v8, v4;
	v8 =	vadd.f32 v32, v11  }
0x249: {  	s8 =	sor.u32 s8, s13;
	s14 =	sand.u32 $0x380, s24;
	s24 =	sand.u32 $0x1C00, s2;
	v11 =	vadd.f32 v33, v3;
	v3 =	vld [tilespmem:s26+$0x0];
	v9 =	vadd.f32 v9, v5  }
0x24a: {  	s13 =	sor.u32 s21, s13;
	s15 =	sadd.s32 $0x13B80, s24;
	v4 =	vld [tilespmem:s8+$0x0];
	s26 =	sand.u32 $0x60, s22;
	v7 =	vadd.f32 v10, v7  }
0x24b: {  	s16 =	sor.u32 s16, s14;
	v5 =	vld [tilespmem:s13+$0x0];
	s9 =	sor.u32 s26, s15;
	s8 =	sor.u32 $0x10, s26;
	[tilespmem:s23+$0x0] =	vst v8;
	v6 =	vadd.f32 v6, v9  }
0x24c: {  	v8 =	vld [tilespmem:s9+$0x0];
	s13 =	sor.u32 s8, s15;
	[tilespmem:s16+$0x16880] =	vst v11;
	s16 =	simm.s32 $0x60;
	v7 =	vadd.f32 v63, v7  }
.LBB2_13:
0x24d: {  	p3 =	sne.s32 s16, $0x260;
	v9 =	vld [tilespmem:s13+$0x0];
	v2 =	vadd.f32 v2, v6  }
0x24e: {  	v6 =	vld [tilespmem:s9+$0x80];
	v3 =	vadd.f32 v3, v7  }
0x24f: {  	v7 =	vld [tilespmem:s13+$0x80];
	v2 =	vadd.f32 v4, v2  }
0x250: {  	s14 =	sand.u32 $0x380, s20;
	s23 =	sadd.s32 $0x20, s23;
	s20 =	smov.u32 s22;
	v4 =	vld [tilespmem:s9+$0x100];
	v3 =	vadd.f32 v5, v3  }
0x251: {  	s22 =	smov.u32 s16;
	s14 =	sor.u32 s21, s14;
	s21 =	smov.u32 s8;
	v5 =	vld [tilespmem:s13+$0x100];
	[tilespmem:s23+$0x0] =	vst v2  }
0x252: {  	v2 =	vld [tilespmem:s9+$0x180];
	[tilespmem:s14+$0x16880] =	vst v3  }
0x253: {  	v3 =	vadd.f32 v6, v8;
	v6 =	vld [tilespmem:s13+$0x180]  }
0x254: {  	v7 =	vadd.f32 v7, v9;
	v8 =	vld [tilespmem:s9+$0x200]  }
0x255: {  	v3 =	vadd.f32 v4, v3;
	v4 =	vld [tilespmem:s13+$0x200]  }
0x256: {  	v5 =	vadd.f32 v5, v7;
	v7 =	vld [tilespmem:s9+$0x280]  }
0x257: {  	v2 =	vadd.f32 v2, v3;
	v3 =	vld [tilespmem:s13+$0x280]  }
0x258: {  	v5 =	vadd.f32 v6, v5;
	v6 =	vld [tilespmem:s9+$0x300]  }
0x259: {  	v2 =	vadd.f32 v8, v2;
	v8 =	vld [tilespmem:s13+$0x300]  }
0x25a: {  	s8 =	sadd.s32 $0x14F80, s24;
	v4 =	vadd.f32 v4, v5;
	v5 =	vld [tilespmem:s9+$0x380]  }
0x25b: {  	s9 =	sor.u32 s26, s8;
	v2 =	vadd.f32 v7, v2;
	v7 =	vld [tilespmem:s13+$0x380]  }
0x25c: {  	s8 =	sor.u32 s21, s8;
	v3 =	vadd.f32 v3, v4;
	v4 =	vld [tilespmem:s9+$0x0];
	s9 =	sadd.s32 $0x15000, s24  }
0x25d: {  	v2 =	vadd.f32 v6, v2;
	v6 =	vld [tilespmem:s8+$0x0];
	s8 =	sor.u32 s26, s9  }
0x25e: {  	v3 =	vadd.f32 v8, v3;
	v8 =	vld [tilespmem:s8+$0x0];
	s8 =	sor.u32 s21, s9;
	s9 =	sadd.s32 $0x15080, s24  }
0x25f: {  	v2 =	vadd.f32 v5, v2;
	v5 =	vld [tilespmem:s8+$0x0];
	s8 =	sor.u32 s26, s9  }
0x260: {  	v3 =	vadd.f32 v7, v3;
	v7 =	vld [tilespmem:s8+$0x0];
	s8 =	sor.u32 s21, s9;
	s9 =	sadd.s32 $0x15100, s24  }
0x261: {  	v2 =	vadd.f32 v4, v2;
	v4 =	vld [tilespmem:s8+$0x0];
	s8 =	sor.u32 s26, s9  }
0x262: {  	v3 =	vadd.f32 v6, v3;
	v6 =	vld [tilespmem:s8+$0x0];
	s8 =	sor.u32 s21, s9;
	s9 =	sadd.s32 $0x15180, s24  }
0x263: {  	v2 =	vadd.f32 v8, v2;
	v8 =	vld [tilespmem:s8+$0x0];
	s8 =	sor.u32 s26, s9  }
0x264: {  	v3 =	vadd.f32 v5, v3;
	v5 =	vld [tilespmem:s8+$0x0];
	s8 =	sor.u32 s21, s9;
	s9 =	sadd.s32 $0x15200, s24  }
0x265: {  	v2 =	vadd.f32 v7, v2;
	v7 =	vld [tilespmem:s8+$0x0];
	s8 =	sor.u32 s26, s9  }
0x266: {  	v3 =	vadd.f32 v4, v3;
	v9 =	vld [tilespmem:s8+$0x0];
	s8 =	sor.u32 s21, s9;
	s9 =	sadd.s32 $0x15280, s24  }
0x267: {  	s2 =	sadd.s32 $0x100, s2;
	v4 =	vadd.f32 v6, v2;
	v10 =	vld [tilespmem:s8+$0x0];
	s8 =	sor.u32 s26, s9  }
.Ltmp8:
0x268: {  	v6 =	vadd.f32 v8, v3;
	v2 =	vld [tilespmem:s8+$0x0];
	s8 =	sor.u32 s21, s9;
	s9 =	sadd.s32 $0x15300, s24;
	(pc) =	sbr.rel @p3 .LBB2_13-.Ltmp8, $4  }
0x269: {  	s24 =	sand.u32 $0x1C00, s2;
	v5 =	vadd.f32 v5, v4;
	v3 =	vld [tilespmem:s8+$0x0];
	s8 =	sor.u32 s26, s9  }
0x26a: {  	s26 =	sand.u32 $0x60, s16;
	s13 =	sadd.s32 $0x13B80, s24;
	s14 =	sor.u32 s21, s9;
	v7 =	vadd.f32 v7, v6;
	v4 =	vld [tilespmem:s8+$0x0]  }
0x26b: {  	s9 =	sor.u32 s26, s13;
	s8 =	sor.u32 $0x10, s26;
	v6 =	vadd.f32 v9, v5;
	v5 =	vld [tilespmem:s14+$0x0]  }
0x26c: {  	s16 =	sadd.s32 $0x20, s16;
	s13 =	sor.u32 s8, s13;
	v8 =	vld [tilespmem:s9+$0x0];
	v7 =	vadd.f32 v10, v7  }
0x26d: {  	v9 =	vld [tilespmem:s13+$0x0]  }
0x26e: {  	v10 =	vld [tilespmem:s9+$0x80]  }
0x26f: {  	v11 =	vld [tilespmem:s13+$0x80]  }
0x270: {  	v12 =	vld [tilespmem:s9+$0x100]  }
0x271: {  	v13 =	vld [tilespmem:s13+$0x100]  }
0x272: {  	v14 =	vld [tilespmem:s9+$0x180]  }
0x273: {  	v37 =	vld [tilespmem:s13+$0x180];
	v8 =	vadd.f32 v10, v8  }
0x274: {  	v38 =	vld [tilespmem:s9+$0x200];
	v9 =	vadd.f32 v11, v9  }
0x275: {  	v39 =	vld [tilespmem:s13+$0x200];
	v8 =	vadd.f32 v12, v8  }
0x276: {  	v40 =	vld [tilespmem:s9+$0x280];
	v9 =	vadd.f32 v13, v9  }
0x277: {  	v41 =	vld [tilespmem:s13+$0x280];
	v8 =	vadd.f32 v14, v8  }
0x278: {  	v42 =	vld [tilespmem:s9+$0x300];
	v9 =	vadd.f32 v37, v9  }
0x279: {  	v43 =	vld [tilespmem:s13+$0x300];
	v8 =	vadd.f32 v38, v8  }
0x27a: {  	v44 =	vld [tilespmem:s9+$0x380];
	s2 =	sadd.s32 $0x14F80, s24;
	v9 =	vadd.f32 v39, v9  }
0x27b: {  	v45 =	vld [tilespmem:s13+$0x380];
	s16 =	sor.u32 s26, s2;
	v8 =	vadd.f32 v40, v8  }
0x27c: {  	s13 =	sadd.s32 $0x15000, s24;
	s2 =	sor.u32 s8, s2;
	v46 =	vld [tilespmem:s16+$0x0];
	v9 =	vadd.f32 v41, v9  }
0x27d: {  	s14 =	sor.u32 s26, s13;
	v47 =	vld [tilespmem:s2+$0x0];
	v8 =	vadd.f32 v42, v8  }
0x27e: {  	s15 =	sor.u32 s8, s13;
	v48 =	vld [tilespmem:s14+$0x0];
	s16 =	sadd.s32 $0x15080, s24;
	v9 =	vadd.f32 v43, v9  }
0x27f: {  	v49 =	vld [tilespmem:s15+$0x0];
	s13 =	sor.u32 s26, s16;
	v8 =	vadd.f32 v44, v8  }
0x280: {  	s15 =	sadd.s32 $0x15100, s24;
	s14 =	sor.u32 s8, s16;
	v50 =	vld [tilespmem:s13+$0x0];
	v9 =	vadd.f32 v45, v9  }
0x281: {  	s16 =	sor.u32 s26, s15;
	v51 =	vld [tilespmem:s14+$0x0];
	v8 =	vadd.f32 v46, v8  }
0x282: {  	s9 =	sor.u32 s8, s15;
	v52 =	vld [tilespmem:s16+$0x0];
	s13 =	sadd.s32 $0x15180, s24;
	v9 =	vadd.f32 v47, v9  }
0x283: {  	v53 =	vld [tilespmem:s9+$0x0];
	s14 =	sor.u32 s26, s13;
	v8 =	vadd.f32 v48, v8  }
0x284: {  	s16 =	sadd.s32 $0x15200, s24;
	s15 =	sor.u32 s8, s13;
	v54 =	vld [tilespmem:s14+$0x0];
	v9 =	vadd.f32 v49, v9  }
0x285: {  	s13 =	sor.u32 s26, s16;
	v55 =	vld [tilespmem:s15+$0x0];
	v8 =	vadd.f32 v50, v8  }
0x286: {  	v56 =	vld [tilespmem:s13+$0x0];
	s14 =	sor.u32 s8, s16;
	s15 =	sadd.s32 $0x15280, s24;
	v9 =	vadd.f32 v51, v9  }
0x287: {  	v57 =	vld [tilespmem:s14+$0x0];
	s16 =	sor.u32 s26, s15;
	v8 =	vadd.f32 v52, v8  }
0x288: {  	s13 =	sadd.s32 $0x15300, s24;
	s9 =	sor.u32 s8, s15;
	v58 =	vld [tilespmem:s16+$0x0];
	v9 =	vadd.f32 v53, v9  }
0x289: {  	s14 =	sor.u32 s26, s13;
	v59 =	vld [tilespmem:s9+$0x0];
	v8 =	vadd.f32 v54, v8  }
0x28a: {  	s15 =	sor.u32 s8, s13;
	v60 =	vld [tilespmem:s14+$0x0];
	v9 =	vadd.f32 v55, v9  }
0x28b: {  	v2 =	vadd.f32 v2, v6;
	v62 =	vld [tilespmem:s15+$0x0];
	v61 =	vadd.f32 v56, v8  }
0x28c: {  	v3 =	vadd.f32 v3, v7;
	v63 =	vadd.f32 v57, v9  }
0x28d: {  	v2 =	vadd.f32 v4, v2;
	v4 =	vadd.f32 v58, v61  }
0x28e: {  	v3 =	vadd.f32 v5, v3;
	s16 =	sand.u32 $0x380, s20;
	s20 =	sadd.s32 $0x20, s23;
	v5 =	vadd.f32 v59, v63  }
0x28f: {  	[tilespmem:s20+$0x0] =	vst v2;
	s2 =	sor.u32 s21, s16;
	v2 =	vadd.f32 v60, v4  }
0x290: {  	s22 =	sand.u32 $0x380, s22;
	s9 =	sadd.s32 $0x20, s20;
	[tilespmem:s2+$0x16880] =	vst v3;
	v3 =	vadd.f32 v62, v5  }
0x291: {  	s2 =	sor.u32 s8, s22;
	[tilespmem:s9+$0x0] =	vst v2  }
0x292: {  	[tilespmem:s2+$0x16880] =	vst v3  }
0x293: {  	s26 =	simm.s32 $0x16880;
	s23 =	simm.s32 $0x0;
	s24 =	rddreg [dreg:$0xd]  }
0x294: {  	[hbm4b:s24+s23] =	stream.linear.scatter [tilespmem:s26], [sflag:$0x6], $0x280, $0x38;
	[tilespmem:$0x1DD00] =	vst v63  }
0x295: {  	_ =	swait.ge [sflag:s29], $0x280  }
0x296: {  	[sflag:s29] =	ssyncset.done $0x0  }
0x297: {  	s8 =	simm.s32 $0x0;
	[sflag:s29] =	ssyncadd.s32 $0xFFFFFD80  }
0x298: {  	v2 =	vld [tilespmem:s8+$0x16600];
	_ =	sdelay $0x4  }
0x299: {  	v2 =	vmax.f32 v2, $1.000000000e+00  }
0x29a: {  	(erf) = vrcp.f32 v2;
	_ =	sdelay $0x1  }
0x29b: {  	s2 =	simm.s32 $0x10  }
0x29c: {  	v2 =	vld [tilespmem:s2+$0x16600];
	_ =	sdelay $0x4  }
0x29d: {  	s9 =	simm.s32 $0x20;
	v3 =	vld [tilespmem:s8+$0x16880];
	v4 =	vmax.f32 v2, $1.000000000e+00  }
0x29e: {  	v2 =	vld [tilespmem:s9+$0x16600];
	v5 =	vpop (erf);
	(erf) = vrcp.f32 v4;
	_ =	sdelay $0x3  }
0x29f: {  	s13 =	simm.s32 $0xC0;
	v3 =	vmul.f32 v5, v3  }
.LBB2_15:
0x2a0: {  	s14 =	sshra.s32 s13, $0x2;
	p3 =	sne.s32 s13, $0x9C0;
	s13 =	sadd.s32 $0x40, s13;
	v4 =	vmax.f32 v2, $1.000000000e+00;
	v5 =	vld [tilespmem:s2+$0x16880]  }
.Ltmp9:
0x2a1: {  	v2 =	vld [tilespmem:s14+$0x16600];
	(erf) = vrcp.f32 v4;
	[tilespmem:s8+$0x16B00] =	vst v3;
	s8 =	smov.u32 s2;
	s2 =	smov.u32 s9;
	(pc) =	sbr.rel @p3 .LBB2_15-.Ltmp9, $3  }
0x2a2: {  	s9 =	smov.u32 s14;
	_ =	sdelay $0x1  }
0x2a3: {  	v3 =	vpop (erf)  }
0x2a4: {  	v3 =	vmul.f32 v3, v5  }
0x2a5: {  	v2 =	vmax.f32 v2, $1.000000000e+00  }
0x2a6: {  	(erf) = vrcp.f32 v2;
	_ =	sdelay $0x3  }
0x2a7: {  	v2 =	vld [tilespmem:s2+$0x16880];
	[tilespmem:s8+$0x16B00] =	vst v3  }
0x2a8: {  	v3 =	vld [tilespmem:s9+$0x16880];
	_ =	sdelay $0x2  }
0x2a9: {  	v4 =	vpop (erf)  }
0x2aa: {  	v2 =	vmul.f32 v4, v2;
	v4 =	vpop (erf)  }
0x2ab: {  	v3 =	vmul.f32 v4, v3  }
0x2ac: {  	[tilespmem:s2+$0x16B00] =	vst v2  }
0x2ad: {  	s22 =	simm.s32 $0x16B00;
	[tilespmem:s9+$0x16B00] =	vst v3  }
0x2ae: {  	[spmem:s12] =	stream.linear.scatter [tilespmem:s22], [sflag:$0x6], $0x280, $0x38;
	[tilespmem:$0x1DD00] =	vst v63  }
0x2af: {  	_ =	swait.ge [sflag:s29], $0x280  }
0x2b0: {  	[sflag:s29] =	ssyncset.done $0x0  }
0x2b1: {  	[sflag:s29] =	ssyncadd.s32 $0xFFFFFD80  }
0x2b2: {  	[bflag:$0x0] =	sbarrier.arrive $0xFFFF  }
0x2b3: {  	s23 =	rddreg [dreg:$0x6]  }
0x2b4: {  	[tilespmem:s18], [sflag:$0x6] =	stream.linear.gather [spmem:s23], $0x2800, $0x38;
	[tilespmem:$0x1DD00] =	vst v63  }
0x2b5: {  	_ =	swait.ge [sflag:s29], $0x2800  }
0x2b6: {  	[sflag:s29] =	ssyncset.done $0x0  }
0x2b7: {  	[sflag:s29] =	ssyncadd.s32 $0xFFFFD800  }
0x2b8: {  	s24 =	rddreg [dreg:$0x4]  }
0x2b9: {  	[tilespmem:s7], [sflag:$0x6] =	stream.linear.gather [spmem:s24], $0x2800, $0x38;
	[tilespmem:$0x1DD00] =	vst v63  }
0x2ba: {  	_ =	swait.ge [sflag:s29], $0x2800  }
0x2bb: {  	[sflag:s29] =	ssyncset.done $0x0  }
0x2bc: {  	s26 =	simm.s32 $0x0;
	[sflag:s29] =	ssyncadd.s32 $0xFFFFD800  }
0x2bd: {  	v9 =	vld [tilespmem:s26+$0x9D00]  }
0x2be: {  	v7 =	vld [tilespmem:s26+$0x9D10]  }
0x2bf: {  	v8 =	vld [tilespmem:s26+$0x9D20]  }
0x2c0: {  	v6 =	vld [tilespmem:s26+$0x9D30]  }
0x2c1: {  	v5 =	vld [tilespmem:s26+$0x9D40]  }
0x2c2: {  	v4 =	vld [tilespmem:s26+$0x9D50]  }
0x2c3: {  	v3 =	vld [tilespmem:s26+$0x9D60]  }
0x2c4: {  	s2 =	simm.s32 $0x80;
	v2 =	vld [tilespmem:s26+$0x9D70]  }
0x2c5: {  	v17 =	vld [tilespmem:s2+$0xFFFFFF80]  }
0x2c6: {  	v16 =	vld [tilespmem:s2+$0xFFFFFF90]  }
0x2c7: {  	v15 =	vld [tilespmem:s2+$0xFFFFFFA0]  }
0x2c8: {  	v14 =	vld [tilespmem:s2+$0xFFFFFFB0]  }
0x2c9: {  	v13 =	vld [tilespmem:s2+$0xFFFFFFC0]  }
0x2ca: {  	v11 =	vld [tilespmem:s2+$0xFFFFFFD0]  }
0x2cb: {  	v12 =	vld [tilespmem:s2+$0xFFFFFFE0]  }
0x2cc: {  	v10 =	vld [tilespmem:s2+$0xFFFFFFF0]  }
0x2cd: {  	v19 =	vld [tilespmem:s2+$0x0]  }
0x2ce: {  	v20 =	vld [tilespmem:s2+$0x10]  }
0x2cf: {  	v21 =	vld [tilespmem:s2+$0x20]  }
0x2d0: {  	v22 =	vld [tilespmem:s2+$0x30]  }
0x2d1: {  	v23 =	vld [tilespmem:s2+$0x40]  }
0x2d2: {  	v24 =	vld [tilespmem:s2+$0x50]  }
0x2d3: {  	v25 =	vld [tilespmem:s2+$0x60]  }
0x2d4: {  	s8 =	simm.s32 $0x200;
	v18 =	vld [tilespmem:s2+$0x70]  }
.LBB2_17:
0x2d5: {  	p3 =	sne.s32 s8, $0x13600;
	v19 =	vld.idx.msk [tilespmem:v19+s18+$0x0], $0xffff  }
0x2d6: {  	v20 =	vld.idx.msk [tilespmem:v20+s18+$0x0], $0xffff  }
0x2d7: {  	v21 =	vld.idx.msk [tilespmem:v21+s18+$0x0], $0xffff  }
0x2d8: {  	v22 =	vld.idx.msk [tilespmem:v22+s18+$0x0], $0xffff  }
0x2d9: {  	v23 =	vld.idx.msk [tilespmem:v23+s18+$0x0], $0xffff  }
0x2da: {  	v24 =	vld.idx.msk [tilespmem:v24+s18+$0x0], $0xffff  }
0x2db: {  	v9 =	vmul.f32 v9, v19;
	v25 =	vld.idx.msk [tilespmem:v25+s18+$0x0], $0xffff  }
0x2dc: {  	v7 =	vmul.f32 v7, v20;
	v18 =	vld.idx.msk [tilespmem:v18+s18+$0x0], $0xffff  }
0x2dd: {  	v8 =	vmul.f32 v8, v21;
	[tilespmem:v17+s7+$0x0] =	vst.idx.add.f32.msk $0xffff, v9  }
0x2de: {  	v6 =	vmul.f32 v6, v22;
	[tilespmem:v16+s7+$0x0] =	vst.idx.add.f32.msk $0xffff, v7  }
0x2df: {  	v5 =	vmul.f32 v5, v23;
	[tilespmem:v15+s7+$0x0] =	vst.idx.add.f32.msk $0xffff, v8  }
0x2e0: {  	v4 =	vmul.f32 v4, v24;
	[tilespmem:v14+s7+$0x0] =	vst.idx.add.f32.msk $0xffff, v6  }
0x2e1: {  	v3 =	vmul.f32 v3, v25;
	[tilespmem:v13+s7+$0x0] =	vst.idx.add.f32.msk $0xffff, v5  }
0x2e2: {  	v2 =	vmul.f32 v2, v18;
	[tilespmem:v11+s7+$0x0] =	vst.idx.add.f32.msk $0xffff, v4  }
0x2e3: {  	[tilespmem:v12+s7+$0x0] =	vst.idx.add.f32.msk $0xffff, v3  }
0x2e4: {  	s9 =	sshra.s32 s8, $0x2;
	[tilespmem:v10+s7+$0x0] =	vst.idx.add.f32.msk $0xffff, v2  }
0x2e5: {  	v9 =	vld [tilespmem:s9+$0x9D00]  }
0x2e6: {  	v7 =	vld [tilespmem:s9+$0x9D10]  }
0x2e7: {  	v8 =	vld [tilespmem:s9+$0x9D20]  }
0x2e8: {  	v6 =	vld [tilespmem:s9+$0x9D30]  }
0x2e9: {  	v5 =	vld [tilespmem:s9+$0x9D40]  }
0x2ea: {  	v4 =	vld [tilespmem:s9+$0x9D50]  }
0x2eb: {  	v3 =	vld [tilespmem:s9+$0x9D60]  }
0x2ec: {  	s2 =	sadd.s32 $0x100, s2;
	v2 =	vld [tilespmem:s9+$0x9D70]  }
0x2ed: {  	v17 =	vld [tilespmem:s2+$0xFFFFFF80]  }
0x2ee: {  	v16 =	vld [tilespmem:s2+$0xFFFFFF90]  }
0x2ef: {  	v15 =	vld [tilespmem:s2+$0xFFFFFFA0]  }
0x2f0: {  	v14 =	vld [tilespmem:s2+$0xFFFFFFB0]  }
0x2f1: {  	v13 =	vld [tilespmem:s2+$0xFFFFFFC0]  }
0x2f2: {  	v11 =	vld [tilespmem:s2+$0xFFFFFFD0]  }
0x2f3: {  	v12 =	vld [tilespmem:s2+$0xFFFFFFE0]  }
0x2f4: {  	v10 =	vld [tilespmem:s2+$0xFFFFFFF0]  }
0x2f5: {  	v19 =	vld [tilespmem:s2+$0x0]  }
0x2f6: {  	v20 =	vld [tilespmem:s2+$0x10]  }
0x2f7: {  	v21 =	vld [tilespmem:s2+$0x20]  }
.Ltmp10:
0x2f8: {  	v22 =	vld [tilespmem:s2+$0x30];
	(pc) =	sbr.rel @p3 .LBB2_17-.Ltmp10, $4  }
0x2f9: {  	v23 =	vld [tilespmem:s2+$0x40]  }
0x2fa: {  	v24 =	vld [tilespmem:s2+$0x50]  }
0x2fb: {  	v25 =	vld [tilespmem:s2+$0x60]  }
0x2fc: {  	s8 =	sadd.s32 $0x200, s8;
	v18 =	vld [tilespmem:s2+$0x70]  }
0x2fd: {  	_ =	sdelay $0x3  }
0x2fe: {  	v19 =	vld.idx.msk [tilespmem:v19+s18+$0x0], $0xffff  }
0x2ff: {  	v20 =	vld.idx.msk [tilespmem:v20+s18+$0x0], $0xffff  }
0x300: {  	v21 =	vld.idx.msk [tilespmem:v21+s18+$0x0], $0xffff  }
0x301: {  	v22 =	vld.idx.msk [tilespmem:v22+s18+$0x0], $0xffff  }
0x302: {  	v23 =	vld.idx.msk [tilespmem:v23+s18+$0x0], $0xffff  }
0x303: {  	v24 =	vld.idx.msk [tilespmem:v24+s18+$0x0], $0xffff  }
0x304: {  	v25 =	vld.idx.msk [tilespmem:v25+s18+$0x0], $0xffff;
	v9 =	vmul.f32 v9, v19  }
0x305: {  	v18 =	vld.idx.msk [tilespmem:v18+s18+$0x0], $0xffff;
	v7 =	vmul.f32 v7, v20  }
0x306: {  	v8 =	vmul.f32 v8, v21;
	[tilespmem:v17+s7+$0x0] =	vst.idx.add.f32.msk $0xffff, v9  }
0x307: {  	v6 =	vmul.f32 v6, v22;
	[tilespmem:v16+s7+$0x0] =	vst.idx.add.f32.msk $0xffff, v7  }
0x308: {  	v5 =	vmul.f32 v5, v23;
	[tilespmem:v15+s7+$0x0] =	vst.idx.add.f32.msk $0xffff, v8  }
0x309: {  	v4 =	vmul.f32 v4, v24;
	[tilespmem:v14+s7+$0x0] =	vst.idx.add.f32.msk $0xffff, v6  }
0x30a: {  	v3 =	vmul.f32 v3, v25;
	[tilespmem:v13+s7+$0x0] =	vst.idx.add.f32.msk $0xffff, v5  }
0x30b: {  	v2 =	vmul.f32 v2, v18;
	[tilespmem:v11+s7+$0x0] =	vst.idx.add.f32.msk $0xffff, v4  }
0x30c: {  	[tilespmem:v12+s7+$0x0] =	vst.idx.add.f32.msk $0xffff, v3  }
0x30d: {  	[tilespmem:v10+s7+$0x0] =	vst.idx.add.f32.msk $0xffff, v2  }
0x30e: {  	v2 =	vld @!p2 [tilespmem:$0x9C80]  }
0x30f: {  	v3 =	vld @!p2 [tilespmem:$0x9C90]  }
0x310: {  	v4 =	vld @!p2 [tilespmem:$0x9CA0]  }
0x311: {  	v5 =	vld @!p2 [tilespmem:$0x9CB0]  }
0x312: {  	v6 =	vld @!p2 [tilespmem:$0x9CC0]  }
0x313: {  	v7 =	vld @!p2 [tilespmem:$0x9CD0]  }
0x314: {  	v8 =	vld @!p2 [tilespmem:$0x9CE0]  }
0x315: {  	v9 =	vld @!p2 [tilespmem:$0x9CF0]  }
0x316: {  	v10 =	vld @!p2 [tilespmem:$0xEB00]  }
0x317: {  	v11 =	vld @!p2 [tilespmem:$0xEB10]  }
0x318: {  	v12 =	vld @!p2 [tilespmem:$0xEB20]  }
0x319: {  	v13 =	vld @!p2 [tilespmem:$0xEB30]  }
0x31a: {  	v14 =	vld @!p2 [tilespmem:$0xEB40]  }
0x31b: {  	v15 =	vld @!p2 [tilespmem:$0xEB50]  }
0x31c: {  	v16 =	vld @!p2 [tilespmem:$0xEB60]  }
0x31d: {  	v17 =	vld @!p2 [tilespmem:$0xEB70]  }
0x31e: {  	v18 =	vld @!p2 [tilespmem:$0x9C00]  }
0x31f: {  	v19 =	vld @!p2 [tilespmem:$0x9C10]  }
0x320: {  	v20 =	vld @!p2 [tilespmem:$0x9C20]  }
0x321: {  	v21 =	vld @!p2 [tilespmem:$0x9C30]  }
0x322: {  	v22 =	vld @!p2 [tilespmem:$0x9C40]  }
0x323: {  	v23 =	vld @!p2 [tilespmem:$0x9C50]  }
0x324: {  	s2 =	simm.s32 @!p2 $0xEB80;
	v24 =	vld @!p2 [tilespmem:$0x9C60]  }
0x325: {  	v2 =	vld.idx.msk @!p2 [tilespmem:v2+s2+$0x0], $0xffff  }
0x326: {  	v3 =	vld.idx.msk @!p2 [tilespmem:v3+s2+$0x0], $0xffff  }
0x327: {  	v4 =	vld.idx.msk @!p2 [tilespmem:v4+s2+$0x0], $0xffff  }
0x328: {  	v5 =	vld.idx.msk @!p2 [tilespmem:v5+s2+$0x0], $0xffff  }
0x329: {  	v6 =	vld.idx.msk @!p2 [tilespmem:v6+s2+$0x0], $0xffff  }
0x32a: {  	v7 =	vld.idx.msk @!p2 [tilespmem:v7+s2+$0x0], $0xffff  }
0x32b: {  	v8 =	vld.idx.msk @!p2 [tilespmem:v8+s2+$0x0], $0xffff  }
0x32c: {  	v9 =	vld.idx.msk @!p2 [tilespmem:v9+s2+$0x0], $0xffff;
	v2 =	vmul.f32 @!p2 v10, v2  }
0x32d: {  	s2 =	simm.s32 @!p2 $0x11380;
	v10 =	vld @!p2 [tilespmem:$0x9C70];
	v3 =	vmul.f32 @!p2 v11, v3  }
0x32e: {  	v4 =	vmul.f32 @!p2 v12, v4;
	[tilespmem:v18+s2+$0x0] =	vst.idx.add.f32.msk @!p2 $0xffff, v2  }
0x32f: {  	v2 =	vmul.f32 @!p2 v13, v5;
	[tilespmem:v19+s2+$0x0] =	vst.idx.add.f32.msk @!p2 $0xffff, v3  }
0x330: {  	v3 =	vmul.f32 @!p2 v14, v6;
	[tilespmem:v20+s2+$0x0] =	vst.idx.add.f32.msk @!p2 $0xffff, v4  }
0x331: {  	v4 =	vmul.f32 @!p2 v15, v7;
	[tilespmem:v21+s2+$0x0] =	vst.idx.add.f32.msk @!p2 $0xffff, v2  }
0x332: {  	v2 =	vmul.f32 @!p2 v16, v8;
	[tilespmem:v22+s2+$0x0] =	vst.idx.add.f32.msk @!p2 $0xffff, v3  }
0x333: {  	v3 =	vmul.f32 @!p2 v17, v9;
	[tilespmem:v23+s2+$0x0] =	vst.idx.add.f32.msk @!p2 $0xffff, v4  }
0x334: {  	[tilespmem:v24+s2+$0x0] =	vst.idx.add.f32.msk @!p2 $0xffff, v2  }
0x335: {  	s26 =	simm.s32 $0x80;
	s8 =	simm.s32 $0x400;
	[tilespmem:v10+s2+$0x0] =	vst.idx.add.f32.msk @!p2 $0xffff, v3  }
0x336: {  	[spmem:s10] =	stream.strided.scatter [tilespmem:s7], [sflag:$0x6], $0x2800, s8, s26, $0x38;
	[tilespmem:$0x1DD00] =	vst v63  }
0x337: {  	_ =	swait.ge [sflag:s29], $0x2800  }
0x338: {  	[sflag:s29] =	ssyncset.done $0x0  }
0x339: {  	[sflag:s29] =	ssyncadd.s32 $0xFFFFD800  }
0x33a: {  	s9 =	simm.s32 $0x1400;
	s13 =	simm.s32 $0x14000;
	[bflag:$0x0] =	sbarrier.arrive $0xFFFF  }
0x33b: {  	[tilespmem:s17], [sflag:$0x6] =	stream.strided.gather [spmem:s11], $0x2800, s13, s9, $0x38;
	[tilespmem:$0x1DD00] =	vst v63  }
0x33c: {  	s24 =	simm.s32 $0x0;
	_ =	swait.ge [sflag:s29], $0x2800  }
0x33d: {  	s2 =	sand.u32 $0x1C00, s24;
	[sflag:s29] =	ssyncset.done $0x0  }
0x33e: {  	s8 =	sand.u32 $0x60, s24;
	s9 =	sadd.s32 $0x13B80, s2;
	[sflag:s29] =	ssyncadd.s32 $0xFFFFD800  }
0x33f: {  	s16 =	sor.u32 $0x10, s8;
	s13 =	sor.u32 s8, s9;
	[bflag:$0x0] =	sbarrier.arrive $0xFFFF  }
0x340: {  	s9 =	sor.u32 s16, s9;
	v2 =	vld [tilespmem:s13+$0x0]  }
0x341: {  	v3 =	vld [tilespmem:s9+$0x0]  }
0x342: {  	v4 =	vld [tilespmem:s13+$0x80]  }
0x343: {  	v5 =	vld [tilespmem:s9+$0x80]  }
0x344: {  	v6 =	vld [tilespmem:s13+$0x100]  }
0x345: {  	v7 =	vld [tilespmem:s9+$0x100]  }
0x346: {  	v8 =	vld [tilespmem:s13+$0x180]  }
0x347: {  	v9 =	vld [tilespmem:s9+$0x180]  }
0x348: {  	v10 =	vld [tilespmem:s13+$0x200]  }
0x349: {  	v11 =	vld [tilespmem:s9+$0x200]  }
0x34a: {  	v49 =	vld [tilespmem:s13+$0x280]  }
0x34b: {  	v50 =	vld [tilespmem:s9+$0x280]  }
0x34c: {  	v51 =	vld [tilespmem:s13+$0x300]  }
0x34d: {  	v52 =	vld [tilespmem:s9+$0x300]  }
0x34e: {  	s14 =	sadd.s32 $0x14F80, s2;
	v53 =	vld [tilespmem:s13+$0x380]  }
0x34f: {  	s15 =	sor.u32 s8, s14;
	v54 =	vld [tilespmem:s9+$0x380]  }
0x350: {  	s21 =	sadd.s32 $0x15000, s2;
	s20 =	sor.u32 s16, s14;
	v55 =	vld [tilespmem:s15+$0x0]  }
0x351: {  	s22 =	sor.u32 s8, s21;
	v56 =	vld [tilespmem:s20+$0x0]  }
0x352: {  	s26 =	sadd.s32 $0x15080, s2;
	s23 =	sor.u32 s16, s21;
	v57 =	vld [tilespmem:s22+$0x0]  }
0x353: {  	s14 =	sor.u32 s8, s26;
	v58 =	vld [tilespmem:s23+$0x0]  }
0x354: {  	v59 =	vld [tilespmem:s14+$0x0];
	s15 =	sor.u32 s16, s26;
	s20 =	sadd.s32 $0x15100, s2  }
0x355: {  	v60 =	vld [tilespmem:s15+$0x0];
	s21 =	sor.u32 s8, s20  }
0x356: {  	s23 =	sadd.s32 $0x15180, s2;
	s22 =	sor.u32 s16, s20;
	v61 =	vld [tilespmem:s21+$0x0]  }
0x357: {  	s26 =	sor.u32 s8, s23;
	v62 =	vld [tilespmem:s22+$0x0]  }
0x358: {  	s14 =	sadd.s32 $0x15200, s2;
	s13 =	sor.u32 s16, s23;
	v26 =	vld [tilespmem:s26+$0x0]  }
0x359: {  	s15 =	sor.u32 s8, s14;
	v27 =	vld [tilespmem:s13+$0x0]  }
0x35a: {  	s20 =	sor.u32 s16, s14;
	v28 =	vld [tilespmem:s15+$0x0];
	s21 =	sadd.s32 $0x15280, s2  }
0x35b: {  	v29 =	vld [tilespmem:s20+$0x0];
	s22 =	sor.u32 s8, s21  }
0x35c: {  	s26 =	sadd.s32 $0x15300, s2;
	s15 =	simm.s32 $0x100;
	s23 =	sor.u32 s16, s21;
	v30 =	vld [tilespmem:s22+$0x0]  }
0x35d: {  	s20 =	simm.s32 $0x20;
	s2 =	sand.u32 $0x1C00, s15;
	s21 =	sor.u32 s8, s26;
	v31 =	vld [tilespmem:s23+$0x0]  }
0x35e: {  	s8 =	sand.u32 $0x60, s20;
	s14 =	sadd.s32 $0x13B80, s2;
	v32 =	vld [tilespmem:s21+$0x0];
	s22 =	sor.u32 s16, s26  }
0x35f: {  	s21 =	sor.u32 $0x10, s8;
	s23 =	sor.u32 s8, s14;
	v33 =	vld [tilespmem:s22+$0x0]  }
0x360: {  	s26 =	sor.u32 s21, s14;
	v2 =	vadd.f32 v4, v2;
	v34 =	vld [tilespmem:s23+$0x0]  }
0x361: {  	v3 =	vadd.f32 v5, v3;
	v4 =	vld [tilespmem:s26+$0x0]  }
0x362: {  	v5 =	vld [tilespmem:s23+$0x80];
	v2 =	vadd.f32 v6, v2  }
0x363: {  	v3 =	vadd.f32 v7, v3;
	v6 =	vld [tilespmem:s26+$0x80]  }
0x364: {  	v7 =	vld [tilespmem:s23+$0x100];
	v2 =	vadd.f32 v8, v2  }
0x365: {  	v3 =	vadd.f32 v9, v3;
	v8 =	vld [tilespmem:s26+$0x100]  }
0x366: {  	v9 =	vld [tilespmem:s23+$0x180];
	v2 =	vadd.f32 v10, v2  }
0x367: {  	v3 =	vadd.f32 v11, v3;
	v10 =	vld [tilespmem:s26+$0x180];
	v5 =	vadd.f32 v5, v34  }
0x368: {  	v4 =	vadd.f32 v6, v4;
	v6 =	vld [tilespmem:s23+$0x200];
	v2 =	vadd.f32 v49, v2  }
0x369: {  	v11 =	vld [tilespmem:s26+$0x200];
	v3 =	vadd.f32 v50, v3;
	v5 =	vadd.f32 v7, v5  }
0x36a: {  	v7 =	vld [tilespmem:s23+$0x280];
	v4 =	vadd.f32 v8, v4;
	v2 =	vadd.f32 v51, v2  }
0x36b: {  	v8 =	vld [tilespmem:s26+$0x280];
	v3 =	vadd.f32 v52, v3;
	v5 =	vadd.f32 v9, v5  }
0x36c: {  	v9 =	vld [tilespmem:s23+$0x300];
	v4 =	vadd.f32 v10, v4;
	v2 =	vadd.f32 v53, v2  }
0x36d: {  	v10 =	vld [tilespmem:s26+$0x300];
	v3 =	vadd.f32 v54, v3;
	v5 =	vadd.f32 v6, v5  }
0x36e: {  	s14 =	sadd.s32 $0x14F80, s2;
	v6 =	vld [tilespmem:s23+$0x380];
	v4 =	vadd.f32 v11, v4;
	v2 =	vadd.f32 v55, v2  }
0x36f: {  	s15 =	sor.u32 s8, s14;
	v11 =	vld [tilespmem:s26+$0x380];
	v3 =	vadd.f32 v56, v3;
	v5 =	vadd.f32 v7, v5  }
0x370: {  	s22 =	sor.u32 s21, s14;
	s23 =	sadd.s32 $0x15000, s2;
	v7 =	vld [tilespmem:s15+$0x0];
	v4 =	vadd.f32 v8, v4;
	v2 =	vadd.f32 v57, v2  }
0x371: {  	s26 =	sor.u32 s8, s23;
	v8 =	vld [tilespmem:s22+$0x0];
	v3 =	vadd.f32 v58, v3;
	v5 =	vadd.f32 v9, v5  }
0x372: {  	s14 =	sadd.s32 $0x15080, s2;
	s13 =	sor.u32 s21, s23;
	v9 =	vld [tilespmem:s26+$0x0];
	v4 =	vadd.f32 v10, v4;
	v2 =	vadd.f32 v59, v2  }
0x373: {  	s15 =	sor.u32 s8, s14;
	v10 =	vld [tilespmem:s13+$0x0];
	v3 =	vadd.f32 v60, v3;
	v5 =	vadd.f32 v6, v5  }
0x374: {  	s23 =	sadd.s32 $0x15100, s2;
	s22 =	sor.u32 s21, s14;
	v6 =	vld [tilespmem:s15+$0x0];
	v4 =	vadd.f32 v11, v4;
	v2 =	vadd.f32 v61, v2  }
0x375: {  	s26 =	sor.u32 s8, s23;
	v11 =	vld [tilespmem:s22+$0x0];
	v3 =	vadd.f32 v62, v3;
	v5 =	vadd.f32 v7, v5  }
0x376: {  	s14 =	sadd.s32 $0x15180, s2;
	s13 =	sor.u32 s21, s23;
	v7 =	vld [tilespmem:s26+$0x0];
	v4 =	vadd.f32 v8, v4;
	v2 =	vadd.f32 v26, v2  }
0x377: {  	s15 =	sor.u32 s8, s14;
	v8 =	vld [tilespmem:s13+$0x0];
	v3 =	vadd.f32 v27, v3;
	v5 =	vadd.f32 v9, v5  }
0x378: {  	s23 =	sadd.s32 $0x15200, s2;
	s22 =	sor.u32 s21, s14;
	v9 =	vld [tilespmem:s15+$0x0];
	v4 =	vadd.f32 v10, v4;
	v2 =	vadd.f32 v28, v2  }
0x379: {  	s26 =	sor.u32 s8, s23;
	v10 =	vld [tilespmem:s22+$0x0];
	v3 =	vadd.f32 v29, v3;
	v5 =	vadd.f32 v6, v5  }
0x37a: {  	s14 =	sadd.s32 $0x15280, s2;
	s13 =	sor.u32 s21, s23;
	v6 =	vld [tilespmem:s26+$0x0];
	v4 =	vadd.f32 v11, v4;
	v11 =	vadd.f32 v30, v2  }
0x37b: {  	s23 =	simm.s32 $0x16880;
	v63 =	vld [tilespmem:s13+$0x0];
	s15 =	sor.u32 s8, s14;
	s13 =	sadd.s32 $0x15300, s2;
	v3 =	vadd.f32 v31, v3;
	v5 =	vadd.f32 v7, v5  }
0x37c: {  	s2 =	simm.s32 $0x200;
	s22 =	simm.s32 $0x40;
	s26 =	sor.u32 s21, s14;
	v2 =	vld [tilespmem:s15+$0x0];
	v7 =	vadd.f32 v8, v4;
	v8 =	vadd.f32 v32, v11  }
0x37d: {  	s8 =	sor.u32 s8, s13;
	s14 =	sand.u32 $0x380, s24;
	s24 =	sand.u32 $0x1C00, s2;
	v11 =	vadd.f32 v33, v3;
	v3 =	vld [tilespmem:s26+$0x0];
	v9 =	vadd.f32 v9, v5  }
0x37e: {  	s13 =	sor.u32 s21, s13;
	s15 =	sadd.s32 $0x13B80, s24;
	v4 =	vld [tilespmem:s8+$0x0];
	s26 =	sand.u32 $0x60, s22;
	v7 =	vadd.f32 v10, v7  }
0x37f: {  	s16 =	sor.u32 s16, s14;
	v5 =	vld [tilespmem:s13+$0x0];
	s9 =	sor.u32 s26, s15;
	s8 =	sor.u32 $0x10, s26;
	[tilespmem:s23+$0x0] =	vst v8;
	v6 =	vadd.f32 v6, v9  }
0x380: {  	v8 =	vld [tilespmem:s9+$0x0];
	s13 =	sor.u32 s8, s15;
	[tilespmem:s16+$0x16880] =	vst v11;
	s16 =	simm.s32 $0x60;
	v7 =	vadd.f32 v63, v7  }
.LBB2_19:
0x381: {  	p3 =	sne.s32 s16, $0x260;
	v9 =	vld [tilespmem:s13+$0x0];
	v2 =	vadd.f32 v2, v6  }
0x382: {  	v6 =	vld [tilespmem:s9+$0x80];
	v3 =	vadd.f32 v3, v7  }
0x383: {  	v7 =	vld [tilespmem:s13+$0x80];
	v2 =	vadd.f32 v4, v2  }
0x384: {  	s14 =	sand.u32 $0x380, s20;
	s23 =	sadd.s32 $0x20, s23;
	s20 =	smov.u32 s22;
	v4 =	vld [tilespmem:s9+$0x100];
	v3 =	vadd.f32 v5, v3  }
0x385: {  	s22 =	smov.u32 s16;
	s14 =	sor.u32 s21, s14;
	s21 =	smov.u32 s8;
	v5 =	vld [tilespmem:s13+$0x100];
	[tilespmem:s23+$0x0] =	vst v2  }
0x386: {  	v2 =	vld [tilespmem:s9+$0x180];
	[tilespmem:s14+$0x16880] =	vst v3  }
0x387: {  	v3 =	vadd.f32 v6, v8;
	v6 =	vld [tilespmem:s13+$0x180]  }
0x388: {  	v7 =	vadd.f32 v7, v9;
	v8 =	vld [tilespmem:s9+$0x200]  }
0x389: {  	v3 =	vadd.f32 v4, v3;
	v4 =	vld [tilespmem:s13+$0x200]  }
0x38a: {  	v5 =	vadd.f32 v5, v7;
	v7 =	vld [tilespmem:s9+$0x280]  }
0x38b: {  	v2 =	vadd.f32 v2, v3;
	v3 =	vld [tilespmem:s13+$0x280]  }
0x38c: {  	v5 =	vadd.f32 v6, v5;
	v6 =	vld [tilespmem:s9+$0x300]  }
0x38d: {  	v2 =	vadd.f32 v8, v2;
	v8 =	vld [tilespmem:s13+$0x300]  }
0x38e: {  	s8 =	sadd.s32 $0x14F80, s24;
	v4 =	vadd.f32 v4, v5;
	v5 =	vld [tilespmem:s9+$0x380]  }
0x38f: {  	s9 =	sor.u32 s26, s8;
	v2 =	vadd.f32 v7, v2;
	v7 =	vld [tilespmem:s13+$0x380]  }
0x390: {  	s8 =	sor.u32 s21, s8;
	v3 =	vadd.f32 v3, v4;
	v4 =	vld [tilespmem:s9+$0x0];
	s9 =	sadd.s32 $0x15000, s24  }
0x391: {  	v2 =	vadd.f32 v6, v2;
	v6 =	vld [tilespmem:s8+$0x0];
	s8 =	sor.u32 s26, s9  }
0x392: {  	v3 =	vadd.f32 v8, v3;
	v8 =	vld [tilespmem:s8+$0x0];
	s8 =	sor.u32 s21, s9;
	s9 =	sadd.s32 $0x15080, s24  }
0x393: {  	v2 =	vadd.f32 v5, v2;
	v5 =	vld [tilespmem:s8+$0x0];
	s8 =	sor.u32 s26, s9  }
0x394: {  	v3 =	vadd.f32 v7, v3;
	v7 =	vld [tilespmem:s8+$0x0];
	s8 =	sor.u32 s21, s9;
	s9 =	sadd.s32 $0x15100, s24  }
0x395: {  	v2 =	vadd.f32 v4, v2;
	v4 =	vld [tilespmem:s8+$0x0];
	s8 =	sor.u32 s26, s9  }
0x396: {  	v3 =	vadd.f32 v6, v3;
	v6 =	vld [tilespmem:s8+$0x0];
	s8 =	sor.u32 s21, s9;
	s9 =	sadd.s32 $0x15180, s24  }
0x397: {  	v2 =	vadd.f32 v8, v2;
	v8 =	vld [tilespmem:s8+$0x0];
	s8 =	sor.u32 s26, s9  }
0x398: {  	v3 =	vadd.f32 v5, v3;
	v5 =	vld [tilespmem:s8+$0x0];
	s8 =	sor.u32 s21, s9;
	s9 =	sadd.s32 $0x15200, s24  }
0x399: {  	v2 =	vadd.f32 v7, v2;
	v7 =	vld [tilespmem:s8+$0x0];
	s8 =	sor.u32 s26, s9  }
0x39a: {  	v3 =	vadd.f32 v4, v3;
	v9 =	vld [tilespmem:s8+$0x0];
	s8 =	sor.u32 s21, s9;
	s9 =	sadd.s32 $0x15280, s24  }
0x39b: {  	s2 =	sadd.s32 $0x100, s2;
	v4 =	vadd.f32 v6, v2;
	v10 =	vld [tilespmem:s8+$0x0];
	s8 =	sor.u32 s26, s9  }
.Ltmp11:
0x39c: {  	v6 =	vadd.f32 v8, v3;
	v2 =	vld [tilespmem:s8+$0x0];
	s8 =	sor.u32 s21, s9;
	s9 =	sadd.s32 $0x15300, s24;
	(pc) =	sbr.rel @p3 .LBB2_19-.Ltmp11, $4  }
0x39d: {  	s24 =	sand.u32 $0x1C00, s2;
	v5 =	vadd.f32 v5, v4;
	v3 =	vld [tilespmem:s8+$0x0];
	s8 =	sor.u32 s26, s9  }
0x39e: {  	s26 =	sand.u32 $0x60, s16;
	s13 =	sadd.s32 $0x13B80, s24;
	s14 =	sor.u32 s21, s9;
	v7 =	vadd.f32 v7, v6;
	v4 =	vld [tilespmem:s8+$0x0]  }
0x39f: {  	s9 =	sor.u32 s26, s13;
	s8 =	sor.u32 $0x10, s26;
	v6 =	vadd.f32 v9, v5;
	v5 =	vld [tilespmem:s14+$0x0]  }
0x3a0: {  	s16 =	sadd.s32 $0x20, s16;
	s13 =	sor.u32 s8, s13;
	v8 =	vld [tilespmem:s9+$0x0];
	v7 =	vadd.f32 v10, v7  }
0x3a1: {  	v9 =	vld [tilespmem:s13+$0x0]  }
0x3a2: {  	v10 =	vld [tilespmem:s9+$0x80]  }
0x3a3: {  	v11 =	vld [tilespmem:s13+$0x80]  }
0x3a4: {  	v12 =	vld [tilespmem:s9+$0x100]  }
0x3a5: {  	v13 =	vld [tilespmem:s13+$0x100]  }
0x3a6: {  	v14 =	vld [tilespmem:s9+$0x180]  }
0x3a7: {  	v35 =	vld [tilespmem:s13+$0x180];
	v8 =	vadd.f32 v10, v8  }
0x3a8: {  	v36 =	vld [tilespmem:s9+$0x200];
	v9 =	vadd.f32 v11, v9  }
0x3a9: {  	v37 =	vld [tilespmem:s13+$0x200];
	v8 =	vadd.f32 v12, v8  }
0x3aa: {  	v38 =	vld [tilespmem:s9+$0x280];
	v9 =	vadd.f32 v13, v9  }
0x3ab: {  	v39 =	vld [tilespmem:s13+$0x280];
	v8 =	vadd.f32 v14, v8  }
0x3ac: {  	v40 =	vld [tilespmem:s9+$0x300];
	v9 =	vadd.f32 v35, v9  }
0x3ad: {  	v41 =	vld [tilespmem:s13+$0x300];
	v8 =	vadd.f32 v36, v8  }
0x3ae: {  	v42 =	vld [tilespmem:s9+$0x380];
	s2 =	sadd.s32 $0x14F80, s24;
	v9 =	vadd.f32 v37, v9  }
0x3af: {  	v43 =	vld [tilespmem:s13+$0x380];
	s16 =	sor.u32 s26, s2;
	v8 =	vadd.f32 v38, v8  }
0x3b0: {  	s13 =	sadd.s32 $0x15000, s24;
	s2 =	sor.u32 s8, s2;
	v44 =	vld [tilespmem:s16+$0x0];
	v9 =	vadd.f32 v39, v9  }
0x3b1: {  	s14 =	sor.u32 s26, s13;
	v45 =	vld [tilespmem:s2+$0x0];
	v8 =	vadd.f32 v40, v8  }
0x3b2: {  	s15 =	sor.u32 s8, s13;
	v46 =	vld [tilespmem:s14+$0x0];
	s16 =	sadd.s32 $0x15080, s24;
	v9 =	vadd.f32 v41, v9  }
0x3b3: {  	v47 =	vld [tilespmem:s15+$0x0];
	s13 =	sor.u32 s26, s16;
	v8 =	vadd.f32 v42, v8  }
0x3b4: {  	s15 =	sadd.s32 $0x15100, s24;
	s14 =	sor.u32 s8, s16;
	v48 =	vld [tilespmem:s13+$0x0];
	v9 =	vadd.f32 v43, v9  }
0x3b5: {  	s16 =	sor.u32 s26, s15;
	v49 =	vld [tilespmem:s14+$0x0];
	v8 =	vadd.f32 v44, v8  }
0x3b6: {  	s9 =	sor.u32 s8, s15;
	v50 =	vld [tilespmem:s16+$0x0];
	s13 =	sadd.s32 $0x15180, s24;
	v9 =	vadd.f32 v45, v9  }
0x3b7: {  	v51 =	vld [tilespmem:s9+$0x0];
	s14 =	sor.u32 s26, s13;
	v8 =	vadd.f32 v46, v8  }
0x3b8: {  	s16 =	sadd.s32 $0x15200, s24;
	s15 =	sor.u32 s8, s13;
	v52 =	vld [tilespmem:s14+$0x0];
	v9 =	vadd.f32 v47, v9  }
0x3b9: {  	s13 =	sor.u32 s26, s16;
	v53 =	vld [tilespmem:s15+$0x0];
	v8 =	vadd.f32 v48, v8  }
0x3ba: {  	v54 =	vld [tilespmem:s13+$0x0];
	s14 =	sor.u32 s8, s16;
	s15 =	sadd.s32 $0x15280, s24;
	v9 =	vadd.f32 v49, v9  }
0x3bb: {  	v55 =	vld [tilespmem:s14+$0x0];
	s16 =	sor.u32 s26, s15;
	v8 =	vadd.f32 v50, v8  }
0x3bc: {  	s13 =	sor.u32 s8, s15;
	s14 =	sadd.s32 $0x15300, s24;
	v56 =	vld [tilespmem:s16+$0x0];
	v9 =	vadd.f32 v51, v9  }
0x3bd: {  	v57 =	vld [tilespmem:s13+$0x0];
	s15 =	sor.u32 s26, s14;
	v8 =	vadd.f32 v52, v8  }
0x3be: {  	s16 =	sor.u32 s8, s14;
	v58 =	vld [tilespmem:s15+$0x0];
	v9 =	vadd.f32 v53, v9  }
0x3bf: {  	v2 =	vadd.f32 v2, v6;
	v60 =	vld [tilespmem:s16+$0x0];
	v59 =	vadd.f32 v54, v8  }
0x3c0: {  	v3 =	vadd.f32 v3, v7;
	v61 =	vadd.f32 v55, v9  }
0x3c1: {  	v2 =	vadd.f32 v4, v2;
	v62 =	vadd.f32 v56, v59  }
0x3c2: {  	s20 =	sand.u32 $0x380, s20;
	s23 =	sadd.s32 $0x20, s23;
	v3 =	vadd.f32 v5, v3;
	v63 =	vadd.f32 v57, v61  }
0x3c3: {  	s2 =	sor.u32 s21, s20;
	[tilespmem:s23+$0x0] =	vst v2;
	v2 =	vadd.f32 v58, v62  }
0x3c4: {  	s9 =	sadd.s32 $0x20, s23;
	[tilespmem:s2+$0x16880] =	vst v3;
	s24 =	sand.u32 $0x380, s22;
	v3 =	vadd.f32 v60, v63  }
0x3c5: {  	s2 =	sor.u32 s8, s24;
	[tilespmem:s9+$0x0] =	vst v2  }
0x3c6: {  	[tilespmem:s2+$0x16880] =	vst v3  }
.Ltmp12:
0x3c7: {  	s26 =	simm.s32 $0x16880;
	s2 =	rddreg [dreg:$0xe];
	(pc) =	sbr.rel .LBB2_22-.Ltmp12, $4  }
0x3c8: {  	[hbm4b:s2+s4] =	stream.linear.scatter [tilespmem:s26], [sflag:$0x6], $0x280, $0x38;
	[tilespmem:$0x1DD00] =	vst v63  }
0x3c9: {  	_ =	swait.ge [sflag:s29], $0x280  }
0x3ca: {  	[sflag:s29] =	ssyncset.done $0x0  }
0x3cb: {  	[sflag:s29] =	ssyncadd.s32 $0xFFFFFD80  }
.LBB2_23:
0x3cc: {  	_ =	sfence.sel $0x180000  }
0x3cd: {  	[bflag:$0x0] =	sbarrier.arrive $0xFFFF  }
0x3ce: {  	_ =	strace $0x90000047  }
0x3cf: {  	[bflag:$0x2] =	sbarrier.arrive $0xFFFF  }
0x3d0: {  	s0 =	rddreg [dreg:$0x7]  }
0x3d1: {  	s0 =	sadd.s32 @!p1 $0x100000, s0  }
0x3d2: {  	[sflag:s0] =	ssyncadd.tile.s32 @!p1 $0x1;
	_ =	shalt  }
.Lfunc_end2:
_tile_overlayer_lowered:
.L_overlay_start_2:
0x3d3: {  	(tag) =	ssettag $0x2  }
0x3d4: {  	s0 =	rddreg [dreg:$0x0];
	s2 =	stileid.u32  }
0x3d5: {  	s1 =	rddreg [dreg:$0x1];
	p0 =	sne.s32 s2, $0x0  }
0x3d6: {  	s3 =	rddreg [dreg:$0x2];
	[bflag:$0x3] =	sbarrier.arrive $0xFFFF;
	s2 =	simm.s32 @!p0 $0x1C06  }
0x3d7: {  	[timem:s3], [sflag:s2] =	dma.local @!p0 [hbm:s0], s1  }
0x3d8: {  	s0 =	simm.s32 @!p0 $0x6  }
0x3d9: {  	_ =	swait.ge @!p0 [sflag:s0], s1  }
0x3da: {  	s1 =	ssub.s32 @!p0 $0x0, s1;
	[sflag:s0] =	ssyncset.done @!p0 $0x0  }
0x3db: {  	[sflag:s0] =	ssyncadd.s32 @!p0 s1  }
0x3dc: {  	[bflag:$0x3] =	sbarrier.arrive $0xFFFF  }
0x3dd: {  	_ =	shalt  }

</sc_bundles>
